<compile_context>
chip_gen: v7x
topology: tpu7x:2x2x1
jax: 0.10.2.dev20260603
libtpu: 0.0.44.dev20260713+nightly
codegen_flags: <defaults>
</compile_context>

<pallas_src>
import functools

import jax
import jax.numpy as jnp
from jax import lax
from jax.experimental import pallas as pl
from jax.experimental.pallas import tpu as pltpu
from jax.experimental.pallas import tpu_sc as plsc

_B, _S, _D, _V = 4, 4096, 2048, 4096

_RB = 512
_NB = _V // _RB


def _factor_body(dir_ref, scale_ref, out_ref):
    i = pl.program_id(0)

    @pl.when(i < _NB)
    def _compute():
        d = dir_ref[...]
        norm = jnp.sqrt(jnp.sum(d * d, axis=1, keepdims=True))
        f = scale_ref[...][:, None] / jnp.maximum(norm, 1e-8)
        out_ref[...] = jnp.broadcast_to(f, (_RB, 128))

    @pl.when(i == _NB)
    def _zero():
        out_ref[...] = jnp.zeros_like(out_ref)


def _build_factors(direction_VD, scale_V):
    return pl.pallas_call(
        _factor_body,
        grid=(_NB + 1,),
        in_specs=[
            pl.BlockSpec((_RB, _D), lambda i: (jnp.minimum(i, _NB - 1), 0)),
            pl.BlockSpec((_RB,), lambda i: (jnp.minimum(i, _NB - 1),)),
        ],
        out_specs=pl.BlockSpec((_RB, 128), lambda i: (i, 0)),
        out_shape=jax.ShapeDtypeStruct(((_NB + 1) * _RB, 128), jnp.float32),
    )(direction_VD, scale_V)


_NC, _NS, _L = 2, 16, 16
_NW = _NC * _NS
_TOK = _B * _S
_TPW = _TOK // _NW
_T = 8
_NCH = _TPW // _T
_NBUF = 3
_NF = (_NB + 1) * _RB


def _sc_body(hid_hbm, dir_hbm, f_hbm, ptr_hbm, out_hbm,
             idx_v, idxc_v, ftok_v, hid_v, rows_v, hsem, gsem,
             osem, fsem):
    wid = lax.axis_index("s") * _NC + lax.axis_index("c")
    base = wid * _TPW
    pltpu.sync_copy(ptr_hbm.at[pl.ds(base, _TPW)], idx_v)

    def clamp(r, carry):
        sl = pl.ds(r * _L, _L)
        idxc_v[sl] = jnp.minimum(idx_v[sl], _V - 1)
        return carry

    lax.fori_loop(0, _TPW // _L, clamp, 0)

    def issue_in(c, b):
        tok0 = base + c * _T
        pltpu.async_copy(hid_hbm.at[pl.ds(tok0, _T), :], hid_v[b],
                         hsem.at[b])
        pltpu.async_copy(dir_hbm.at[idxc_v.at[pl.ds(c * _T, _T)]],
                         rows_v[b], gsem.at[b])
        pltpu.async_copy(f_hbm.at[idx_v.at[pl.ds(c * _T, _T)]],
                         ftok_v[b], fsem.at[b])

    def wait_in(c, b):
        tok0 = base + c * _T
        pltpu.make_async_copy(hid_hbm.at[pl.ds(tok0, _T), :], hid_v[b],
                              hsem.at[b]).wait()
        pltpu.make_async_copy(dir_hbm.at[idxc_v.at[pl.ds(c * _T, _T)]],
                              rows_v[b], gsem.at[b]).wait()
        pltpu.make_async_copy(f_hbm.at[idx_v.at[pl.ds(c * _T, _T)]],
                              ftok_v[b], fsem.at[b]).wait()

    def wait_out(b):
        pltpu.make_async_copy(hid_v[b], out_hbm.at[pl.ds(base, _T), :],
                              osem.at[b]).wait()

    def process(c, b):
        wait_in(c, b)
        for t in range(_T):
            fvec = ftok_v[b][t, pl.ds(0, _L)]

            @plsc.parallel_loop(0, _D // _L, unroll=8)
            def _madd(j):
                sl = pl.ds(j * _L, _L)
                plsc.addupdate(hid_v[b].at[t, sl], fvec * rows_v[b][t, sl])
        tok0 = base + c * _T
        pltpu.async_copy(hid_v[b], out_hbm.at[pl.ds(tok0, _T), :],
                         osem.at[b])
        bn = (b + _NBUF - 1) % _NBUF

        @pl.when(c + 2 < _NCH)
        def _():
            @pl.when(c >= 1)
            def _():
                wait_out(bn)
            issue_in(c + 2, bn)

    issue_in(0, 0)
    issue_in(1, 1)

    def group(c3, carry):
        for b in range(_NBUF):
            process(c3 * _NBUF + b, b)
        return carry

    lax.fori_loop(0, (_NCH - 1) // _NBUF, group, 0)
    process(_NCH - 1, (_NCH - 1) % _NBUF)
    for c in range(_NCH - 3, _NCH):
        wait_out(c % _NBUF)


_sc_apply = functools.partial(
    pl.kernel,
    out_type=jax.ShapeDtypeStruct((_TOK, _D), jnp.float32),
    mesh=plsc.VectorSubcoreMesh(core_axis_name="c", subcore_axis_name="s"),
    scratch_types=[
        pltpu.VMEM((_TPW,), jnp.int32),
        pltpu.VMEM((_TPW,), jnp.int32),
        [pltpu.VMEM((_T, 128), jnp.float32) for _ in range(_NBUF)],
        [pltpu.VMEM((_T, _D), jnp.float32) for _ in range(_NBUF)],
        [pltpu.VMEM((_T, _D), jnp.float32) for _ in range(_NBUF)],
        pltpu.SemaphoreType.DMA((_NBUF,)),
        pltpu.SemaphoreType.DMA((_NBUF,)),
        pltpu.SemaphoreType.DMA((_NBUF,)),
        pltpu.SemaphoreType.DMA((_NBUF,)),
    ],
)(_sc_body)


@jax.jit
def kernel(hidden_BSD, direction_VD, scale_V, zero_vec_D, vec_ptrs_BS):
    del zero_vec_D
    f_ext = _build_factors(direction_VD, scale_V)
    hid2d = hidden_BSD.reshape(_TOK, _D)
    ptr1d = vec_ptrs_BS.reshape(_TOK)
    out = _sc_apply(hid2d, direction_VD, f_ext, ptr1d)
    return out.reshape(_B, _S, _D)

# --- scband reference (transcript-rebuilt; emitter-appended) ---
"""Pipeline reference for scband-tokenwise-steering-hook-60868276519003 (READ-ONLY COPY).

The authoritative reference and input builder live on the scoring server;
editing this copy changes nothing except your own understanding.
"""

import jax, jax.numpy as jnp
import numpy as np

B, S, D, V = 4, 4096, 2048, 4096


def setup_inputs(seed: int = 0) -> dict:
    key = jax.random.key(seed)
    k1, k2, k3, k4 = jax.random.split(key, 4)
    hidden_BSD = jax.random.normal(k1, (B, S, D), dtype=jnp.float32)
    direction_VD = jax.random.normal(k2, (V, D), dtype=jnp.float32)
    # module initializes scale_V to zeros; we use small random values so the
    # steering addition is non-trivial for numerical comparison
    scale_V = jax.random.normal(k3, (V,), dtype=jnp.float32) * 0.1
    zero_vec_D = jnp.zeros((1, D), dtype=jnp.float32)
    # pointers in [0, V]; index V selects the zero vector (no steering)
    vec_ptrs_BS = jax.random.randint(k4, (B, S), 0, V + 1, dtype=jnp.int32)
    return {
        "hidden_BSD": hidden_BSD,
        "direction_VD": direction_VD,
        "scale_V": scale_V,
        "zero_vec_D": zero_vec_D,
        "vec_ptrs_BS": vec_ptrs_BS,
    }


def reference(hidden_BSD, direction_VD, scale_V, zero_vec_D, vec_ptrs_BS):
    # unit_direction_VD = direction / ||direction||.clamp_min(1e-8)
    norm = jnp.linalg.norm(direction_VD, axis=-1, keepdims=True)
    unit_direction_VD = direction_VD / jnp.maximum(norm, 1e-8)
    # vecs_VD = scale_V[:, None] * unit_direction
    vecs_VD = scale_V[:, None] * unit_direction_VD
    # steer = cat([vecs_VD, zero_vec_D], dim=0); gather per token; add in-place
    steer = jnp.concatenate([vecs_VD, zero_vec_D], axis=0)
    out = hidden_BSD + jnp.take(steer, vec_ptrs_BS, axis=0)
    return out

if __name__ == "__main__":
    import jax
    _d = setup_inputs()
    print(jax.jit(kernel)(*tuple(_d.values())))

</pallas_src>

<mosaic_0001>
#map = affine_map<(d0, d1) -> (0, 0)>
#map1 = affine_map<(d0, d1) -> (0)>
module attributes {stable_mosaic.version = 14 : i64} {
  func.func @_sc_body(%arg0: i32, %arg1: i32, %arg2: memref<16384x2048xf32, #tpu.memory_space<hbm>>, %arg3: memref<4096x2048xf32, #tpu.memory_space<hbm>>, %arg4: memref<4608x128xf32, #tpu.memory_space<hbm>>, %arg5: memref<16384xi32, #tpu.memory_space<hbm>>, %arg6: memref<16384x2048xf32, #tpu.memory_space<hbm>>, %arg7: memref<512xi32, #tpu.memory_space<vmem>>, %arg8: memref<512xi32, #tpu.memory_space<vmem>>, %arg9: memref<8x128xf32, #tpu.memory_space<vmem>>, %arg10: memref<8x128xf32, #tpu.memory_space<vmem>>, %arg11: memref<8x128xf32, #tpu.memory_space<vmem>>, %arg12: memref<8x2048xf32, #tpu.memory_space<vmem>>, %arg13: memref<8x2048xf32, #tpu.memory_space<vmem>>, %arg14: memref<8x2048xf32, #tpu.memory_space<vmem>>, %arg15: memref<8x2048xf32, #tpu.memory_space<vmem>>, %arg16: memref<8x2048xf32, #tpu.memory_space<vmem>>, %arg17: memref<8x2048xf32, #tpu.memory_space<vmem>>, %arg18: memref<3x!tpu.dma_semaphore, #tpu.memory_space<semaphore_mem>>, %arg19: memref<3x!tpu.dma_semaphore, #tpu.memory_space<semaphore_mem>>, %arg20: memref<3x!tpu.dma_semaphore, #tpu.memory_space<semaphore_mem>>, %arg21: memref<3x!tpu.dma_semaphore, #tpu.memory_space<semaphore_mem>>) attributes {dimension_semantics = [#tpu.dimension_semantics<core_parallel>, #tpu.dimension_semantics<subcore_parallel>], iteration_bounds = array<i64: 2, 16>, scalar_prefetch = 0 : i64, scratch_operands = 15 : i64, tpu.core_type = #tpu.core_type<sc_vector_subcore>, window_params = [{transform_indices = #map}, {transform_indices = #map}, {transform_indices = #map}, {transform_indices = #map1}, {transform_indices = #map}]} {
    %mul3A = arith.constant 2 : i32
    %mul3A_0 = arith.muli %arg1, %mul3A : i32
    %add3A = arith.addi %mul3A_0, %arg0 : i32
    %mul3A_1 = arith.constant 512 : i32
    %mul3A_2 = arith.muli %add3A, %mul3A_1 : i32
    "tpu.region"() ({
      %run_scoped3A = tpu.sem_alloc : memref<!tpu.dma_semaphore, #tpu.memory_space<semaphore_mem>>
      %dma_start3A_179 = tpu.memref_slice %arg5[%mul3A_2] : memref<16384xi32, #tpu.memory_space<hbm>> -> memref<512xi32, #tpu.memory_space<hbm>>
      %dma_start3A_180 = tpu.memref_slice %arg5[%mul3A_2] : memref<16384xi32, #tpu.memory_space<hbm>> -> memref<512xi32, #tpu.memory_space<hbm>>
      tpu.enqueue_dma source(%dma_start3A_180 : memref<512xi32, #tpu.memory_space<hbm>>) target(%arg7 : memref<512xi32, #tpu.memory_space<vmem>>) target_semaphore(%run_scoped3A : memref<!tpu.dma_semaphore, #tpu.memory_space<semaphore_mem>>)
      %dma_wait3A_181 = tpu.memref_slice %arg5[%mul3A_2] : memref<16384xi32, #tpu.memory_space<hbm>> -> memref<512xi32, #tpu.memory_space<hbm>>
      %dma_wait3A_182 = tpu.memref_slice %arg5[%mul3A_2] : memref<16384xi32, #tpu.memory_space<hbm>> -> memref<512xi32, #tpu.memory_space<hbm>>
      tpu.wait_dma2 semaphore(%run_scoped3A : memref<!tpu.dma_semaphore, #tpu.memory_space<semaphore_mem>>) src(%dma_wait3A_182 : memref<512xi32, #tpu.memory_space<hbm>>) dst(%arg7 : memref<512xi32, #tpu.memory_space<vmem>>)
      tpu.yield
    }) : () -> ()
    %scan3A = arith.constant 0 : i32
    %scan3A_3 = arith.constant 0 : i32
    %scan3A_4 = arith.constant 32 : i32
    %scan3A_5 = arith.addi %scan3A_3, %scan3A_4 : i32
    %scan3A_6 = arith.constant 1 : i32
    scf.for %scan3A_179 = %scan3A_3 to %scan3A_5 step %scan3A_6  : i32 {
      %mul3A_180 = arith.constant 16 : i32
      %mul3A_181 = arith.muli %scan3A_179, %mul3A_180 : i32
      %get3A_182 = arith.index_cast %mul3A_181 : i32 to index
      %get3A_183 = tpu.vector_load %arg7[%get3A_182] {strides = array<i32>} : memref<512xi32, #tpu.memory_space<vmem>>, vector<16xi32>,
      %get3A_184 = vector.shape_cast %get3A_183 : vector<16xi32> to vector<16xi32>
      %min3A = arith.constant 4095 : i32
      %min3A_185 = vector.broadcast %min3A : i32 to vector<16xi32>
      %min3A_186 = arith.minsi %get3A_184, %min3A_185 : vector<16xi32>
      %swap3A = arith.index_cast %mul3A_181 : i32 to index
      %swap3A_187 = tpu.vector_load %arg8[%swap3A] {strides = array<i32>} : memref<512xi32, #tpu.memory_space<vmem>>, vector<16xi32>,
      %swap3A_188 = vector.shape_cast %swap3A_187 : vector<16xi32> to vector<16xi32>
      %swap3A_189 = vector.shape_cast %min3A_186 : vector<16xi32> to vector<16xi32>
      tpu.vector_store %arg8[%swap3A], %swap3A_189 {strides = array<i32>} : memref<512xi32, #tpu.memory_space<vmem>>, vector<16xi32>,
    }
    %scan3A_7 = arith.constant 32 : i32
    %add3A_8 = arith.constant 0 : i32
    %add3A_9 = arith.addi %mul3A_2, %add3A_8 : i32
    %dma_start3A = arith.constant 0 : i32
    %dma_start3A_10 = arith.constant 0 : i32
    %dma_start3A_11 = tpu.memref_slice %arg2[%add3A_9, %dma_start3A_10] : memref<16384x2048xf32, #tpu.memory_space<hbm>> -> memref<8x2048xf32, #tpu.memory_space<hbm>>
    %dma_start3A_12 = tpu.memref_slice %arg18[%dma_start3A] : memref<3x!tpu.dma_semaphore, #tpu.memory_space<semaphore_mem>> -> memref<1x!tpu.dma_semaphore, #tpu.memory_space<semaphore_mem>>
    %dma_start3A_13 = tpu.memref_squeeze %dma_start3A_12 : memref<1x!tpu.dma_semaphore, #tpu.memory_space<semaphore_mem>> -> memref<!tpu.dma_semaphore, #tpu.memory_space<semaphore_mem>>
    %dma_start3A_14 = arith.constant 0 : i32
    %dma_start3A_15 = tpu.memref_slice %arg2[%add3A_9, %dma_start3A_14] : memref<16384x2048xf32, #tpu.memory_space<hbm>> -> memref<8x2048xf32, #tpu.memory_space<hbm>>
    tpu.enqueue_dma source(%dma_start3A_15 : memref<8x2048xf32, #tpu.memory_space<hbm>>) target(%arg12 : memref<8x2048xf32, #tpu.memory_space<vmem>>) target_semaphore(%dma_start3A_13 : memref<!tpu.dma_semaphore, #tpu.memory_space<semaphore_mem>>)
    %dma_start3A_16 = arith.constant 0 : i32
    %dma_start3A_17 = arith.constant 0 : i32
    %dma_start3A_18 = tpu.memref_slice %arg8[%dma_start3A_17] : memref<512xi32, #tpu.memory_space<vmem>> -> memref<8xi32, #tpu.memory_space<vmem>>
    %dma_start3A_19 = arith.constant 0 : i32
    %dma_start3A_20 = arith.constant 0 : i32
    %dma_start3A_21 = tpu.memref_slice %arg3[%dma_start3A_19, %dma_start3A_20] : memref<4096x2048xf32, #tpu.memory_space<hbm>> -> memref<4096x2048xf32, #tpu.memory_space<hbm>>
    %dma_start3A_22 = tpu.memref_slice %arg19[%dma_start3A_16] : memref<3x!tpu.dma_semaphore, #tpu.memory_space<semaphore_mem>> -> memref<1x!tpu.dma_semaphore, #tpu.memory_space<semaphore_mem>>
    %dma_start3A_23 = tpu.memref_squeeze %dma_start3A_22 : memref<1x!tpu.dma_semaphore, #tpu.memory_space<semaphore_mem>> -> memref<!tpu.dma_semaphore, #tpu.memory_space<semaphore_mem>>
    tpu.enqueue_indirect_dma source(%dma_start3A_21 : memref<4096x2048xf32, #tpu.memory_space<hbm>>) target(%arg15 : memref<8x2048xf32, #tpu.memory_space<vmem>>) offsets(%dma_start3A_18 : memref<8xi32, #tpu.memory_space<vmem>>) semaphore(%dma_start3A_23 : memref<!tpu.dma_semaphore, #tpu.memory_space<semaphore_mem>>)
    %dma_start3A_24 = arith.constant 0 : i32
    %dma_start3A_25 = arith.constant 0 : i32
    %dma_start3A_26 = tpu.memref_slice %arg7[%dma_start3A_25] : memref<512xi32, #tpu.memory_space<vmem>> -> memref<8xi32, #tpu.memory_space<vmem>>
    %dma_start3A_27 = arith.constant 0 : i32
    %dma_start3A_28 = arith.constant 0 : i32
    %dma_start3A_29 = tpu.memref_slice %arg4[%dma_start3A_27, %dma_start3A_28] : memref<4608x128xf32, #tpu.memory_space<hbm>> -> memref<4608x128xf32, #tpu.memory_space<hbm>>
    %dma_start3A_30 = tpu.memref_slice %arg21[%dma_start3A_24] : memref<3x!tpu.dma_semaphore, #tpu.memory_space<semaphore_mem>> -> memref<1x!tpu.dma_semaphore, #tpu.memory_space<semaphore_mem>>
    %dma_start3A_31 = tpu.memref_squeeze %dma_start3A_30 : memref<1x!tpu.dma_semaphore, #tpu.memory_space<semaphore_mem>> -> memref<!tpu.dma_semaphore, #tpu.memory_space<semaphore_mem>>
    tpu.enqueue_indirect_dma source(%dma_start3A_29 : memref<4608x128xf32, #tpu.memory_space<hbm>>) target(%arg9 : memref<8x128xf32, #tpu.memory_space<vmem>>) offsets(%dma_start3A_26 : memref<8xi32, #tpu.memory_space<vmem>>) semaphore(%dma_start3A_31 : memref<!tpu.dma_semaphore, #tpu.memory_space<semaphore_mem>>)
    %add3A_32 = arith.constant 8 : i32
    %add3A_33 = arith.addi %mul3A_2, %add3A_32 : i32
    %dma_start3A_34 = arith.constant 1 : i32
    %dma_start3A_35 = arith.constant 0 : i32
    %dma_start3A_36 = tpu.memref_slice %arg2[%add3A_33, %dma_start3A_35] : memref<16384x2048xf32, #tpu.memory_space<hbm>> -> memref<8x2048xf32, #tpu.memory_space<hbm>>
    %dma_start3A_37 = tpu.memref_slice %arg18[%dma_start3A_34] : memref<3x!tpu.dma_semaphore, #tpu.memory_space<semaphore_mem>> -> memref<1x!tpu.dma_semaphore, #tpu.memory_space<semaphore_mem>>
    %dma_start3A_38 = tpu.memref_squeeze %dma_start3A_37 : memref<1x!tpu.dma_semaphore, #tpu.memory_space<semaphore_mem>> -> memref<!tpu.dma_semaphore, #tpu.memory_space<semaphore_mem>>
    %dma_start3A_39 = arith.constant 0 : i32
    %dma_start3A_40 = tpu.memref_slice %arg2[%add3A_33, %dma_start3A_39] : memref<16384x2048xf32, #tpu.memory_space<hbm>> -> memref<8x2048xf32, #tpu.memory_space<hbm>>
    tpu.enqueue_dma source(%dma_start3A_40 : memref<8x2048xf32, #tpu.memory_space<hbm>>) target(%arg13 : memref<8x2048xf32, #tpu.memory_space<vmem>>) target_semaphore(%dma_start3A_38 : memref<!tpu.dma_semaphore, #tpu.memory_space<semaphore_mem>>)
    %dma_start3A_41 = arith.constant 1 : i32
    %dma_start3A_42 = arith.constant 8 : i32
    %dma_start3A_43 = tpu.memref_slice %arg8[%dma_start3A_42] : memref<512xi32, #tpu.memory_space<vmem>> -> memref<8xi32, #tpu.memory_space<vmem>>
    %dma_start3A_44 = arith.constant 0 : i32
    %dma_start3A_45 = arith.constant 0 : i32
    %dma_start3A_46 = tpu.memref_slice %arg3[%dma_start3A_44, %dma_start3A_45] : memref<4096x2048xf32, #tpu.memory_space<hbm>> -> memref<4096x2048xf32, #tpu.memory_space<hbm>>
    %dma_start3A_47 = tpu.memref_slice %arg19[%dma_start3A_41] : memref<3x!tpu.dma_semaphore, #tpu.memory_space<semaphore_mem>> -> memref<1x!tpu.dma_semaphore, #tpu.memory_space<semaphore_mem>>
    %dma_start3A_48 = tpu.memref_squeeze %dma_start3A_47 : memref<1x!tpu.dma_semaphore, #tpu.memory_space<semaphore_mem>> -> memref<!tpu.dma_semaphore, #tpu.memory_space<semaphore_mem>>
    tpu.enqueue_indirect_dma source(%dma_start3A_46 : memref<4096x2048xf32, #tpu.memory_space<hbm>>) target(%arg16 : memref<8x2048xf32, #tpu.memory_space<vmem>>) offsets(%dma_start3A_43 : memref<8xi32, #tpu.memory_space<vmem>>) semaphore(%dma_start3A_48 : memref<!tpu.dma_semaphore, #tpu.memory_space<semaphore_mem>>)
    %dma_start3A_49 = arith.constant 1 : i32
    %dma_start3A_50 = arith.constant 8 : i32
    %dma_start3A_51 = tpu.memref_slice %arg7[%dma_start3A_50] : memref<512xi32, #tpu.memory_space<vmem>> -> memref<8xi32, #tpu.memory_space<vmem>>
    %dma_start3A_52 = arith.constant 0 : i32
    %dma_start3A_53 = arith.constant 0 : i32
    %dma_start3A_54 = tpu.memref_slice %arg4[%dma_start3A_52, %dma_start3A_53] : memref<4608x128xf32, #tpu.memory_space<hbm>> -> memref<4608x128xf32, #tpu.memory_space<hbm>>
    %dma_start3A_55 = tpu.memref_slice %arg21[%dma_start3A_49] : memref<3x!tpu.dma_semaphore, #tpu.memory_space<semaphore_mem>> -> memref<1x!tpu.dma_semaphore, #tpu.memory_space<semaphore_mem>>
    %dma_start3A_56 = tpu.memref_squeeze %dma_start3A_55 : memref<1x!tpu.dma_semaphore, #tpu.memory_space<semaphore_mem>> -> memref<!tpu.dma_semaphore, #tpu.memory_space<semaphore_mem>>
    tpu.enqueue_indirect_dma source(%dma_start3A_54 : memref<4608x128xf32, #tpu.memory_space<hbm>>) target(%arg10 : memref<8x128xf32, #tpu.memory_space<vmem>>) offsets(%dma_start3A_51 : memref<8xi32, #tpu.memory_space<vmem>>) semaphore(%dma_start3A_56 : memref<!tpu.dma_semaphore, #tpu.memory_space<semaphore_mem>>)
    %scan3A_57 = arith.constant 0 : i32
    %scan3A_58 = arith.constant 0 : i32
    %scan3A_59 = arith.constant 21 : i32
    %scan3A_60 = arith.addi %scan3A_58, %scan3A_59 : i32
    %scan3A_61 = arith.constant 1 : i32
    scf.for %scan3A_179 = %scan3A_58 to %scan3A_60 step %scan3A_61  : i32 {
      %mul3A_180 = arith.constant 3 : i32
      %mul3A_181 = arith.muli %scan3A_179, %mul3A_180 : i32
      %add3A_182 = arith.constant 0 : i32
      %add3A_183 = arith.addi %mul3A_181, %add3A_182 : i32
      %mul3A_184 = arith.constant 8 : i32
      %mul3A_185 = arith.muli %add3A_183, %mul3A_184 : i32
      %add3A_186 = arith.addi %mul3A_2, %mul3A_185 : i32
      %dma_wait3A_187 = arith.constant 0 : i32
      %dma_wait3A_188 = arith.constant 0 : i32
      %dma_wait3A_189 = tpu.memref_slice %arg2[%add3A_186, %dma_wait3A_188] : memref<16384x2048xf32, #tpu.memory_space<hbm>> -> memref<8x2048xf32, #tpu.memory_space<hbm>>
      %dma_wait3A_190 = tpu.memref_slice %arg18[%dma_wait3A_187] : memref<3x!tpu.dma_semaphore, #tpu.memory_space<semaphore_mem>> -> memref<1x!tpu.dma_semaphore, #tpu.memory_space<semaphore_mem>>
      %dma_wait3A_191 = tpu.memref_squeeze %dma_wait3A_190 : memref<1x!tpu.dma_semaphore, #tpu.memory_space<semaphore_mem>> -> memref<!tpu.dma_semaphore, #tpu.memory_space<semaphore_mem>>
      %dma_wait3A_192 = arith.constant 0 : i32
      %dma_wait3A_193 = tpu.memref_slice %arg2[%add3A_186, %dma_wait3A_192] : memref<16384x2048xf32, #tpu.memory_space<hbm>> -> memref<8x2048xf32, #tpu.memory_space<hbm>>
      tpu.wait_dma2 semaphore(%dma_wait3A_191 : memref<!tpu.dma_semaphore, #tpu.memory_space<semaphore_mem>>) src(%dma_wait3A_193 : memref<8x2048xf32, #tpu.memory_space<hbm>>) dst(%arg12 : memref<8x2048xf32, #tpu.memory_space<vmem>>)
      %mul3A_194 = arith.constant 8 : i32
      %mul3A_195 = arith.muli %add3A_183, %mul3A_194 : i32
      %dma_wait3A_196 = arith.constant 0 : i32
      %dma_wait3A_197 = tpu.memref_slice %arg8[%mul3A_195] : memref<512xi32, #tpu.memory_space<vmem>> -> memref<8xi32, #tpu.memory_space<vmem>>
      %dma_wait3A_198 = arith.constant 0 : i32
      %dma_wait3A_199 = arith.constant 0 : i32
      %dma_wait3A_200 = tpu.memref_slice %arg3[%dma_wait3A_198, %dma_wait3A_199] : memref<4096x2048xf32, #tpu.memory_space<hbm>> -> memref<4096x2048xf32, #tpu.memory_space<hbm>>
      %dma_wait3A_201 = tpu.memref_slice %arg19[%dma_wait3A_196] : memref<3x!tpu.dma_semaphore, #tpu.memory_space<semaphore_mem>> -> memref<1x!tpu.dma_semaphore, #tpu.memory_space<semaphore_mem>>
      %dma_wait3A_202 = tpu.memref_squeeze %dma_wait3A_201 : memref<1x!tpu.dma_semaphore, #tpu.memory_space<semaphore_mem>> -> memref<!tpu.dma_semaphore, #tpu.memory_space<semaphore_mem>>
      tpu.wait_indirect_dma semaphore(%dma_wait3A_202 : memref<!tpu.dma_semaphore, #tpu.memory_space<semaphore_mem>>) src(%dma_wait3A_200 : memref<4096x2048xf32, #tpu.memory_space<hbm>>) dst(%arg15 : memref<8x2048xf32, #tpu.memory_space<vmem>>)
      %mul3A_203 = arith.constant 8 : i32
      %mul3A_204 = arith.muli %add3A_183, %mul3A_203 : i32
      %dma_wait3A_205 = arith.constant 0 : i32
      %dma_wait3A_206 = tpu.memref_slice %arg7[%mul3A_204] : memref<512xi32, #tpu.memory_space<vmem>> -> memref<8xi32, #tpu.memory_space<vmem>>
      %dma_wait3A_207 = arith.constant 0 : i32
      %dma_wait3A_208 = arith.constant 0 : i32
      %dma_wait3A_209 = tpu.memref_slice %arg4[%dma_wait3A_207, %dma_wait3A_208] : memref<4608x128xf32, #tpu.memory_space<hbm>> -> memref<4608x128xf32, #tpu.memory_space<hbm>>
      %dma_wait3A_210 = tpu.memref_slice %arg21[%dma_wait3A_205] : memref<3x!tpu.dma_semaphore, #tpu.memory_space<semaphore_mem>> -> memref<1x!tpu.dma_semaphore, #tpu.memory_space<semaphore_mem>>
      %dma_wait3A_211 = tpu.memref_squeeze %dma_wait3A_210 : memref<1x!tpu.dma_semaphore, #tpu.memory_space<semaphore_mem>> -> memref<!tpu.dma_semaphore, #tpu.memory_space<semaphore_mem>>
      tpu.wait_indirect_dma semaphore(%dma_wait3A_211 : memref<!tpu.dma_semaphore, #tpu.memory_space<semaphore_mem>>) src(%dma_wait3A_209 : memref<4608x128xf32, #tpu.memory_space<hbm>>) dst(%arg9 : memref<8x128xf32, #tpu.memory_space<vmem>>)
      %get3A_212 = arith.constant 0 : i32
      %get3A_213 = arith.index_cast %get3A_212 : i32 to index
      %get3A_214 = arith.constant 0 : index
      %get3A_215 = tpu.vector_load %arg9[%get3A_213, %get3A_214] {strides = array<i32>} : memref<8x128xf32, #tpu.memory_space<vmem>>, vector<1x16xf32>,
      %get3A_216 = vector.shape_cast %get3A_215 : vector<1x16xf32> to vector<16xf32>
      %parallel_loop3A_217 = arith.constant 0 : i32
      %parallel_loop3A_218 = arith.constant 128 : i32
      %parallel_loop3A_219 = arith.constant 1 : i32
      scf.for %parallel_loop3A_516 = %parallel_loop3A_217 to %parallel_loop3A_218 step %parallel_loop3A_219  : i32 {
        %parallel_loop3A_517 = arith.constant 16 : i32
        %parallel_loop3A_518 = arith.muli %parallel_loop3A_516, %parallel_loop3A_517 : i32
        %parallel_loop3A_519 = arith.constant 0 : i32
        %parallel_loop3A_520 = arith.index_cast %parallel_loop3A_519 : i32 to index
        %parallel_loop3A_521 = arith.index_cast %parallel_loop3A_518 : i32 to index
        %parallel_loop3A_522 = tpu.vector_load %arg15[%parallel_loop3A_520, %parallel_loop3A_521] {strides = array<i32>} : memref<8x2048xf32, #tpu.memory_space<vmem>>, vector<1x16xf32>,
        %parallel_loop3A_523 = vector.shape_cast %parallel_loop3A_522 : vector<1x16xf32> to vector<16xf32>
        %parallel_loop3A_524 = arith.mulf %get3A_216, %parallel_loop3A_523 : vector<16xf32>
        %parallel_loop3A_525 = arith.constant 0 : i32
        %parallel_loop3A_526 = arith.index_cast %parallel_loop3A_525 : i32 to index
        %parallel_loop3A_527 = arith.index_cast %parallel_loop3A_518 : i32 to index
        %parallel_loop3A_528 = tpu.vector_load %arg12[%parallel_loop3A_526, %parallel_loop3A_527] {strides = array<i32>} : memref<8x2048xf32, #tpu.memory_space<vmem>>, vector<1x16xf32>,
        %parallel_loop3A_529 = vector.shape_cast %parallel_loop3A_528 : vector<1x16xf32> to vector<16xf32>
        %parallel_loop3A_530 = vector.shape_cast %parallel_loop3A_524 : vector<16xf32> to vector<1x16xf32>
        tpu.vector_store %arg12[%parallel_loop3A_526, %parallel_loop3A_527], %parallel_loop3A_530 {add = true, strides = array<i32>} : memref<8x2048xf32, #tpu.memory_space<vmem>>, vector<1x16xf32>,
      } {sc.loop_unroll_factor = 8 : i64, sc.parallel_access}
      %get3A_220 = arith.constant 1 : i32
      %get3A_221 = arith.index_cast %get3A_220 : i32 to index
      %get3A_222 = arith.constant 0 : index
      %get3A_223 = tpu.vector_load %arg9[%get3A_221, %get3A_222] {strides = array<i32>} : memref<8x128xf32, #tpu.memory_space<vmem>>, vector<1x16xf32>,
      %get3A_224 = vector.shape_cast %get3A_223 : vector<1x16xf32> to vector<16xf32>
      %parallel_loop3A_225 = arith.constant 0 : i32
      %parallel_loop3A_226 = arith.constant 128 : i32
      %parallel_loop3A_227 = arith.constant 1 : i32
      scf.for %parallel_loop3A_516 = %parallel_loop3A_225 to %parallel_loop3A_226 step %parallel_loop3A_227  : i32 {
        %parallel_loop3A_517 = arith.constant 16 : i32
        %parallel_loop3A_518 = arith.muli %parallel_loop3A_516, %parallel_loop3A_517 : i32
        %parallel_loop3A_519 = arith.constant 1 : i32
        %parallel_loop3A_520 = arith.index_cast %parallel_loop3A_519 : i32 to index
        %parallel_loop3A_521 = arith.index_cast %parallel_loop3A_518 : i32 to index
        %parallel_loop3A_522 = tpu.vector_load %arg15[%parallel_loop3A_520, %parallel_loop3A_521] {strides = array<i32>} : memref<8x2048xf32, #tpu.memory_space<vmem>>, vector<1x16xf32>,
        %parallel_loop3A_523 = vector.shape_cast %parallel_loop3A_522 : vector<1x16xf32> to vector<16xf32>
        %parallel_loop3A_524 = arith.mulf %get3A_224, %parallel_loop3A_523 : vector<16xf32>
        %parallel_loop3A_525 = arith.constant 1 : i32
        %parallel_loop3A_526 = arith.index_cast %parallel_loop3A_525 : i32 to index
        %parallel_loop3A_527 = arith.index_cast %parallel_loop3A_518 : i32 to index
        %parallel_loop3A_528 = tpu.vector_load %arg12[%parallel_loop3A_526, %parallel_loop3A_527] {strides = array<i32>} : memref<8x2048xf32, #tpu.memory_space<vmem>>, vector<1x16xf32>,
        %parallel_loop3A_529 = vector.shape_cast %parallel_loop3A_528 : vector<1x16xf32> to vector<16xf32>
        %parallel_loop3A_530 = vector.shape_cast %parallel_loop3A_524 : vector<16xf32> to vector<1x16xf32>
        tpu.vector_store %arg12[%parallel_loop3A_526, %parallel_loop3A_527], %parallel_loop3A_530 {add = true, strides = array<i32>} : memref<8x2048xf32, #tpu.memory_space<vmem>>, vector<1x16xf32>,
      } {sc.loop_unroll_factor = 8 : i64, sc.parallel_access}
      %get3A_228 = arith.constant 2 : i32
      %get3A_229 = arith.index_cast %get3A_228 : i32 to index
      %get3A_230 = arith.constant 0 : index
      %get3A_231 = tpu.vector_load %arg9[%get3A_229, %get3A_230] {strides = array<i32>} : memref<8x128xf32, #tpu.memory_space<vmem>>, vector<1x16xf32>,
      %get3A_232 = vector.shape_cast %get3A_231 : vector<1x16xf32> to vector<16xf32>
      %parallel_loop3A_233 = arith.constant 0 : i32
      %parallel_loop3A_234 = arith.constant 128 : i32
      %parallel_loop3A_235 = arith.constant 1 : i32
      scf.for %parallel_loop3A_516 = %parallel_loop3A_233 to %parallel_loop3A_234 step %parallel_loop3A_235  : i32 {
        %parallel_loop3A_517 = arith.constant 16 : i32
        %parallel_loop3A_518 = arith.muli %parallel_loop3A_516, %parallel_loop3A_517 : i32
        %parallel_loop3A_519 = arith.constant 2 : i32
        %parallel_loop3A_520 = arith.index_cast %parallel_loop3A_519 : i32 to index
        %parallel_loop3A_521 = arith.index_cast %parallel_loop3A_518 : i32 to index
        %parallel_loop3A_522 = tpu.vector_load %arg15[%parallel_loop3A_520, %parallel_loop3A_521] {strides = array<i32>} : memref<8x2048xf32, #tpu.memory_space<vmem>>, vector<1x16xf32>,
        %parallel_loop3A_523 = vector.shape_cast %parallel_loop3A_522 : vector<1x16xf32> to vector<16xf32>
        %parallel_loop3A_524 = arith.mulf %get3A_232, %parallel_loop3A_523 : vector<16xf32>
        %parallel_loop3A_525 = arith.constant 2 : i32
        %parallel_loop3A_526 = arith.index_cast %parallel_loop3A_525 : i32 to index
        %parallel_loop3A_527 = arith.index_cast %parallel_loop3A_518 : i32 to index
        %parallel_loop3A_528 = tpu.vector_load %arg12[%parallel_loop3A_526, %parallel_loop3A_527] {strides = array<i32>} : memref<8x2048xf32, #tpu.memory_space<vmem>>, vector<1x16xf32>,
        %parallel_loop3A_529 = vector.shape_cast %parallel_loop3A_528 : vector<1x16xf32> to vector<16xf32>
        %parallel_loop3A_530 = vector.shape_cast %parallel_loop3A_524 : vector<16xf32> to vector<1x16xf32>
        tpu.vector_store %arg12[%parallel_loop3A_526, %parallel_loop3A_527], %parallel_loop3A_530 {add = true, strides = array<i32>} : memref<8x2048xf32, #tpu.memory_space<vmem>>, vector<1x16xf32>,
      } {sc.loop_unroll_factor = 8 : i64, sc.parallel_access}
      %get3A_236 = arith.constant 3 : i32
      %get3A_237 = arith.index_cast %get3A_236 : i32 to index
      %get3A_238 = arith.constant 0 : index
      %get3A_239 = tpu.vector_load %arg9[%get3A_237, %get3A_238] {strides = array<i32>} : memref<8x128xf32, #tpu.memory_space<vmem>>, vector<1x16xf32>,
      %get3A_240 = vector.shape_cast %get3A_239 : vector<1x16xf32> to vector<16xf32>
      %parallel_loop3A_241 = arith.constant 0 : i32
      %parallel_loop3A_242 = arith.constant 128 : i32
      %parallel_loop3A_243 = arith.constant 1 : i32
      scf.for %parallel_loop3A_516 = %parallel_loop3A_241 to %parallel_loop3A_242 step %parallel_loop3A_243  : i32 {
        %parallel_loop3A_517 = arith.constant 16 : i32
        %parallel_loop3A_518 = arith.muli %parallel_loop3A_516, %parallel_loop3A_517 : i32
        %parallel_loop3A_519 = arith.constant 3 : i32
        %parallel_loop3A_520 = arith.index_cast %parallel_loop3A_519 : i32 to index
        %parallel_loop3A_521 = arith.index_cast %parallel_loop3A_518 : i32 to index
        %parallel_loop3A_522 = tpu.vector_load %arg15[%parallel_loop3A_520, %parallel_loop3A_521] {strides = array<i32>} : memref<8x2048xf32, #tpu.memory_space<vmem>>, vector<1x16xf32>,
        %parallel_loop3A_523 = vector.shape_cast %parallel_loop3A_522 : vector<1x16xf32> to vector<16xf32>
        %parallel_loop3A_524 = arith.mulf %get3A_240, %parallel_loop3A_523 : vector<16xf32>
        %parallel_loop3A_525 = arith.constant 3 : i32
        %parallel_loop3A_526 = arith.index_cast %parallel_loop3A_525 : i32 to index
        %parallel_loop3A_527 = arith.index_cast %parallel_loop3A_518 : i32 to index
        %parallel_loop3A_528 = tpu.vector_load %arg12[%parallel_loop3A_526, %parallel_loop3A_527] {strides = array<i32>} : memref<8x2048xf32, #tpu.memory_space<vmem>>, vector<1x16xf32>,
        %parallel_loop3A_529 = vector.shape_cast %parallel_loop3A_528 : vector<1x16xf32> to vector<16xf32>
        %parallel_loop3A_530 = vector.shape_cast %parallel_loop3A_524 : vector<16xf32> to vector<1x16xf32>
        tpu.vector_store %arg12[%parallel_loop3A_526, %parallel_loop3A_527], %parallel_loop3A_530 {add = true, strides = array<i32>} : memref<8x2048xf32, #tpu.memory_space<vmem>>, vector<1x16xf32>,
      } {sc.loop_unroll_factor = 8 : i64, sc.parallel_access}
      %get3A_244 = arith.constant 4 : i32
      %get3A_245 = arith.index_cast %get3A_244 : i32 to index
      %get3A_246 = arith.constant 0 : index
      %get3A_247 = tpu.vector_load %arg9[%get3A_245, %get3A_246] {strides = array<i32>} : memref<8x128xf32, #tpu.memory_space<vmem>>, vector<1x16xf32>,
      %get3A_248 = vector.shape_cast %get3A_247 : vector<1x16xf32> to vector<16xf32>
      %parallel_loop3A_249 = arith.constant 0 : i32
      %parallel_loop3A_250 = arith.constant 128 : i32
      %parallel_loop3A_251 = arith.constant 1 : i32
      scf.for %parallel_loop3A_516 = %parallel_loop3A_249 to %parallel_loop3A_250 step %parallel_loop3A_251  : i32 {
        %parallel_loop3A_517 = arith.constant 16 : i32
        %parallel_loop3A_518 = arith.muli %parallel_loop3A_516, %parallel_loop3A_517 : i32
        %parallel_loop3A_519 = arith.constant 4 : i32
        %parallel_loop3A_520 = arith.index_cast %parallel_loop3A_519 : i32 to index
        %parallel_loop3A_521 = arith.index_cast %parallel_loop3A_518 : i32 to index
        %parallel_loop3A_522 = tpu.vector_load %arg15[%parallel_loop3A_520, %parallel_loop3A_521] {strides = array<i32>} : memref<8x2048xf32, #tpu.memory_space<vmem>>, vector<1x16xf32>,
        %parallel_loop3A_523 = vector.shape_cast %parallel_loop3A_522 : vector<1x16xf32> to vector<16xf32>
        %parallel_loop3A_524 = arith.mulf %get3A_248, %parallel_loop3A_523 : vector<16xf32>
        %parallel_loop3A_525 = arith.constant 4 : i32
        %parallel_loop3A_526 = arith.index_cast %parallel_loop3A_525 : i32 to index
        %parallel_loop3A_527 = arith.index_cast %parallel_loop3A_518 : i32 to index
        %parallel_loop3A_528 = tpu.vector_load %arg12[%parallel_loop3A_526, %parallel_loop3A_527] {strides = array<i32>} : memref<8x2048xf32, #tpu.memory_space<vmem>>, vector<1x16xf32>,
        %parallel_loop3A_529 = vector.shape_cast %parallel_loop3A_528 : vector<1x16xf32> to vector<16xf32>
        %parallel_loop3A_530 = vector.shape_cast %parallel_loop3A_524 : vector<16xf32> to vector<1x16xf32>
        tpu.vector_store %arg12[%parallel_loop3A_526, %parallel_loop3A_527], %parallel_loop3A_530 {add = true, strides = array<i32>} : memref<8x2048xf32, #tpu.memory_space<vmem>>, vector<1x16xf32>,
      } {sc.loop_unroll_factor = 8 : i64, sc.parallel_access}
      %get3A_252 = arith.constant 5 : i32
      %get3A_253 = arith.index_cast %get3A_252 : i32 to index
      %get3A_254 = arith.constant 0 : index
      %get3A_255 = tpu.vector_load %arg9[%get3A_253, %get3A_254] {strides = array<i32>} : memref<8x128xf32, #tpu.memory_space<vmem>>, vector<1x16xf32>,
      %get3A_256 = vector.shape_cast %get3A_255 : vector<1x16xf32> to vector<16xf32>
      %parallel_loop3A_257 = arith.constant 0 : i32
      %parallel_loop3A_258 = arith.constant 128 : i32
      %parallel_loop3A_259 = arith.constant 1 : i32
      scf.for %parallel_loop3A_516 = %parallel_loop3A_257 to %parallel_loop3A_258 step %parallel_loop3A_259  : i32 {
        %parallel_loop3A_517 = arith.constant 16 : i32
        %parallel_loop3A_518 = arith.muli %parallel_loop3A_516, %parallel_loop3A_517 : i32
        %parallel_loop3A_519 = arith.constant 5 : i32
        %parallel_loop3A_520 = arith.index_cast %parallel_loop3A_519 : i32 to index
        %parallel_loop3A_521 = arith.index_cast %parallel_loop3A_518 : i32 to index
        %parallel_loop3A_522 = tpu.vector_load %arg15[%parallel_loop3A_520, %parallel_loop3A_521] {strides = array<i32>} : memref<8x2048xf32, #tpu.memory_space<vmem>>, vector<1x16xf32>,
        %parallel_loop3A_523 = vector.shape_cast %parallel_loop3A_522 : vector<1x16xf32> to vector<16xf32>
        %parallel_loop3A_524 = arith.mulf %get3A_256, %parallel_loop3A_523 : vector<16xf32>
        %parallel_loop3A_525 = arith.constant 5 : i32
        %parallel_loop3A_526 = arith.index_cast %parallel_loop3A_525 : i32 to index
        %parallel_loop3A_527 = arith.index_cast %parallel_loop3A_518 : i32 to index
        %parallel_loop3A_528 = tpu.vector_load %arg12[%parallel_loop3A_526, %parallel_loop3A_527] {strides = array<i32>} : memref<8x2048xf32, #tpu.memory_space<vmem>>, vector<1x16xf32>,
        %parallel_loop3A_529 = vector.shape_cast %parallel_loop3A_528 : vector<1x16xf32> to vector<16xf32>
        %parallel_loop3A_530 = vector.shape_cast %parallel_loop3A_524 : vector<16xf32> to vector<1x16xf32>
        tpu.vector_store %arg12[%parallel_loop3A_526, %parallel_loop3A_527], %parallel_loop3A_530 {add = true, strides = array<i32>} : memref<8x2048xf32, #tpu.memory_space<vmem>>, vector<1x16xf32>,
      } {sc.loop_unroll_factor = 8 : i64, sc.parallel_access}
      %get3A_260 = arith.constant 6 : i32
      %get3A_261 = arith.index_cast %get3A_260 : i32 to index
      %get3A_262 = arith.constant 0 : index
      %get3A_263 = tpu.vector_load %arg9[%get3A_261, %get3A_262] {strides = array<i32>} : memref<8x128xf32, #tpu.memory_space<vmem>>, vector<1x16xf32>,
      %get3A_264 = vector.shape_cast %get3A_263 : vector<1x16xf32> to vector<16xf32>
      %parallel_loop3A_265 = arith.constant 0 : i32
      %parallel_loop3A_266 = arith.constant 128 : i32
      %parallel_loop3A_267 = arith.constant 1 : i32
      scf.for %parallel_loop3A_516 = %parallel_loop3A_265 to %parallel_loop3A_266 step %parallel_loop3A_267  : i32 {
        %parallel_loop3A_517 = arith.constant 16 : i32
        %parallel_loop3A_518 = arith.muli %parallel_loop3A_516, %parallel_loop3A_517 : i32
        %parallel_loop3A_519 = arith.constant 6 : i32
        %parallel_loop3A_520 = arith.index_cast %parallel_loop3A_519 : i32 to index
        %parallel_loop3A_521 = arith.index_cast %parallel_loop3A_518 : i32 to index
        %parallel_loop3A_522 = tpu.vector_load %arg15[%parallel_loop3A_520, %parallel_loop3A_521] {strides = array<i32>} : memref<8x2048xf32, #tpu.memory_space<vmem>>, vector<1x16xf32>,
        %parallel_loop3A_523 = vector.shape_cast %parallel_loop3A_522 : vector<1x16xf32> to vector<16xf32>
        %parallel_loop3A_524 = arith.mulf %get3A_264, %parallel_loop3A_523 : vector<16xf32>
        %parallel_loop3A_525 = arith.constant 6 : i32
        %parallel_loop3A_526 = arith.index_cast %parallel_loop3A_525 : i32 to index
        %parallel_loop3A_527 = arith.index_cast %parallel_loop3A_518 : i32 to index
        %parallel_loop3A_528 = tpu.vector_load %arg12[%parallel_loop3A_526, %parallel_loop3A_527] {strides = array<i32>} : memref<8x2048xf32, #tpu.memory_space<vmem>>, vector<1x16xf32>,
        %parallel_loop3A_529 = vector.shape_cast %parallel_loop3A_528 : vector<1x16xf32> to vector<16xf32>
        %parallel_loop3A_530 = vector.shape_cast %parallel_loop3A_524 : vector<16xf32> to vector<1x16xf32>
        tpu.vector_store %arg12[%parallel_loop3A_526, %parallel_loop3A_527], %parallel_loop3A_530 {add = true, strides = array<i32>} : memref<8x2048xf32, #tpu.memory_space<vmem>>, vector<1x16xf32>,
      } {sc.loop_unroll_factor = 8 : i64, sc.parallel_access}
      %get3A_268 = arith.constant 7 : i32
      %get3A_269 = arith.index_cast %get3A_268 : i32 to index
      %get3A_270 = arith.constant 0 : index
      %get3A_271 = tpu.vector_load %arg9[%get3A_269, %get3A_270] {strides = array<i32>} : memref<8x128xf32, #tpu.memory_space<vmem>>, vector<1x16xf32>,
      %get3A_272 = vector.shape_cast %get3A_271 : vector<1x16xf32> to vector<16xf32>
      %parallel_loop3A_273 = arith.constant 0 : i32
      %parallel_loop3A_274 = arith.constant 128 : i32
      %parallel_loop3A_275 = arith.constant 1 : i32
      scf.for %parallel_loop3A_516 = %parallel_loop3A_273 to %parallel_loop3A_274 step %parallel_loop3A_275  : i32 {
        %parallel_loop3A_517 = arith.constant 16 : i32
        %parallel_loop3A_518 = arith.muli %parallel_loop3A_516, %parallel_loop3A_517 : i32
        %parallel_loop3A_519 = arith.constant 7 : i32
        %parallel_loop3A_520 = arith.index_cast %parallel_loop3A_519 : i32 to index
        %parallel_loop3A_521 = arith.index_cast %parallel_loop3A_518 : i32 to index
        %parallel_loop3A_522 = tpu.vector_load %arg15[%parallel_loop3A_520, %parallel_loop3A_521] {strides = array<i32>} : memref<8x2048xf32, #tpu.memory_space<vmem>>, vector<1x16xf32>,
        %parallel_loop3A_523 = vector.shape_cast %parallel_loop3A_522 : vector<1x16xf32> to vector<16xf32>
        %parallel_loop3A_524 = arith.mulf %get3A_272, %parallel_loop3A_523 : vector<16xf32>
        %parallel_loop3A_525 = arith.constant 7 : i32
        %parallel_loop3A_526 = arith.index_cast %parallel_loop3A_525 : i32 to index
        %parallel_loop3A_527 = arith.index_cast %parallel_loop3A_518 : i32 to index
        %parallel_loop3A_528 = tpu.vector_load %arg12[%parallel_loop3A_526, %parallel_loop3A_527] {strides = array<i32>} : memref<8x2048xf32, #tpu.memory_space<vmem>>, vector<1x16xf32>,
        %parallel_loop3A_529 = vector.shape_cast %parallel_loop3A_528 : vector<1x16xf32> to vector<16xf32>
        %parallel_loop3A_530 = vector.shape_cast %parallel_loop3A_524 : vector<16xf32> to vector<1x16xf32>
        tpu.vector_store %arg12[%parallel_loop3A_526, %parallel_loop3A_527], %parallel_loop3A_530 {add = true, strides = array<i32>} : memref<8x2048xf32, #tpu.memory_space<vmem>>, vector<1x16xf32>,
      } {sc.loop_unroll_factor = 8 : i64, sc.parallel_access}
      %mul3A_276 = arith.constant 8 : i32
      %mul3A_277 = arith.muli %add3A_183, %mul3A_276 : i32
      %add3A_278 = arith.addi %mul3A_2, %mul3A_277 : i32
      %dma_start3A_279 = arith.constant 0 : i32
      %dma_start3A_280 = arith.constant 0 : i32
      %dma_start3A_281 = tpu.memref_slice %arg6[%add3A_278, %dma_start3A_280] : memref<16384x2048xf32, #tpu.memory_space<hbm>> -> memref<8x2048xf32, #tpu.memory_space<hbm>>
      %dma_start3A_282 = tpu.memref_slice %arg20[%dma_start3A_279] : memref<3x!tpu.dma_semaphore, #tpu.memory_space<semaphore_mem>> -> memref<1x!tpu.dma_semaphore, #tpu.memory_space<semaphore_mem>>
      %dma_start3A_283 = tpu.memref_squeeze %dma_start3A_282 : memref<1x!tpu.dma_semaphore, #tpu.memory_space<semaphore_mem>> -> memref<!tpu.dma_semaphore, #tpu.memory_space<semaphore_mem>>
      %dma_start3A_284 = arith.constant 0 : i32
      %dma_start3A_285 = tpu.memref_slice %arg6[%add3A_278, %dma_start3A_284] : memref<16384x2048xf32, #tpu.memory_space<hbm>> -> memref<8x2048xf32, #tpu.memory_space<hbm>>
      tpu.enqueue_dma source(%arg12 : memref<8x2048xf32, #tpu.memory_space<vmem>>) target(%dma_start3A_285 : memref<8x2048xf32, #tpu.memory_space<hbm>>) target_semaphore(%dma_start3A_283 : memref<!tpu.dma_semaphore, #tpu.memory_space<semaphore_mem>>)
      %add3A_286 = arith.constant 2 : i32
      %add3A_287 = arith.addi %add3A_183, %add3A_286 : i32
      %lt3A = arith.constant 64 : i32
      %lt3A_288 = arith.cmpi slt, %add3A_287, %lt3A : i32
      %convert_element_type3A = arith.extui %lt3A_288 : i1 to i32
      %cond3A = arith.constant 0 : i32
      %cond3A_289 = arith.cmpi ne, %convert_element_type3A, %cond3A : i32
      scf.if %cond3A_289 {
        %ge3A = arith.constant 1 : i32
        %ge3A_516 = arith.cmpi sge, %add3A_183, %ge3A : i32
        %convert_element_type3A_517 = arith.extui %ge3A_516 : i1 to i32
        %cond3A_518 = arith.constant 0 : i32
        %cond3A_519 = arith.cmpi ne, %convert_element_type3A_517, %cond3A_518 : i32
        scf.if %cond3A_519 {
          %dma_wait3A_550 = arith.constant 2 : i32
          %dma_wait3A_551 = arith.constant 0 : i32
          %dma_wait3A_552 = tpu.memref_slice %arg6[%mul3A_2, %dma_wait3A_551] : memref<16384x2048xf32, #tpu.memory_space<hbm>> -> memref<8x2048xf32, #tpu.memory_space<hbm>>
          %dma_wait3A_553 = tpu.memref_slice %arg20[%dma_wait3A_550] : memref<3x!tpu.dma_semaphore, #tpu.memory_space<semaphore_mem>> -> memref<1x!tpu.dma_semaphore, #tpu.memory_space<semaphore_mem>>
          %dma_wait3A_554 = tpu.memref_squeeze %dma_wait3A_553 : memref<1x!tpu.dma_semaphore, #tpu.memory_space<semaphore_mem>> -> memref<!tpu.dma_semaphore, #tpu.memory_space<semaphore_mem>>
          %dma_wait3A_555 = arith.constant 0 : i32
          %dma_wait3A_556 = tpu.memref_slice %arg6[%mul3A_2, %dma_wait3A_555] : memref<16384x2048xf32, #tpu.memory_space<hbm>> -> memref<8x2048xf32, #tpu.memory_space<hbm>>
          tpu.wait_dma2 semaphore(%dma_wait3A_554 : memref<!tpu.dma_semaphore, #tpu.memory_space<semaphore_mem>>) src(%arg14 : memref<8x2048xf32, #tpu.memory_space<vmem>>) dst(%dma_wait3A_556 : memref<8x2048xf32, #tpu.memory_space<hbm>>)
        } else {
        }
        %add3A_520 = arith.constant 2 : i32
        %add3A_521 = arith.addi %add3A_183, %add3A_520 : i32
        %mul3A_522 = arith.constant 8 : i32
        %mul3A_523 = arith.muli %add3A_521, %mul3A_522 : i32
        %add3A_524 = arith.addi %mul3A_2, %mul3A_523 : i32
        %dma_start3A_525 = arith.constant 2 : i32
        %dma_start3A_526 = arith.constant 0 : i32
        %dma_start3A_527 = tpu.memref_slice %arg2[%add3A_524, %dma_start3A_526] : memref<16384x2048xf32, #tpu.memory_space<hbm>> -> memref<8x2048xf32, #tpu.memory_space<hbm>>
        %dma_start3A_528 = tpu.memref_slice %arg18[%dma_start3A_525] : memref<3x!tpu.dma_semaphore, #tpu.memory_space<semaphore_mem>> -> memref<1x!tpu.dma_semaphore, #tpu.memory_space<semaphore_mem>>
        %dma_start3A_529 = tpu.memref_squeeze %dma_start3A_528 : memref<1x!tpu.dma_semaphore, #tpu.memory_space<semaphore_mem>> -> memref<!tpu.dma_semaphore, #tpu.memory_space<semaphore_mem>>
        %dma_start3A_530 = arith.constant 0 : i32
        %dma_start3A_531 = tpu.memref_slice %arg2[%add3A_524, %dma_start3A_530] : memref<16384x2048xf32, #tpu.memory_space<hbm>> -> memref<8x2048xf32, #tpu.memory_space<hbm>>
        tpu.enqueue_dma source(%dma_start3A_531 : memref<8x2048xf32, #tpu.memory_space<hbm>>) target(%arg14 : memref<8x2048xf32, #tpu.memory_space<vmem>>) target_semaphore(%dma_start3A_529 : memref<!tpu.dma_semaphore, #tpu.memory_space<semaphore_mem>>)
        %mul3A_532 = arith.constant 8 : i32
        %mul3A_533 = arith.muli %add3A_521, %mul3A_532 : i32
        %dma_start3A_534 = arith.constant 2 : i32
        %dma_start3A_535 = tpu.memref_slice %arg8[%mul3A_533] : memref<512xi32, #tpu.memory_space<vmem>> -> memref<8xi32, #tpu.memory_space<vmem>>
        %dma_start3A_536 = arith.constant 0 : i32
        %dma_start3A_537 = arith.constant 0 : i32
        %dma_start3A_538 = tpu.memref_slice %arg3[%dma_start3A_536, %dma_start3A_537] : memref<4096x2048xf32, #tpu.memory_space<hbm>> -> memref<4096x2048xf32, #tpu.memory_space<hbm>>
        %dma_start3A_539 = tpu.memref_slice %arg19[%dma_start3A_534] : memref<3x!tpu.dma_semaphore, #tpu.memory_space<semaphore_mem>> -> memref<1x!tpu.dma_semaphore, #tpu.memory_space<semaphore_mem>>
        %dma_start3A_540 = tpu.memref_squeeze %dma_start3A_539 : memref<1x!tpu.dma_semaphore, #tpu.memory_space<semaphore_mem>> -> memref<!tpu.dma_semaphore, #tpu.memory_space<semaphore_mem>>
        tpu.enqueue_indirect_dma source(%dma_start3A_538 : memref<4096x2048xf32, #tpu.memory_space<hbm>>) target(%arg17 : memref<8x2048xf32, #tpu.memory_space<vmem>>) offsets(%dma_start3A_535 : memref<8xi32, #tpu.memory_space<vmem>>) semaphore(%dma_start3A_540 : memref<!tpu.dma_semaphore, #tpu.memory_space<semaphore_mem>>)
        %mul3A_541 = arith.constant 8 : i32
        %mul3A_542 = arith.muli %add3A_521, %mul3A_541 : i32
        %dma_start3A_543 = arith.constant 2 : i32
        %dma_start3A_544 = tpu.memref_slice %arg7[%mul3A_542] : memref<512xi32, #tpu.memory_space<vmem>> -> memref<8xi32, #tpu.memory_space<vmem>>
        %dma_start3A_545 = arith.constant 0 : i32
        %dma_start3A_546 = arith.constant 0 : i32
        %dma_start3A_547 = tpu.memref_slice %arg4[%dma_start3A_545, %dma_start3A_546] : memref<4608x128xf32, #tpu.memory_space<hbm>> -> memref<4608x128xf32, #tpu.memory_space<hbm>>
        %dma_start3A_548 = tpu.memref_slice %arg21[%dma_start3A_543] : memref<3x!tpu.dma_semaphore, #tpu.memory_space<semaphore_mem>> -> memref<1x!tpu.dma_semaphore, #tpu.memory_space<semaphore_mem>>
        %dma_start3A_549 = tpu.memref_squeeze %dma_start3A_548 : memref<1x!tpu.dma_semaphore, #tpu.memory_space<semaphore_mem>> -> memref<!tpu.dma_semaphore, #tpu.memory_space<semaphore_mem>>
        tpu.enqueue_indirect_dma source(%dma_start3A_547 : memref<4608x128xf32, #tpu.memory_space<hbm>>) target(%arg11 : memref<8x128xf32, #tpu.memory_space<vmem>>) offsets(%dma_start3A_544 : memref<8xi32, #tpu.memory_space<vmem>>) semaphore(%dma_start3A_549 : memref<!tpu.dma_semaphore, #tpu.memory_space<semaphore_mem>>)
      } else {
      }
      %mul3A_290 = arith.constant 3 : i32
      %mul3A_291 = arith.muli %scan3A_179, %mul3A_290 : i32
      %add3A_292 = arith.constant 1 : i32
      %add3A_293 = arith.addi %mul3A_291, %add3A_292 : i32
      %mul3A_294 = arith.constant 8 : i32
      %mul3A_295 = arith.muli %add3A_293, %mul3A_294 : i32
      %add3A_296 = arith.addi %mul3A_2, %mul3A_295 : i32
      %dma_wait3A_297 = arith.constant 1 : i32
      %dma_wait3A_298 = arith.constant 0 : i32
      %dma_wait3A_299 = tpu.memref_slice %arg2[%add3A_296, %dma_wait3A_298] : memref<16384x2048xf32, #tpu.memory_space<hbm>> -> memref<8x2048xf32, #tpu.memory_space<hbm>>
      %dma_wait3A_300 = tpu.memref_slice %arg18[%dma_wait3A_297] : memref<3x!tpu.dma_semaphore, #tpu.memory_space<semaphore_mem>> -> memref<1x!tpu.dma_semaphore, #tpu.memory_space<semaphore_mem>>
      %dma_wait3A_301 = tpu.memref_squeeze %dma_wait3A_300 : memref<1x!tpu.dma_semaphore, #tpu.memory_space<semaphore_mem>> -> memref<!tpu.dma_semaphore, #tpu.memory_space<semaphore_mem>>
      %dma_wait3A_302 = arith.constant 0 : i32
      %dma_wait3A_303 = tpu.memref_slice %arg2[%add3A_296, %dma_wait3A_302] : memref<16384x2048xf32, #tpu.memory_space<hbm>> -> memref<8x2048xf32, #tpu.memory_space<hbm>>
      tpu.wait_dma2 semaphore(%dma_wait3A_301 : memref<!tpu.dma_semaphore, #tpu.memory_space<semaphore_mem>>) src(%dma_wait3A_303 : memref<8x2048xf32, #tpu.memory_space<hbm>>) dst(%arg13 : memref<8x2048xf32, #tpu.memory_space<vmem>>)
      %mul3A_304 = arith.constant 8 : i32
      %mul3A_305 = arith.muli %add3A_293, %mul3A_304 : i32
      %dma_wait3A_306 = arith.constant 1 : i32
      %dma_wait3A_307 = tpu.memref_slice %arg8[%mul3A_305] : memref<512xi32, #tpu.memory_space<vmem>> -> memref<8xi32, #tpu.memory_space<vmem>>
      %dma_wait3A_308 = arith.constant 0 : i32
      %dma_wait3A_309 = arith.constant 0 : i32
      %dma_wait3A_310 = tpu.memref_slice %arg3[%dma_wait3A_308, %dma_wait3A_309] : memref<4096x2048xf32, #tpu.memory_space<hbm>> -> memref<4096x2048xf32, #tpu.memory_space<hbm>>
      %dma_wait3A_311 = tpu.memref_slice %arg19[%dma_wait3A_306] : memref<3x!tpu.dma_semaphore, #tpu.memory_space<semaphore_mem>> -> memref<1x!tpu.dma_semaphore, #tpu.memory_space<semaphore_mem>>
      %dma_wait3A_312 = tpu.memref_squeeze %dma_wait3A_311 : memref<1x!tpu.dma_semaphore, #tpu.memory_space<semaphore_mem>> -> memref<!tpu.dma_semaphore, #tpu.memory_space<semaphore_mem>>
      tpu.wait_indirect_dma semaphore(%dma_wait3A_312 : memref<!tpu.dma_semaphore, #tpu.memory_space<semaphore_mem>>) src(%dma_wait3A_310 : memref<4096x2048xf32, #tpu.memory_space<hbm>>) dst(%arg16 : memref<8x2048xf32, #tpu.memory_space<vmem>>)
      %mul3A_313 = arith.constant 8 : i32
      %mul3A_314 = arith.muli %add3A_293, %mul3A_313 : i32
      %dma_wait3A_315 = arith.constant 1 : i32
      %dma_wait3A_316 = tpu.memref_slice %arg7[%mul3A_314] : memref<512xi32, #tpu.memory_space<vmem>> -> memref<8xi32, #tpu.memory_space<vmem>>
      %dma_wait3A_317 = arith.constant 0 : i32
      %dma_wait3A_318 = arith.constant 0 : i32
      %dma_wait3A_319 = tpu.memref_slice %arg4[%dma_wait3A_317, %dma_wait3A_318] : memref<4608x128xf32, #tpu.memory_space<hbm>> -> memref<4608x128xf32, #tpu.memory_space<hbm>>
      %dma_wait3A_320 = tpu.memref_slice %arg21[%dma_wait3A_315] : memref<3x!tpu.dma_semaphore, #tpu.memory_space<semaphore_mem>> -> memref<1x!tpu.dma_semaphore, #tpu.memory_space<semaphore_mem>>
      %dma_wait3A_321 = tpu.memref_squeeze %dma_wait3A_320 : memref<1x!tpu.dma_semaphore, #tpu.memory_space<semaphore_mem>> -> memref<!tpu.dma_semaphore, #tpu.memory_space<semaphore_mem>>
      tpu.wait_indirect_dma semaphore(%dma_wait3A_321 : memref<!tpu.dma_semaphore, #tpu.memory_space<semaphore_mem>>) src(%dma_wait3A_319 : memref<4608x128xf32, #tpu.memory_space<hbm>>) dst(%arg10 : memref<8x128xf32, #tpu.memory_space<vmem>>)
      %get3A_322 = arith.constant 0 : i32
      %get3A_323 = arith.index_cast %get3A_322 : i32 to index
      %get3A_324 = arith.constant 0 : index
      %get3A_325 = tpu.vector_load %arg10[%get3A_323, %get3A_324] {strides = array<i32>} : memref<8x128xf32, #tpu.memory_space<vmem>>, vector<1x16xf32>,
      %get3A_326 = vector.shape_cast %get3A_325 : vector<1x16xf32> to vector<16xf32>
      %parallel_loop3A_327 = arith.constant 0 : i32
      %parallel_loop3A_328 = arith.constant 128 : i32
      %parallel_loop3A_329 = arith.constant 1 : i32
      scf.for %parallel_loop3A_516 = %parallel_loop3A_327 to %parallel_loop3A_328 step %parallel_loop3A_329  : i32 {
        %parallel_loop3A_517 = arith.constant 16 : i32
        %parallel_loop3A_518 = arith.muli %parallel_loop3A_516, %parallel_loop3A_517 : i32
        %parallel_loop3A_519 = arith.constant 0 : i32
        %parallel_loop3A_520 = arith.index_cast %parallel_loop3A_519 : i32 to index
        %parallel_loop3A_521 = arith.index_cast %parallel_loop3A_518 : i32 to index
        %parallel_loop3A_522 = tpu.vector_load %arg16[%parallel_loop3A_520, %parallel_loop3A_521] {strides = array<i32>} : memref<8x2048xf32, #tpu.memory_space<vmem>>, vector<1x16xf32>,
        %parallel_loop3A_523 = vector.shape_cast %parallel_loop3A_522 : vector<1x16xf32> to vector<16xf32>
        %parallel_loop3A_524 = arith.mulf %get3A_326, %parallel_loop3A_523 : vector<16xf32>
        %parallel_loop3A_525 = arith.constant 0 : i32
        %parallel_loop3A_526 = arith.index_cast %parallel_loop3A_525 : i32 to index
        %parallel_loop3A_527 = arith.index_cast %parallel_loop3A_518 : i32 to index
        %parallel_loop3A_528 = tpu.vector_load %arg13[%parallel_loop3A_526, %parallel_loop3A_527] {strides = array<i32>} : memref<8x2048xf32, #tpu.memory_space<vmem>>, vector<1x16xf32>,
        %parallel_loop3A_529 = vector.shape_cast %parallel_loop3A_528 : vector<1x16xf32> to vector<16xf32>
        %parallel_loop3A_530 = vector.shape_cast %parallel_loop3A_524 : vector<16xf32> to vector<1x16xf32>
        tpu.vector_store %arg13[%parallel_loop3A_526, %parallel_loop3A_527], %parallel_loop3A_530 {add = true, strides = array<i32>} : memref<8x2048xf32, #tpu.memory_space<vmem>>, vector<1x16xf32>,
      } {sc.loop_unroll_factor = 8 : i64, sc.parallel_access}
      %get3A_330 = arith.constant 1 : i32
      %get3A_331 = arith.index_cast %get3A_330 : i32 to index
      %get3A_332 = arith.constant 0 : index
      %get3A_333 = tpu.vector_load %arg10[%get3A_331, %get3A_332] {strides = array<i32>} : memref<8x128xf32, #tpu.memory_space<vmem>>, vector<1x16xf32>,
      %get3A_334 = vector.shape_cast %get3A_333 : vector<1x16xf32> to vector<16xf32>
      %parallel_loop3A_335 = arith.constant 0 : i32
      %parallel_loop3A_336 = arith.constant 128 : i32
      %parallel_loop3A_337 = arith.constant 1 : i32
      scf.for %parallel_loop3A_516 = %parallel_loop3A_335 to %parallel_loop3A_336 step %parallel_loop3A_337  : i32 {
        %parallel_loop3A_517 = arith.constant 16 : i32
        %parallel_loop3A_518 = arith.muli %parallel_loop3A_516, %parallel_loop3A_517 : i32
        %parallel_loop3A_519 = arith.constant 1 : i32
        %parallel_loop3A_520 = arith.index_cast %parallel_loop3A_519 : i32 to index
        %parallel_loop3A_521 = arith.index_cast %parallel_loop3A_518 : i32 to index
        %parallel_loop3A_522 = tpu.vector_load %arg16[%parallel_loop3A_520, %parallel_loop3A_521] {strides = array<i32>} : memref<8x2048xf32, #tpu.memory_space<vmem>>, vector<1x16xf32>,
        %parallel_loop3A_523 = vector.shape_cast %parallel_loop3A_522 : vector<1x16xf32> to vector<16xf32>
        %parallel_loop3A_524 = arith.mulf %get3A_334, %parallel_loop3A_523 : vector<16xf32>
        %parallel_loop3A_525 = arith.constant 1 : i32
        %parallel_loop3A_526 = arith.index_cast %parallel_loop3A_525 : i32 to index
        %parallel_loop3A_527 = arith.index_cast %parallel_loop3A_518 : i32 to index
        %parallel_loop3A_528 = tpu.vector_load %arg13[%parallel_loop3A_526, %parallel_loop3A_527] {strides = array<i32>} : memref<8x2048xf32, #tpu.memory_space<vmem>>, vector<1x16xf32>,
        %parallel_loop3A_529 = vector.shape_cast %parallel_loop3A_528 : vector<1x16xf32> to vector<16xf32>
        %parallel_loop3A_530 = vector.shape_cast %parallel_loop3A_524 : vector<16xf32> to vector<1x16xf32>
        tpu.vector_store %arg13[%parallel_loop3A_526, %parallel_loop3A_527], %parallel_loop3A_530 {add = true, strides = array<i32>} : memref<8x2048xf32, #tpu.memory_space<vmem>>, vector<1x16xf32>,
      } {sc.loop_unroll_factor = 8 : i64, sc.parallel_access}
      %get3A_338 = arith.constant 2 : i32
      %get3A_339 = arith.index_cast %get3A_338 : i32 to index
      %get3A_340 = arith.constant 0 : index
      %get3A_341 = tpu.vector_load %arg10[%get3A_339, %get3A_340] {strides = array<i32>} : memref<8x128xf32, #tpu.memory_space<vmem>>, vector<1x16xf32>,
      %get3A_342 = vector.shape_cast %get3A_341 : vector<1x16xf32> to vector<16xf32>
      %parallel_loop3A_343 = arith.constant 0 : i32
      %parallel_loop3A_344 = arith.constant 128 : i32
      %parallel_loop3A_345 = arith.constant 1 : i32
      scf.for %parallel_loop3A_516 = %parallel_loop3A_343 to %parallel_loop3A_344 step %parallel_loop3A_345  : i32 {
        %parallel_loop3A_517 = arith.constant 16 : i32
        %parallel_loop3A_518 = arith.muli %parallel_loop3A_516, %parallel_loop3A_517 : i32
        %parallel_loop3A_519 = arith.constant 2 : i32
        %parallel_loop3A_520 = arith.index_cast %parallel_loop3A_519 : i32 to index
        %parallel_loop3A_521 = arith.index_cast %parallel_loop3A_518 : i32 to index
        %parallel_loop3A_522 = tpu.vector_load %arg16[%parallel_loop3A_520, %parallel_loop3A_521] {strides = array<i32>} : memref<8x2048xf32, #tpu.memory_space<vmem>>, vector<1x16xf32>,
        %parallel_loop3A_523 = vector.shape_cast %parallel_loop3A_522 : vector<1x16xf32> to vector<16xf32>
        %parallel_loop3A_524 = arith.mulf %get3A_342, %parallel_loop3A_523 : vector<16xf32>
        %parallel_loop3A_525 = arith.constant 2 : i32
        %parallel_loop3A_526 = arith.index_cast %parallel_loop3A_525 : i32 to index
        %parallel_loop3A_527 = arith.index_cast %parallel_loop3A_518 : i32 to index
        %parallel_loop3A_528 = tpu.vector_load %arg13[%parallel_loop3A_526, %parallel_loop3A_527] {strides = array<i32>} : memref<8x2048xf32, #tpu.memory_space<vmem>>, vector<1x16xf32>,
        %parallel_loop3A_529 = vector.shape_cast %parallel_loop3A_528 : vector<1x16xf32> to vector<16xf32>
        %parallel_loop3A_530 = vector.shape_cast %parallel_loop3A_524 : vector<16xf32> to vector<1x16xf32>
        tpu.vector_store %arg13[%parallel_loop3A_526, %parallel_loop3A_527], %parallel_loop3A_530 {add = true, strides = array<i32>} : memref<8x2048xf32, #tpu.memory_space<vmem>>, vector<1x16xf32>,
      } {sc.loop_unroll_factor = 8 : i64, sc.parallel_access}
      %get3A_346 = arith.constant 3 : i32
      %get3A_347 = arith.index_cast %get3A_346 : i32 to index
      %get3A_348 = arith.constant 0 : index
      %get3A_349 = tpu.vector_load %arg10[%get3A_347, %get3A_348] {strides = array<i32>} : memref<8x128xf32, #tpu.memory_space<vmem>>, vector<1x16xf32>,
      %get3A_350 = vector.shape_cast %get3A_349 : vector<1x16xf32> to vector<16xf32>
      %parallel_loop3A_351 = arith.constant 0 : i32
      %parallel_loop3A_352 = arith.constant 128 : i32
      %parallel_loop3A_353 = arith.constant 1 : i32
      scf.for %parallel_loop3A_516 = %parallel_loop3A_351 to %parallel_loop3A_352 step %parallel_loop3A_353  : i32 {
        %parallel_loop3A_517 = arith.constant 16 : i32
        %parallel_loop3A_518 = arith.muli %parallel_loop3A_516, %parallel_loop3A_517 : i32
        %parallel_loop3A_519 = arith.constant 3 : i32
        %parallel_loop3A_520 = arith.index_cast %parallel_loop3A_519 : i32 to index
        %parallel_loop3A_521 = arith.index_cast %parallel_loop3A_518 : i32 to index
        %parallel_loop3A_522 = tpu.vector_load %arg16[%parallel_loop3A_520, %parallel_loop3A_521] {strides = array<i32>} : memref<8x2048xf32, #tpu.memory_space<vmem>>, vector<1x16xf32>,
        %parallel_loop3A_523 = vector.shape_cast %parallel_loop3A_522 : vector<1x16xf32> to vector<16xf32>
        %parallel_loop3A_524 = arith.mulf %get3A_350, %parallel_loop3A_523 : vector<16xf32>
        %parallel_loop3A_525 = arith.constant 3 : i32
        %parallel_loop3A_526 = arith.index_cast %parallel_loop3A_525 : i32 to index
        %parallel_loop3A_527 = arith.index_cast %parallel_loop3A_518 : i32 to index
        %parallel_loop3A_528 = tpu.vector_load %arg13[%parallel_loop3A_526, %parallel_loop3A_527] {strides = array<i32>} : memref<8x2048xf32, #tpu.memory_space<vmem>>, vector<1x16xf32>,
        %parallel_loop3A_529 = vector.shape_cast %parallel_loop3A_528 : vector<1x16xf32> to vector<16xf32>
        %parallel_loop3A_530 = vector.shape_cast %parallel_loop3A_524 : vector<16xf32> to vector<1x16xf32>
        tpu.vector_store %arg13[%parallel_loop3A_526, %parallel_loop3A_527], %parallel_loop3A_530 {add = true, strides = array<i32>} : memref<8x2048xf32, #tpu.memory_space<vmem>>, vector<1x16xf32>,
      } {sc.loop_unroll_factor = 8 : i64, sc.parallel_access}
      %get3A_354 = arith.constant 4 : i32
      %get3A_355 = arith.index_cast %get3A_354 : i32 to index
      %get3A_356 = arith.constant 0 : index
      %get3A_357 = tpu.vector_load %arg10[%get3A_355, %get3A_356] {strides = array<i32>} : memref<8x128xf32, #tpu.memory_space<vmem>>, vector<1x16xf32>,
      %get3A_358 = vector.shape_cast %get3A_357 : vector<1x16xf32> to vector<16xf32>
      %parallel_loop3A_359 = arith.constant 0 : i32
      %parallel_loop3A_360 = arith.constant 128 : i32
      %parallel_loop3A_361 = arith.constant 1 : i32
      scf.for %parallel_loop3A_516 = %parallel_loop3A_359 to %parallel_loop3A_360 step %parallel_loop3A_361  : i32 {
        %parallel_loop3A_517 = arith.constant 16 : i32
        %parallel_loop3A_518 = arith.muli %parallel_loop3A_516, %parallel_loop3A_517 : i32
        %parallel_loop3A_519 = arith.constant 4 : i32
        %parallel_loop3A_520 = arith.index_cast %parallel_loop3A_519 : i32 to index
        %parallel_loop3A_521 = arith.index_cast %parallel_loop3A_518 : i32 to index
        %parallel_loop3A_522 = tpu.vector_load %arg16[%parallel_loop3A_520, %parallel_loop3A_521] {strides = array<i32>} : memref<8x2048xf32, #tpu.memory_space<vmem>>, vector<1x16xf32>,
        %parallel_loop3A_523 = vector.shape_cast %parallel_loop3A_522 : vector<1x16xf32> to vector<16xf32>
        %parallel_loop3A_524 = arith.mulf %get3A_358, %parallel_loop3A_523 : vector<16xf32>
        %parallel_loop3A_525 = arith.constant 4 : i32
        %parallel_loop3A_526 = arith.index_cast %parallel_loop3A_525 : i32 to index
        %parallel_loop3A_527 = arith.index_cast %parallel_loop3A_518 : i32 to index
        %parallel_loop3A_528 = tpu.vector_load %arg13[%parallel_loop3A_526, %parallel_loop3A_527] {strides = array<i32>} : memref<8x2048xf32, #tpu.memory_space<vmem>>, vector<1x16xf32>,
        %parallel_loop3A_529 = vector.shape_cast %parallel_loop3A_528 : vector<1x16xf32> to vector<16xf32>
        %parallel_loop3A_530 = vector.shape_cast %parallel_loop3A_524 : vector<16xf32> to vector<1x16xf32>
        tpu.vector_store %arg13[%parallel_loop3A_526, %parallel_loop3A_527], %parallel_loop3A_530 {add = true, strides = array<i32>} : memref<8x2048xf32, #tpu.memory_space<vmem>>, vector<1x16xf32>,
      } {sc.loop_unroll_factor = 8 : i64, sc.parallel_access}
      %get3A_362 = arith.constant 5 : i32
      %get3A_363 = arith.index_cast %get3A_362 : i32 to index
      %get3A_364 = arith.constant 0 : index
      %get3A_365 = tpu.vector_load %arg10[%get3A_363, %get3A_364] {strides = array<i32>} : memref<8x128xf32, #tpu.memory_space<vmem>>, vector<1x16xf32>,
      %get3A_366 = vector.shape_cast %get3A_365 : vector<1x16xf32> to vector<16xf32>
      %parallel_loop3A_367 = arith.constant 0 : i32
      %parallel_loop3A_368 = arith.constant 128 : i32
      %parallel_loop3A_369 = arith.constant 1 : i32
      scf.for %parallel_loop3A_516 = %parallel_loop3A_367 to %parallel_loop3A_368 step %parallel_loop3A_369  : i32 {
        %parallel_loop3A_517 = arith.constant 16 : i32
        %parallel_loop3A_518 = arith.muli %parallel_loop3A_516, %parallel_loop3A_517 : i32
        %parallel_loop3A_519 = arith.constant 5 : i32
        %parallel_loop3A_520 = arith.index_cast %parallel_loop3A_519 : i32 to index
        %parallel_loop3A_521 = arith.index_cast %parallel_loop3A_518 : i32 to index
        %parallel_loop3A_522 = tpu.vector_load %arg16[%parallel_loop3A_520, %parallel_loop3A_521] {strides = array<i32>} : memref<8x2048xf32, #tpu.memory_space<vmem>>, vector<1x16xf32>,
        %parallel_loop3A_523 = vector.shape_cast %parallel_loop3A_522 : vector<1x16xf32> to vector<16xf32>
        %parallel_loop3A_524 = arith.mulf %get3A_366, %parallel_loop3A_523 : vector<16xf32>
        %parallel_loop3A_525 = arith.constant 5 : i32
        %parallel_loop3A_526 = arith.index_cast %parallel_loop3A_525 : i32 to index
        %parallel_loop3A_527 = arith.index_cast %parallel_loop3A_518 : i32 to index
        %parallel_loop3A_528 = tpu.vector_load %arg13[%parallel_loop3A_526, %parallel_loop3A_527] {strides = array<i32>} : memref<8x2048xf32, #tpu.memory_space<vmem>>, vector<1x16xf32>,
        %parallel_loop3A_529 = vector.shape_cast %parallel_loop3A_528 : vector<1x16xf32> to vector<16xf32>
        %parallel_loop3A_530 = vector.shape_cast %parallel_loop3A_524 : vector<16xf32> to vector<1x16xf32>
        tpu.vector_store %arg13[%parallel_loop3A_526, %parallel_loop3A_527], %parallel_loop3A_530 {add = true, strides = array<i32>} : memref<8x2048xf32, #tpu.memory_space<vmem>>, vector<1x16xf32>,
      } {sc.loop_unroll_factor = 8 : i64, sc.parallel_access}
      %get3A_370 = arith.constant 6 : i32
      %get3A_371 = arith.index_cast %get3A_370 : i32 to index
      %get3A_372 = arith.constant 0 : index
      %get3A_373 = tpu.vector_load %arg10[%get3A_371, %get3A_372] {strides = array<i32>} : memref<8x128xf32, #tpu.memory_space<vmem>>, vector<1x16xf32>,
      %get3A_374 = vector.shape_cast %get3A_373 : vector<1x16xf32> to vector<16xf32>
      %parallel_loop3A_375 = arith.constant 0 : i32
      %parallel_loop3A_376 = arith.constant 128 : i32
      %parallel_loop3A_377 = arith.constant 1 : i32
      scf.for %parallel_loop3A_516 = %parallel_loop3A_375 to %parallel_loop3A_376 step %parallel_loop3A_377  : i32 {
        %parallel_loop3A_517 = arith.constant 16 : i32
        %parallel_loop3A_518 = arith.muli %parallel_loop3A_516, %parallel_loop3A_517 : i32
        %parallel_loop3A_519 = arith.constant 6 : i32
        %parallel_loop3A_520 = arith.index_cast %parallel_loop3A_519 : i32 to index
        %parallel_loop3A_521 = arith.index_cast %parallel_loop3A_518 : i32 to index
        %parallel_loop3A_522 = tpu.vector_load %arg16[%parallel_loop3A_520, %parallel_loop3A_521] {strides = array<i32>} : memref<8x2048xf32, #tpu.memory_space<vmem>>, vector<1x16xf32>,
        %parallel_loop3A_523 = vector.shape_cast %parallel_loop3A_522 : vector<1x16xf32> to vector<16xf32>
        %parallel_loop3A_524 = arith.mulf %get3A_374, %parallel_loop3A_523 : vector<16xf32>
        %parallel_loop3A_525 = arith.constant 6 : i32
        %parallel_loop3A_526 = arith.index_cast %parallel_loop3A_525 : i32 to index
        %parallel_loop3A_527 = arith.index_cast %parallel_loop3A_518 : i32 to index
        %parallel_loop3A_528 = tpu.vector_load %arg13[%parallel_loop3A_526, %parallel_loop3A_527] {strides = array<i32>} : memref<8x2048xf32, #tpu.memory_space<vmem>>, vector<1x16xf32>,
        %parallel_loop3A_529 = vector.shape_cast %parallel_loop3A_528 : vector<1x16xf32> to vector<16xf32>
        %parallel_loop3A_530 = vector.shape_cast %parallel_loop3A_524 : vector<16xf32> to vector<1x16xf32>
        tpu.vector_store %arg13[%parallel_loop3A_526, %parallel_loop3A_527], %parallel_loop3A_530 {add = true, strides = array<i32>} : memref<8x2048xf32, #tpu.memory_space<vmem>>, vector<1x16xf32>,
      } {sc.loop_unroll_factor = 8 : i64, sc.parallel_access}
      %get3A_378 = arith.constant 7 : i32
      %get3A_379 = arith.index_cast %get3A_378 : i32 to index
      %get3A_380 = arith.constant 0 : index
      %get3A_381 = tpu.vector_load %arg10[%get3A_379, %get3A_380] {strides = array<i32>} : memref<8x128xf32, #tpu.memory_space<vmem>>, vector<1x16xf32>,
      %get3A_382 = vector.shape_cast %get3A_381 : vector<1x16xf32> to vector<16xf32>
      %parallel_loop3A_383 = arith.constant 0 : i32
      %parallel_loop3A_384 = arith.constant 128 : i32
      %parallel_loop3A_385 = arith.constant 1 : i32
      scf.for %parallel_loop3A_516 = %parallel_loop3A_383 to %parallel_loop3A_384 step %parallel_loop3A_385  : i32 {
        %parallel_loop3A_517 = arith.constant 16 : i32
        %parallel_loop3A_518 = arith.muli %parallel_loop3A_516, %parallel_loop3A_517 : i32
        %parallel_loop3A_519 = arith.constant 7 : i32
        %parallel_loop3A_520 = arith.index_cast %parallel_loop3A_519 : i32 to index
        %parallel_loop3A_521 = arith.index_cast %parallel_loop3A_518 : i32 to index
        %parallel_loop3A_522 = tpu.vector_load %arg16[%parallel_loop3A_520, %parallel_loop3A_521] {strides = array<i32>} : memref<8x2048xf32, #tpu.memory_space<vmem>>, vector<1x16xf32>,
        %parallel_loop3A_523 = vector.shape_cast %parallel_loop3A_522 : vector<1x16xf32> to vector<16xf32>
        %parallel_loop3A_524 = arith.mulf %get3A_382, %parallel_loop3A_523 : vector<16xf32>
        %parallel_loop3A_525 = arith.constant 7 : i32
        %parallel_loop3A_526 = arith.index_cast %parallel_loop3A_525 : i32 to index
        %parallel_loop3A_527 = arith.index_cast %parallel_loop3A_518 : i32 to index
        %parallel_loop3A_528 = tpu.vector_load %arg13[%parallel_loop3A_526, %parallel_loop3A_527] {strides = array<i32>} : memref<8x2048xf32, #tpu.memory_space<vmem>>, vector<1x16xf32>,
        %parallel_loop3A_529 = vector.shape_cast %parallel_loop3A_528 : vector<1x16xf32> to vector<16xf32>
        %parallel_loop3A_530 = vector.shape_cast %parallel_loop3A_524 : vector<16xf32> to vector<1x16xf32>
        tpu.vector_store %arg13[%parallel_loop3A_526, %parallel_loop3A_527], %parallel_loop3A_530 {add = true, strides = array<i32>} : memref<8x2048xf32, #tpu.memory_space<vmem>>, vector<1x16xf32>,
      } {sc.loop_unroll_factor = 8 : i64, sc.parallel_access}
      %mul3A_386 = arith.constant 8 : i32
      %mul3A_387 = arith.muli %add3A_293, %mul3A_386 : i32
      %add3A_388 = arith.addi %mul3A_2, %mul3A_387 : i32
      %dma_start3A_389 = arith.constant 1 : i32
      %dma_start3A_390 = arith.constant 0 : i32
      %dma_start3A_391 = tpu.memref_slice %arg6[%add3A_388, %dma_start3A_390] : memref<16384x2048xf32, #tpu.memory_space<hbm>> -> memref<8x2048xf32, #tpu.memory_space<hbm>>
      %dma_start3A_392 = tpu.memref_slice %arg20[%dma_start3A_389] : memref<3x!tpu.dma_semaphore, #tpu.memory_space<semaphore_mem>> -> memref<1x!tpu.dma_semaphore, #tpu.memory_space<semaphore_mem>>
      %dma_start3A_393 = tpu.memref_squeeze %dma_start3A_392 : memref<1x!tpu.dma_semaphore, #tpu.memory_space<semaphore_mem>> -> memref<!tpu.dma_semaphore, #tpu.memory_space<semaphore_mem>>
      %dma_start3A_394 = arith.constant 0 : i32
      %dma_start3A_395 = tpu.memref_slice %arg6[%add3A_388, %dma_start3A_394] : memref<16384x2048xf32, #tpu.memory_space<hbm>> -> memref<8x2048xf32, #tpu.memory_space<hbm>>
      tpu.enqueue_dma source(%arg13 : memref<8x2048xf32, #tpu.memory_space<vmem>>) target(%dma_start3A_395 : memref<8x2048xf32, #tpu.memory_space<hbm>>) target_semaphore(%dma_start3A_393 : memref<!tpu.dma_semaphore, #tpu.memory_space<semaphore_mem>>)
      %add3A_396 = arith.constant 2 : i32
      %add3A_397 = arith.addi %add3A_293, %add3A_396 : i32
      %lt3A_398 = arith.constant 64 : i32
      %lt3A_399 = arith.cmpi slt, %add3A_397, %lt3A_398 : i32
      %convert_element_type3A_400 = arith.extui %lt3A_399 : i1 to i32
      %cond3A_401 = arith.constant 0 : i32
      %cond3A_402 = arith.cmpi ne, %convert_element_type3A_400, %cond3A_401 : i32
      scf.if %cond3A_402 {
        %ge3A = arith.constant 1 : i32
        %ge3A_516 = arith.cmpi sge, %add3A_293, %ge3A : i32
        %convert_element_type3A_517 = arith.extui %ge3A_516 : i1 to i32
        %cond3A_518 = arith.constant 0 : i32
        %cond3A_519 = arith.cmpi ne, %convert_element_type3A_517, %cond3A_518 : i32
        scf.if %cond3A_519 {
          %dma_wait3A_550 = arith.constant 0 : i32
          %dma_wait3A_551 = arith.constant 0 : i32
          %dma_wait3A_552 = tpu.memref_slice %arg6[%mul3A_2, %dma_wait3A_551] : memref<16384x2048xf32, #tpu.memory_space<hbm>> -> memref<8x2048xf32, #tpu.memory_space<hbm>>
          %dma_wait3A_553 = tpu.memref_slice %arg20[%dma_wait3A_550] : memref<3x!tpu.dma_semaphore, #tpu.memory_space<semaphore_mem>> -> memref<1x!tpu.dma_semaphore, #tpu.memory_space<semaphore_mem>>
          %dma_wait3A_554 = tpu.memref_squeeze %dma_wait3A_553 : memref<1x!tpu.dma_semaphore, #tpu.memory_space<semaphore_mem>> -> memref<!tpu.dma_semaphore, #tpu.memory_space<semaphore_mem>>
          %dma_wait3A_555 = arith.constant 0 : i32
          %dma_wait3A_556 = tpu.memref_slice %arg6[%mul3A_2, %dma_wait3A_555] : memref<16384x2048xf32, #tpu.memory_space<hbm>> -> memref<8x2048xf32, #tpu.memory_space<hbm>>
          tpu.wait_dma2 semaphore(%dma_wait3A_554 : memref<!tpu.dma_semaphore, #tpu.memory_space<semaphore_mem>>) src(%arg12 : memref<8x2048xf32, #tpu.memory_space<vmem>>) dst(%dma_wait3A_556 : memref<8x2048xf32, #tpu.memory_space<hbm>>)
        } else {
        }
        %add3A_520 = arith.constant 2 : i32
        %add3A_521 = arith.addi %add3A_293, %add3A_520 : i32
        %mul3A_522 = arith.constant 8 : i32
        %mul3A_523 = arith.muli %add3A_521, %mul3A_522 : i32
        %add3A_524 = arith.addi %mul3A_2, %mul3A_523 : i32
        %dma_start3A_525 = arith.constant 0 : i32
        %dma_start3A_526 = arith.constant 0 : i32
        %dma_start3A_527 = tpu.memref_slice %arg2[%add3A_524, %dma_start3A_526] : memref<16384x2048xf32, #tpu.memory_space<hbm>> -> memref<8x2048xf32, #tpu.memory_space<hbm>>
        %dma_start3A_528 = tpu.memref_slice %arg18[%dma_start3A_525] : memref<3x!tpu.dma_semaphore, #tpu.memory_space<semaphore_mem>> -> memref<1x!tpu.dma_semaphore, #tpu.memory_space<semaphore_mem>>
        %dma_start3A_529 = tpu.memref_squeeze %dma_start3A_528 : memref<1x!tpu.dma_semaphore, #tpu.memory_space<semaphore_mem>> -> memref<!tpu.dma_semaphore, #tpu.memory_space<semaphore_mem>>
        %dma_start3A_530 = arith.constant 0 : i32
        %dma_start3A_531 = tpu.memref_slice %arg2[%add3A_524, %dma_start3A_530] : memref<16384x2048xf32, #tpu.memory_space<hbm>> -> memref<8x2048xf32, #tpu.memory_space<hbm>>
        tpu.enqueue_dma source(%dma_start3A_531 : memref<8x2048xf32, #tpu.memory_space<hbm>>) target(%arg12 : memref<8x2048xf32, #tpu.memory_space<vmem>>) target_semaphore(%dma_start3A_529 : memref<!tpu.dma_semaphore, #tpu.memory_space<semaphore_mem>>)
        %mul3A_532 = arith.constant 8 : i32
        %mul3A_533 = arith.muli %add3A_521, %mul3A_532 : i32
        %dma_start3A_534 = arith.constant 0 : i32
        %dma_start3A_535 = tpu.memref_slice %arg8[%mul3A_533] : memref<512xi32, #tpu.memory_space<vmem>> -> memref<8xi32, #tpu.memory_space<vmem>>
        %dma_start3A_536 = arith.constant 0 : i32
        %dma_start3A_537 = arith.constant 0 : i32
        %dma_start3A_538 = tpu.memref_slice %arg3[%dma_start3A_536, %dma_start3A_537] : memref<4096x2048xf32, #tpu.memory_space<hbm>> -> memref<4096x2048xf32, #tpu.memory_space<hbm>>
        %dma_start3A_539 = tpu.memref_slice %arg19[%dma_start3A_534] : memref<3x!tpu.dma_semaphore, #tpu.memory_space<semaphore_mem>> -> memref<1x!tpu.dma_semaphore, #tpu.memory_space<semaphore_mem>>
        %dma_start3A_540 = tpu.memref_squeeze %dma_start3A_539 : memref<1x!tpu.dma_semaphore, #tpu.memory_space<semaphore_mem>> -> memref<!tpu.dma_semaphore, #tpu.memory_space<semaphore_mem>>
        tpu.enqueue_indirect_dma source(%dma_start3A_538 : memref<4096x2048xf32, #tpu.memory_space<hbm>>) target(%arg15 : memref<8x2048xf32, #tpu.memory_space<vmem>>) offsets(%dma_start3A_535 : memref<8xi32, #tpu.memory_space<vmem>>) semaphore(%dma_start3A_540 : memref<!tpu.dma_semaphore, #tpu.memory_space<semaphore_mem>>)
        %mul3A_541 = arith.constant 8 : i32
        %mul3A_542 = arith.muli %add3A_521, %mul3A_541 : i32
        %dma_start3A_543 = arith.constant 0 : i32
        %dma_start3A_544 = tpu.memref_slice %arg7[%mul3A_542] : memref<512xi32, #tpu.memory_space<vmem>> -> memref<8xi32, #tpu.memory_space<vmem>>
        %dma_start3A_545 = arith.constant 0 : i32
        %dma_start3A_546 = arith.constant 0 : i32
        %dma_start3A_547 = tpu.memref_slice %arg4[%dma_start3A_545, %dma_start3A_546] : memref<4608x128xf32, #tpu.memory_space<hbm>> -> memref<4608x128xf32, #tpu.memory_space<hbm>>
        %dma_start3A_548 = tpu.memref_slice %arg21[%dma_start3A_543] : memref<3x!tpu.dma_semaphore, #tpu.memory_space<semaphore_mem>> -> memref<1x!tpu.dma_semaphore, #tpu.memory_space<semaphore_mem>>
        %dma_start3A_549 = tpu.memref_squeeze %dma_start3A_548 : memref<1x!tpu.dma_semaphore, #tpu.memory_space<semaphore_mem>> -> memref<!tpu.dma_semaphore, #tpu.memory_space<semaphore_mem>>
        tpu.enqueue_indirect_dma source(%dma_start3A_547 : memref<4608x128xf32, #tpu.memory_space<hbm>>) target(%arg9 : memref<8x128xf32, #tpu.memory_space<vmem>>) offsets(%dma_start3A_544 : memref<8xi32, #tpu.memory_space<vmem>>) semaphore(%dma_start3A_549 : memref<!tpu.dma_semaphore, #tpu.memory_space<semaphore_mem>>)
      } else {
      }
      %mul3A_403 = arith.constant 3 : i32
      %mul3A_404 = arith.muli %scan3A_179, %mul3A_403 : i32
      %add3A_405 = arith.constant 2 : i32
      %add3A_406 = arith.addi %mul3A_404, %add3A_405 : i32
      %mul3A_407 = arith.constant 8 : i32
      %mul3A_408 = arith.muli %add3A_406, %mul3A_407 : i32
      %add3A_409 = arith.addi %mul3A_2, %mul3A_408 : i32
      %dma_wait3A_410 = arith.constant 2 : i32
      %dma_wait3A_411 = arith.constant 0 : i32
      %dma_wait3A_412 = tpu.memref_slice %arg2[%add3A_409, %dma_wait3A_411] : memref<16384x2048xf32, #tpu.memory_space<hbm>> -> memref<8x2048xf32, #tpu.memory_space<hbm>>
      %dma_wait3A_413 = tpu.memref_slice %arg18[%dma_wait3A_410] : memref<3x!tpu.dma_semaphore, #tpu.memory_space<semaphore_mem>> -> memref<1x!tpu.dma_semaphore, #tpu.memory_space<semaphore_mem>>
      %dma_wait3A_414 = tpu.memref_squeeze %dma_wait3A_413 : memref<1x!tpu.dma_semaphore, #tpu.memory_space<semaphore_mem>> -> memref<!tpu.dma_semaphore, #tpu.memory_space<semaphore_mem>>
      %dma_wait3A_415 = arith.constant 0 : i32
      %dma_wait3A_416 = tpu.memref_slice %arg2[%add3A_409, %dma_wait3A_415] : memref<16384x2048xf32, #tpu.memory_space<hbm>> -> memref<8x2048xf32, #tpu.memory_space<hbm>>
      tpu.wait_dma2 semaphore(%dma_wait3A_414 : memref<!tpu.dma_semaphore, #tpu.memory_space<semaphore_mem>>) src(%dma_wait3A_416 : memref<8x2048xf32, #tpu.memory_space<hbm>>) dst(%arg14 : memref<8x2048xf32, #tpu.memory_space<vmem>>)
      %mul3A_417 = arith.constant 8 : i32
      %mul3A_418 = arith.muli %add3A_406, %mul3A_417 : i32
      %dma_wait3A_419 = arith.constant 2 : i32
      %dma_wait3A_420 = tpu.memref_slice %arg8[%mul3A_418] : memref<512xi32, #tpu.memory_space<vmem>> -> memref<8xi32, #tpu.memory_space<vmem>>
      %dma_wait3A_421 = arith.constant 0 : i32
      %dma_wait3A_422 = arith.constant 0 : i32
      %dma_wait3A_423 = tpu.memref_slice %arg3[%dma_wait3A_421, %dma_wait3A_422] : memref<4096x2048xf32, #tpu.memory_space<hbm>> -> memref<4096x2048xf32, #tpu.memory_space<hbm>>
      %dma_wait3A_424 = tpu.memref_slice %arg19[%dma_wait3A_419] : memref<3x!tpu.dma_semaphore, #tpu.memory_space<semaphore_mem>> -> memref<1x!tpu.dma_semaphore, #tpu.memory_space<semaphore_mem>>
      %dma_wait3A_425 = tpu.memref_squeeze %dma_wait3A_424 : memref<1x!tpu.dma_semaphore, #tpu.memory_space<semaphore_mem>> -> memref<!tpu.dma_semaphore, #tpu.memory_space<semaphore_mem>>
      tpu.wait_indirect_dma semaphore(%dma_wait3A_425 : memref<!tpu.dma_semaphore, #tpu.memory_space<semaphore_mem>>) src(%dma_wait3A_423 : memref<4096x2048xf32, #tpu.memory_space<hbm>>) dst(%arg17 : memref<8x2048xf32, #tpu.memory_space<vmem>>)
      %mul3A_426 = arith.constant 8 : i32
      %mul3A_427 = arith.muli %add3A_406, %mul3A_426 : i32
      %dma_wait3A_428 = arith.constant 2 : i32
      %dma_wait3A_429 = tpu.memref_slice %arg7[%mul3A_427] : memref<512xi32, #tpu.memory_space<vmem>> -> memref<8xi32, #tpu.memory_space<vmem>>
      %dma_wait3A_430 = arith.constant 0 : i32
      %dma_wait3A_431 = arith.constant 0 : i32
      %dma_wait3A_432 = tpu.memref_slice %arg4[%dma_wait3A_430, %dma_wait3A_431] : memref<4608x128xf32, #tpu.memory_space<hbm>> -> memref<4608x128xf32, #tpu.memory_space<hbm>>
      %dma_wait3A_433 = tpu.memref_slice %arg21[%dma_wait3A_428] : memref<3x!tpu.dma_semaphore, #tpu.memory_space<semaphore_mem>> -> memref<1x!tpu.dma_semaphore, #tpu.memory_space<semaphore_mem>>
      %dma_wait3A_434 = tpu.memref_squeeze %dma_wait3A_433 : memref<1x!tpu.dma_semaphore, #tpu.memory_space<semaphore_mem>> -> memref<!tpu.dma_semaphore, #tpu.memory_space<semaphore_mem>>
      tpu.wait_indirect_dma semaphore(%dma_wait3A_434 : memref<!tpu.dma_semaphore, #tpu.memory_space<semaphore_mem>>) src(%dma_wait3A_432 : memref<4608x128xf32, #tpu.memory_space<hbm>>) dst(%arg11 : memref<8x128xf32, #tpu.memory_space<vmem>>)
      %get3A_435 = arith.constant 0 : i32
      %get3A_436 = arith.index_cast %get3A_435 : i32 to index
      %get3A_437 = arith.constant 0 : index
      %get3A_438 = tpu.vector_load %arg11[%get3A_436, %get3A_437] {strides = array<i32>} : memref<8x128xf32, #tpu.memory_space<vmem>>, vector<1x16xf32>,
      %get3A_439 = vector.shape_cast %get3A_438 : vector<1x16xf32> to vector<16xf32>
      %parallel_loop3A_440 = arith.constant 0 : i32
      %parallel_loop3A_441 = arith.constant 128 : i32
      %parallel_loop3A_442 = arith.constant 1 : i32
      scf.for %parallel_loop3A_516 = %parallel_loop3A_440 to %parallel_loop3A_441 step %parallel_loop3A_442  : i32 {
        %parallel_loop3A_517 = arith.constant 16 : i32
        %parallel_loop3A_518 = arith.muli %parallel_loop3A_516, %parallel_loop3A_517 : i32
        %parallel_loop3A_519 = arith.constant 0 : i32
        %parallel_loop3A_520 = arith.index_cast %parallel_loop3A_519 : i32 to index
        %parallel_loop3A_521 = arith.index_cast %parallel_loop3A_518 : i32 to index
        %parallel_loop3A_522 = tpu.vector_load %arg17[%parallel_loop3A_520, %parallel_loop3A_521] {strides = array<i32>} : memref<8x2048xf32, #tpu.memory_space<vmem>>, vector<1x16xf32>,
        %parallel_loop3A_523 = vector.shape_cast %parallel_loop3A_522 : vector<1x16xf32> to vector<16xf32>
        %parallel_loop3A_524 = arith.mulf %get3A_439, %parallel_loop3A_523 : vector<16xf32>
        %parallel_loop3A_525 = arith.constant 0 : i32
        %parallel_loop3A_526 = arith.index_cast %parallel_loop3A_525 : i32 to index
        %parallel_loop3A_527 = arith.index_cast %parallel_loop3A_518 : i32 to index
        %parallel_loop3A_528 = tpu.vector_load %arg14[%parallel_loop3A_526, %parallel_loop3A_527] {strides = array<i32>} : memref<8x2048xf32, #tpu.memory_space<vmem>>, vector<1x16xf32>,
        %parallel_loop3A_529 = vector.shape_cast %parallel_loop3A_528 : vector<1x16xf32> to vector<16xf32>
        %parallel_loop3A_530 = vector.shape_cast %parallel_loop3A_524 : vector<16xf32> to vector<1x16xf32>
        tpu.vector_store %arg14[%parallel_loop3A_526, %parallel_loop3A_527], %parallel_loop3A_530 {add = true, strides = array<i32>} : memref<8x2048xf32, #tpu.memory_space<vmem>>, vector<1x16xf32>,
      } {sc.loop_unroll_factor = 8 : i64, sc.parallel_access}
      %get3A_443 = arith.constant 1 : i32
      %get3A_444 = arith.index_cast %get3A_443 : i32 to index
      %get3A_445 = arith.constant 0 : index
      %get3A_446 = tpu.vector_load %arg11[%get3A_444, %get3A_445] {strides = array<i32>} : memref<8x128xf32, #tpu.memory_space<vmem>>, vector<1x16xf32>,
      %get3A_447 = vector.shape_cast %get3A_446 : vector<1x16xf32> to vector<16xf32>
      %parallel_loop3A_448 = arith.constant 0 : i32
      %parallel_loop3A_449 = arith.constant 128 : i32
      %parallel_loop3A_450 = arith.constant 1 : i32
      scf.for %parallel_loop3A_516 = %parallel_loop3A_448 to %parallel_loop3A_449 step %parallel_loop3A_450  : i32 {
        %parallel_loop3A_517 = arith.constant 16 : i32
        %parallel_loop3A_518 = arith.muli %parallel_loop3A_516, %parallel_loop3A_517 : i32
        %parallel_loop3A_519 = arith.constant 1 : i32
        %parallel_loop3A_520 = arith.index_cast %parallel_loop3A_519 : i32 to index
        %parallel_loop3A_521 = arith.index_cast %parallel_loop3A_518 : i32 to index
        %parallel_loop3A_522 = tpu.vector_load %arg17[%parallel_loop3A_520, %parallel_loop3A_521] {strides = array<i32>} : memref<8x2048xf32, #tpu.memory_space<vmem>>, vector<1x16xf32>,
        %parallel_loop3A_523 = vector.shape_cast %parallel_loop3A_522 : vector<1x16xf32> to vector<16xf32>
        %parallel_loop3A_524 = arith.mulf %get3A_447, %parallel_loop3A_523 : vector<16xf32>
        %parallel_loop3A_525 = arith.constant 1 : i32
        %parallel_loop3A_526 = arith.index_cast %parallel_loop3A_525 : i32 to index
        %parallel_loop3A_527 = arith.index_cast %parallel_loop3A_518 : i32 to index
        %parallel_loop3A_528 = tpu.vector_load %arg14[%parallel_loop3A_526, %parallel_loop3A_527] {strides = array<i32>} : memref<8x2048xf32, #tpu.memory_space<vmem>>, vector<1x16xf32>,
        %parallel_loop3A_529 = vector.shape_cast %parallel_loop3A_528 : vector<1x16xf32> to vector<16xf32>
        %parallel_loop3A_530 = vector.shape_cast %parallel_loop3A_524 : vector<16xf32> to vector<1x16xf32>
        tpu.vector_store %arg14[%parallel_loop3A_526, %parallel_loop3A_527], %parallel_loop3A_530 {add = true, strides = array<i32>} : memref<8x2048xf32, #tpu.memory_space<vmem>>, vector<1x16xf32>,
      } {sc.loop_unroll_factor = 8 : i64, sc.parallel_access}
      %get3A_451 = arith.constant 2 : i32
      %get3A_452 = arith.index_cast %get3A_451 : i32 to index
      %get3A_453 = arith.constant 0 : index
      %get3A_454 = tpu.vector_load %arg11[%get3A_452, %get3A_453] {strides = array<i32>} : memref<8x128xf32, #tpu.memory_space<vmem>>, vector<1x16xf32>,
      %get3A_455 = vector.shape_cast %get3A_454 : vector<1x16xf32> to vector<16xf32>
      %parallel_loop3A_456 = arith.constant 0 : i32
      %parallel_loop3A_457 = arith.constant 128 : i32
      %parallel_loop3A_458 = arith.constant 1 : i32
      scf.for %parallel_loop3A_516 = %parallel_loop3A_456 to %parallel_loop3A_457 step %parallel_loop3A_458  : i32 {
        %parallel_loop3A_517 = arith.constant 16 : i32
        %parallel_loop3A_518 = arith.muli %parallel_loop3A_516, %parallel_loop3A_517 : i32
        %parallel_loop3A_519 = arith.constant 2 : i32
        %parallel_loop3A_520 = arith.index_cast %parallel_loop3A_519 : i32 to index
        %parallel_loop3A_521 = arith.index_cast %parallel_loop3A_518 : i32 to index
        %parallel_loop3A_522 = tpu.vector_load %arg17[%parallel_loop3A_520, %parallel_loop3A_521] {strides = array<i32>} : memref<8x2048xf32, #tpu.memory_space<vmem>>, vector<1x16xf32>,
        %parallel_loop3A_523 = vector.shape_cast %parallel_loop3A_522 : vector<1x16xf32> to vector<16xf32>
        %parallel_loop3A_524 = arith.mulf %get3A_455, %parallel_loop3A_523 : vector<16xf32>
        %parallel_loop3A_525 = arith.constant 2 : i32
        %parallel_loop3A_526 = arith.index_cast %parallel_loop3A_525 : i32 to index
        %parallel_loop3A_527 = arith.index_cast %parallel_loop3A_518 : i32 to index
        %parallel_loop3A_528 = tpu.vector_load %arg14[%parallel_loop3A_526, %parallel_loop3A_527] {strides = array<i32>} : memref<8x2048xf32, #tpu.memory_space<vmem>>, vector<1x16xf32>,
        %parallel_loop3A_529 = vector.shape_cast %parallel_loop3A_528 : vector<1x16xf32> to vector<16xf32>
        %parallel_loop3A_530 = vector.shape_cast %parallel_loop3A_524 : vector<16xf32> to vector<1x16xf32>
        tpu.vector_store %arg14[%parallel_loop3A_526, %parallel_loop3A_527], %parallel_loop3A_530 {add = true, strides = array<i32>} : memref<8x2048xf32, #tpu.memory_space<vmem>>, vector<1x16xf32>,
      } {sc.loop_unroll_factor = 8 : i64, sc.parallel_access}
      %get3A_459 = arith.constant 3 : i32
      %get3A_460 = arith.index_cast %get3A_459 : i32 to index
      %get3A_461 = arith.constant 0 : index
      %get3A_462 = tpu.vector_load %arg11[%get3A_460, %get3A_461] {strides = array<i32>} : memref<8x128xf32, #tpu.memory_space<vmem>>, vector<1x16xf32>,
      %get3A_463 = vector.shape_cast %get3A_462 : vector<1x16xf32> to vector<16xf32>
      %parallel_loop3A_464 = arith.constant 0 : i32
      %parallel_loop3A_465 = arith.constant 128 : i32
      %parallel_loop3A_466 = arith.constant 1 : i32
      scf.for %parallel_loop3A_516 = %parallel_loop3A_464 to %parallel_loop3A_465 step %parallel_loop3A_466  : i32 {
        %parallel_loop3A_517 = arith.constant 16 : i32
        %parallel_loop3A_518 = arith.muli %parallel_loop3A_516, %parallel_loop3A_517 : i32
        %parallel_loop3A_519 = arith.constant 3 : i32
        %parallel_loop3A_520 = arith.index_cast %parallel_loop3A_519 : i32 to index
        %parallel_loop3A_521 = arith.index_cast %parallel_loop3A_518 : i32 to index
        %parallel_loop3A_522 = tpu.vector_load %arg17[%parallel_loop3A_520, %parallel_loop3A_521] {strides = array<i32>} : memref<8x2048xf32, #tpu.memory_space<vmem>>, vector<1x16xf32>,
        %parallel_loop3A_523 = vector.shape_cast %parallel_loop3A_522 : vector<1x16xf32> to vector<16xf32>
        %parallel_loop3A_524 = arith.mulf %get3A_463, %parallel_loop3A_523 : vector<16xf32>
        %parallel_loop3A_525 = arith.constant 3 : i32
        %parallel_loop3A_526 = arith.index_cast %parallel_loop3A_525 : i32 to index
        %parallel_loop3A_527 = arith.index_cast %parallel_loop3A_518 : i32 to index
        %parallel_loop3A_528 = tpu.vector_load %arg14[%parallel_loop3A_526, %parallel_loop3A_527] {strides = array<i32>} : memref<8x2048xf32, #tpu.memory_space<vmem>>, vector<1x16xf32>,
        %parallel_loop3A_529 = vector.shape_cast %parallel_loop3A_528 : vector<1x16xf32> to vector<16xf32>
        %parallel_loop3A_530 = vector.shape_cast %parallel_loop3A_524 : vector<16xf32> to vector<1x16xf32>
        tpu.vector_store %arg14[%parallel_loop3A_526, %parallel_loop3A_527], %parallel_loop3A_530 {add = true, strides = array<i32>} : memref<8x2048xf32, #tpu.memory_space<vmem>>, vector<1x16xf32>,
      } {sc.loop_unroll_factor = 8 : i64, sc.parallel_access}
      %get3A_467 = arith.constant 4 : i32
      %get3A_468 = arith.index_cast %get3A_467 : i32 to index
      %get3A_469 = arith.constant 0 : index
      %get3A_470 = tpu.vector_load %arg11[%get3A_468, %get3A_469] {strides = array<i32>} : memref<8x128xf32, #tpu.memory_space<vmem>>, vector<1x16xf32>,
      %get3A_471 = vector.shape_cast %get3A_470 : vector<1x16xf32> to vector<16xf32>
      %parallel_loop3A_472 = arith.constant 0 : i32
      %parallel_loop3A_473 = arith.constant 128 : i32
      %parallel_loop3A_474 = arith.constant 1 : i32
      scf.for %parallel_loop3A_516 = %parallel_loop3A_472 to %parallel_loop3A_473 step %parallel_loop3A_474  : i32 {
        %parallel_loop3A_517 = arith.constant 16 : i32
        %parallel_loop3A_518 = arith.muli %parallel_loop3A_516, %parallel_loop3A_517 : i32
        %parallel_loop3A_519 = arith.constant 4 : i32
        %parallel_loop3A_520 = arith.index_cast %parallel_loop3A_519 : i32 to index
        %parallel_loop3A_521 = arith.index_cast %parallel_loop3A_518 : i32 to index
        %parallel_loop3A_522 = tpu.vector_load %arg17[%parallel_loop3A_520, %parallel_loop3A_521] {strides = array<i32>} : memref<8x2048xf32, #tpu.memory_space<vmem>>, vector<1x16xf32>,
        %parallel_loop3A_523 = vector.shape_cast %parallel_loop3A_522 : vector<1x16xf32> to vector<16xf32>
        %parallel_loop3A_524 = arith.mulf %get3A_471, %parallel_loop3A_523 : vector<16xf32>
        %parallel_loop3A_525 = arith.constant 4 : i32
        %parallel_loop3A_526 = arith.index_cast %parallel_loop3A_525 : i32 to index
        %parallel_loop3A_527 = arith.index_cast %parallel_loop3A_518 : i32 to index
        %parallel_loop3A_528 = tpu.vector_load %arg14[%parallel_loop3A_526, %parallel_loop3A_527] {strides = array<i32>} : memref<8x2048xf32, #tpu.memory_space<vmem>>, vector<1x16xf32>,
        %parallel_loop3A_529 = vector.shape_cast %parallel_loop3A_528 : vector<1x16xf32> to vector<16xf32>
        %parallel_loop3A_530 = vector.shape_cast %parallel_loop3A_524 : vector<16xf32> to vector<1x16xf32>
        tpu.vector_store %arg14[%parallel_loop3A_526, %parallel_loop3A_527], %parallel_loop3A_530 {add = true, strides = array<i32>} : memref<8x2048xf32, #tpu.memory_space<vmem>>, vector<1x16xf32>,
      } {sc.loop_unroll_factor = 8 : i64, sc.parallel_access}
      %get3A_475 = arith.constant 5 : i32
      %get3A_476 = arith.index_cast %get3A_475 : i32 to index
      %get3A_477 = arith.constant 0 : index
      %get3A_478 = tpu.vector_load %arg11[%get3A_476, %get3A_477] {strides = array<i32>} : memref<8x128xf32, #tpu.memory_space<vmem>>, vector<1x16xf32>,
      %get3A_479 = vector.shape_cast %get3A_478 : vector<1x16xf32> to vector<16xf32>
      %parallel_loop3A_480 = arith.constant 0 : i32
      %parallel_loop3A_481 = arith.constant 128 : i32
      %parallel_loop3A_482 = arith.constant 1 : i32
      scf.for %parallel_loop3A_516 = %parallel_loop3A_480 to %parallel_loop3A_481 step %parallel_loop3A_482  : i32 {
        %parallel_loop3A_517 = arith.constant 16 : i32
        %parallel_loop3A_518 = arith.muli %parallel_loop3A_516, %parallel_loop3A_517 : i32
        %parallel_loop3A_519 = arith.constant 5 : i32
        %parallel_loop3A_520 = arith.index_cast %parallel_loop3A_519 : i32 to index
        %parallel_loop3A_521 = arith.index_cast %parallel_loop3A_518 : i32 to index
        %parallel_loop3A_522 = tpu.vector_load %arg17[%parallel_loop3A_520, %parallel_loop3A_521] {strides = array<i32>} : memref<8x2048xf32, #tpu.memory_space<vmem>>, vector<1x16xf32>,
        %parallel_loop3A_523 = vector.shape_cast %parallel_loop3A_522 : vector<1x16xf32> to vector<16xf32>
        %parallel_loop3A_524 = arith.mulf %get3A_479, %parallel_loop3A_523 : vector<16xf32>
        %parallel_loop3A_525 = arith.constant 5 : i32
        %parallel_loop3A_526 = arith.index_cast %parallel_loop3A_525 : i32 to index
        %parallel_loop3A_527 = arith.index_cast %parallel_loop3A_518 : i32 to index
        %parallel_loop3A_528 = tpu.vector_load %arg14[%parallel_loop3A_526, %parallel_loop3A_527] {strides = array<i32>} : memref<8x2048xf32, #tpu.memory_space<vmem>>, vector<1x16xf32>,
        %parallel_loop3A_529 = vector.shape_cast %parallel_loop3A_528 : vector<1x16xf32> to vector<16xf32>
        %parallel_loop3A_530 = vector.shape_cast %parallel_loop3A_524 : vector<16xf32> to vector<1x16xf32>
        tpu.vector_store %arg14[%parallel_loop3A_526, %parallel_loop3A_527], %parallel_loop3A_530 {add = true, strides = array<i32>} : memref<8x2048xf32, #tpu.memory_space<vmem>>, vector<1x16xf32>,
      } {sc.loop_unroll_factor = 8 : i64, sc.parallel_access}
      %get3A_483 = arith.constant 6 : i32
      %get3A_484 = arith.index_cast %get3A_483 : i32 to index
      %get3A_485 = arith.constant 0 : index
      %get3A_486 = tpu.vector_load %arg11[%get3A_484, %get3A_485] {strides = array<i32>} : memref<8x128xf32, #tpu.memory_space<vmem>>, vector<1x16xf32>,
      %get3A_487 = vector.shape_cast %get3A_486 : vector<1x16xf32> to vector<16xf32>
      %parallel_loop3A_488 = arith.constant 0 : i32
      %parallel_loop3A_489 = arith.constant 128 : i32
      %parallel_loop3A_490 = arith.constant 1 : i32
      scf.for %parallel_loop3A_516 = %parallel_loop3A_488 to %parallel_loop3A_489 step %parallel_loop3A_490  : i32 {
        %parallel_loop3A_517 = arith.constant 16 : i32
        %parallel_loop3A_518 = arith.muli %parallel_loop3A_516, %parallel_loop3A_517 : i32
        %parallel_loop3A_519 = arith.constant 6 : i32
        %parallel_loop3A_520 = arith.index_cast %parallel_loop3A_519 : i32 to index
        %parallel_loop3A_521 = arith.index_cast %parallel_loop3A_518 : i32 to index
        %parallel_loop3A_522 = tpu.vector_load %arg17[%parallel_loop3A_520, %parallel_loop3A_521] {strides = array<i32>} : memref<8x2048xf32, #tpu.memory_space<vmem>>, vector<1x16xf32>,
        %parallel_loop3A_523 = vector.shape_cast %parallel_loop3A_522 : vector<1x16xf32> to vector<16xf32>
        %parallel_loop3A_524 = arith.mulf %get3A_487, %parallel_loop3A_523 : vector<16xf32>
        %parallel_loop3A_525 = arith.constant 6 : i32
        %parallel_loop3A_526 = arith.index_cast %parallel_loop3A_525 : i32 to index
        %parallel_loop3A_527 = arith.index_cast %parallel_loop3A_518 : i32 to index
        %parallel_loop3A_528 = tpu.vector_load %arg14[%parallel_loop3A_526, %parallel_loop3A_527] {strides = array<i32>} : memref<8x2048xf32, #tpu.memory_space<vmem>>, vector<1x16xf32>,
        %parallel_loop3A_529 = vector.shape_cast %parallel_loop3A_528 : vector<1x16xf32> to vector<16xf32>
        %parallel_loop3A_530 = vector.shape_cast %parallel_loop3A_524 : vector<16xf32> to vector<1x16xf32>
        tpu.vector_store %arg14[%parallel_loop3A_526, %parallel_loop3A_527], %parallel_loop3A_530 {add = true, strides = array<i32>} : memref<8x2048xf32, #tpu.memory_space<vmem>>, vector<1x16xf32>,
      } {sc.loop_unroll_factor = 8 : i64, sc.parallel_access}
      %get3A_491 = arith.constant 7 : i32
      %get3A_492 = arith.index_cast %get3A_491 : i32 to index
      %get3A_493 = arith.constant 0 : index
      %get3A_494 = tpu.vector_load %arg11[%get3A_492, %get3A_493] {strides = array<i32>} : memref<8x128xf32, #tpu.memory_space<vmem>>, vector<1x16xf32>,
      %get3A_495 = vector.shape_cast %get3A_494 : vector<1x16xf32> to vector<16xf32>
      %parallel_loop3A_496 = arith.constant 0 : i32
      %parallel_loop3A_497 = arith.constant 128 : i32
      %parallel_loop3A_498 = arith.constant 1 : i32
      scf.for %parallel_loop3A_516 = %parallel_loop3A_496 to %parallel_loop3A_497 step %parallel_loop3A_498  : i32 {
        %parallel_loop3A_517 = arith.constant 16 : i32
        %parallel_loop3A_518 = arith.muli %parallel_loop3A_516, %parallel_loop3A_517 : i32
        %parallel_loop3A_519 = arith.constant 7 : i32
        %parallel_loop3A_520 = arith.index_cast %parallel_loop3A_519 : i32 to index
        %parallel_loop3A_521 = arith.index_cast %parallel_loop3A_518 : i32 to index
        %parallel_loop3A_522 = tpu.vector_load %arg17[%parallel_loop3A_520, %parallel_loop3A_521] {strides = array<i32>} : memref<8x2048xf32, #tpu.memory_space<vmem>>, vector<1x16xf32>,
        %parallel_loop3A_523 = vector.shape_cast %parallel_loop3A_522 : vector<1x16xf32> to vector<16xf32>
        %parallel_loop3A_524 = arith.mulf %get3A_495, %parallel_loop3A_523 : vector<16xf32>
        %parallel_loop3A_525 = arith.constant 7 : i32
        %parallel_loop3A_526 = arith.index_cast %parallel_loop3A_525 : i32 to index
        %parallel_loop3A_527 = arith.index_cast %parallel_loop3A_518 : i32 to index
        %parallel_loop3A_528 = tpu.vector_load %arg14[%parallel_loop3A_526, %parallel_loop3A_527] {strides = array<i32>} : memref<8x2048xf32, #tpu.memory_space<vmem>>, vector<1x16xf32>,
        %parallel_loop3A_529 = vector.shape_cast %parallel_loop3A_528 : vector<1x16xf32> to vector<16xf32>
        %parallel_loop3A_530 = vector.shape_cast %parallel_loop3A_524 : vector<16xf32> to vector<1x16xf32>
        tpu.vector_store %arg14[%parallel_loop3A_526, %parallel_loop3A_527], %parallel_loop3A_530 {add = true, strides = array<i32>} : memref<8x2048xf32, #tpu.memory_space<vmem>>, vector<1x16xf32>,
      } {sc.loop_unroll_factor = 8 : i64, sc.parallel_access}
      %mul3A_499 = arith.constant 8 : i32
      %mul3A_500 = arith.muli %add3A_406, %mul3A_499 : i32
      %add3A_501 = arith.addi %mul3A_2, %mul3A_500 : i32
      %dma_start3A_502 = arith.constant 2 : i32
      %dma_start3A_503 = arith.constant 0 : i32
      %dma_start3A_504 = tpu.memref_slice %arg6[%add3A_501, %dma_start3A_503] : memref<16384x2048xf32, #tpu.memory_space<hbm>> -> memref<8x2048xf32, #tpu.memory_space<hbm>>
      %dma_start3A_505 = tpu.memref_slice %arg20[%dma_start3A_502] : memref<3x!tpu.dma_semaphore, #tpu.memory_space<semaphore_mem>> -> memref<1x!tpu.dma_semaphore, #tpu.memory_space<semaphore_mem>>
      %dma_start3A_506 = tpu.memref_squeeze %dma_start3A_505 : memref<1x!tpu.dma_semaphore, #tpu.memory_space<semaphore_mem>> -> memref<!tpu.dma_semaphore, #tpu.memory_space<semaphore_mem>>
      %dma_start3A_507 = arith.constant 0 : i32
      %dma_start3A_508 = tpu.memref_slice %arg6[%add3A_501, %dma_start3A_507] : memref<16384x2048xf32, #tpu.memory_space<hbm>> -> memref<8x2048xf32, #tpu.memory_space<hbm>>
      tpu.enqueue_dma source(%arg14 : memref<8x2048xf32, #tpu.memory_space<vmem>>) target(%dma_start3A_508 : memref<8x2048xf32, #tpu.memory_space<hbm>>) target_semaphore(%dma_start3A_506 : memref<!tpu.dma_semaphore, #tpu.memory_space<semaphore_mem>>)
      %add3A_509 = arith.constant 2 : i32
      %add3A_510 = arith.addi %add3A_406, %add3A_509 : i32
      %lt3A_511 = arith.constant 64 : i32
      %lt3A_512 = arith.cmpi slt, %add3A_510, %lt3A_511 : i32
      %convert_element_type3A_513 = arith.extui %lt3A_512 : i1 to i32
      %cond3A_514 = arith.constant 0 : i32
      %cond3A_515 = arith.cmpi ne, %convert_element_type3A_513, %cond3A_514 : i32
      scf.if %cond3A_515 {
        %ge3A = arith.constant 1 : i32
        %ge3A_516 = arith.cmpi sge, %add3A_406, %ge3A : i32
        %convert_element_type3A_517 = arith.extui %ge3A_516 : i1 to i32
        %cond3A_518 = arith.constant 0 : i32
        %cond3A_519 = arith.cmpi ne, %convert_element_type3A_517, %cond3A_518 : i32
        scf.if %cond3A_519 {
          %dma_wait3A_550 = arith.constant 1 : i32
          %dma_wait3A_551 = arith.constant 0 : i32
          %dma_wait3A_552 = tpu.memref_slice %arg6[%mul3A_2, %dma_wait3A_551] : memref<16384x2048xf32, #tpu.memory_space<hbm>> -> memref<8x2048xf32, #tpu.memory_space<hbm>>
          %dma_wait3A_553 = tpu.memref_slice %arg20[%dma_wait3A_550] : memref<3x!tpu.dma_semaphore, #tpu.memory_space<semaphore_mem>> -> memref<1x!tpu.dma_semaphore, #tpu.memory_space<semaphore_mem>>
          %dma_wait3A_554 = tpu.memref_squeeze %dma_wait3A_553 : memref<1x!tpu.dma_semaphore, #tpu.memory_space<semaphore_mem>> -> memref<!tpu.dma_semaphore, #tpu.memory_space<semaphore_mem>>
          %dma_wait3A_555 = arith.constant 0 : i32
          %dma_wait3A_556 = tpu.memref_slice %arg6[%mul3A_2, %dma_wait3A_555] : memref<16384x2048xf32, #tpu.memory_space<hbm>> -> memref<8x2048xf32, #tpu.memory_space<hbm>>
          tpu.wait_dma2 semaphore(%dma_wait3A_554 : memref<!tpu.dma_semaphore, #tpu.memory_space<semaphore_mem>>) src(%arg13 : memref<8x2048xf32, #tpu.memory_space<vmem>>) dst(%dma_wait3A_556 : memref<8x2048xf32, #tpu.memory_space<hbm>>)
        } else {
        }
        %add3A_520 = arith.constant 2 : i32
        %add3A_521 = arith.addi %add3A_406, %add3A_520 : i32
        %mul3A_522 = arith.constant 8 : i32
        %mul3A_523 = arith.muli %add3A_521, %mul3A_522 : i32
        %add3A_524 = arith.addi %mul3A_2, %mul3A_523 : i32
        %dma_start3A_525 = arith.constant 1 : i32
        %dma_start3A_526 = arith.constant 0 : i32
        %dma_start3A_527 = tpu.memref_slice %arg2[%add3A_524, %dma_start3A_526] : memref<16384x2048xf32, #tpu.memory_space<hbm>> -> memref<8x2048xf32, #tpu.memory_space<hbm>>
        %dma_start3A_528 = tpu.memref_slice %arg18[%dma_start3A_525] : memref<3x!tpu.dma_semaphore, #tpu.memory_space<semaphore_mem>> -> memref<1x!tpu.dma_semaphore, #tpu.memory_space<semaphore_mem>>
        %dma_start3A_529 = tpu.memref_squeeze %dma_start3A_528 : memref<1x!tpu.dma_semaphore, #tpu.memory_space<semaphore_mem>> -> memref<!tpu.dma_semaphore, #tpu.memory_space<semaphore_mem>>
        %dma_start3A_530 = arith.constant 0 : i32
        %dma_start3A_531 = tpu.memref_slice %arg2[%add3A_524, %dma_start3A_530] : memref<16384x2048xf32, #tpu.memory_space<hbm>> -> memref<8x2048xf32, #tpu.memory_space<hbm>>
        tpu.enqueue_dma source(%dma_start3A_531 : memref<8x2048xf32, #tpu.memory_space<hbm>>) target(%arg13 : memref<8x2048xf32, #tpu.memory_space<vmem>>) target_semaphore(%dma_start3A_529 : memref<!tpu.dma_semaphore, #tpu.memory_space<semaphore_mem>>)
        %mul3A_532 = arith.constant 8 : i32
        %mul3A_533 = arith.muli %add3A_521, %mul3A_532 : i32
        %dma_start3A_534 = arith.constant 1 : i32
        %dma_start3A_535 = tpu.memref_slice %arg8[%mul3A_533] : memref<512xi32, #tpu.memory_space<vmem>> -> memref<8xi32, #tpu.memory_space<vmem>>
        %dma_start3A_536 = arith.constant 0 : i32
        %dma_start3A_537 = arith.constant 0 : i32
        %dma_start3A_538 = tpu.memref_slice %arg3[%dma_start3A_536, %dma_start3A_537] : memref<4096x2048xf32, #tpu.memory_space<hbm>> -> memref<4096x2048xf32, #tpu.memory_space<hbm>>
        %dma_start3A_539 = tpu.memref_slice %arg19[%dma_start3A_534] : memref<3x!tpu.dma_semaphore, #tpu.memory_space<semaphore_mem>> -> memref<1x!tpu.dma_semaphore, #tpu.memory_space<semaphore_mem>>
        %dma_start3A_540 = tpu.memref_squeeze %dma_start3A_539 : memref<1x!tpu.dma_semaphore, #tpu.memory_space<semaphore_mem>> -> memref<!tpu.dma_semaphore, #tpu.memory_space<semaphore_mem>>
        tpu.enqueue_indirect_dma source(%dma_start3A_538 : memref<4096x2048xf32, #tpu.memory_space<hbm>>) target(%arg16 : memref<8x2048xf32, #tpu.memory_space<vmem>>) offsets(%dma_start3A_535 : memref<8xi32, #tpu.memory_space<vmem>>) semaphore(%dma_start3A_540 : memref<!tpu.dma_semaphore, #tpu.memory_space<semaphore_mem>>)
        %mul3A_541 = arith.constant 8 : i32
        %mul3A_542 = arith.muli %add3A_521, %mul3A_541 : i32
        %dma_start3A_543 = arith.constant 1 : i32
        %dma_start3A_544 = tpu.memref_slice %arg7[%mul3A_542] : memref<512xi32, #tpu.memory_space<vmem>> -> memref<8xi32, #tpu.memory_space<vmem>>
        %dma_start3A_545 = arith.constant 0 : i32
        %dma_start3A_546 = arith.constant 0 : i32
        %dma_start3A_547 = tpu.memref_slice %arg4[%dma_start3A_545, %dma_start3A_546] : memref<4608x128xf32, #tpu.memory_space<hbm>> -> memref<4608x128xf32, #tpu.memory_space<hbm>>
        %dma_start3A_548 = tpu.memref_slice %arg21[%dma_start3A_543] : memref<3x!tpu.dma_semaphore, #tpu.memory_space<semaphore_mem>> -> memref<1x!tpu.dma_semaphore, #tpu.memory_space<semaphore_mem>>
        %dma_start3A_549 = tpu.memref_squeeze %dma_start3A_548 : memref<1x!tpu.dma_semaphore, #tpu.memory_space<semaphore_mem>> -> memref<!tpu.dma_semaphore, #tpu.memory_space<semaphore_mem>>
        tpu.enqueue_indirect_dma source(%dma_start3A_547 : memref<4608x128xf32, #tpu.memory_space<hbm>>) target(%arg10 : memref<8x128xf32, #tpu.memory_space<vmem>>) offsets(%dma_start3A_544 : memref<8xi32, #tpu.memory_space<vmem>>) semaphore(%dma_start3A_549 : memref<!tpu.dma_semaphore, #tpu.memory_space<semaphore_mem>>)
      } else {
      }
    }
    %scan3A_62 = arith.constant 21 : i32
    %add3A_63 = arith.constant 504 : i32
    %add3A_64 = arith.addi %mul3A_2, %add3A_63 : i32
    %dma_wait3A = arith.constant 0 : i32
    %dma_wait3A_65 = arith.constant 0 : i32
    %dma_wait3A_66 = tpu.memref_slice %arg2[%add3A_64, %dma_wait3A_65] : memref<16384x2048xf32, #tpu.memory_space<hbm>> -> memref<8x2048xf32, #tpu.memory_space<hbm>>
    %dma_wait3A_67 = tpu.memref_slice %arg18[%dma_wait3A] : memref<3x!tpu.dma_semaphore, #tpu.memory_space<semaphore_mem>> -> memref<1x!tpu.dma_semaphore, #tpu.memory_space<semaphore_mem>>
    %dma_wait3A_68 = tpu.memref_squeeze %dma_wait3A_67 : memref<1x!tpu.dma_semaphore, #tpu.memory_space<semaphore_mem>> -> memref<!tpu.dma_semaphore, #tpu.memory_space<semaphore_mem>>
    %dma_wait3A_69 = arith.constant 0 : i32
    %dma_wait3A_70 = tpu.memref_slice %arg2[%add3A_64, %dma_wait3A_69] : memref<16384x2048xf32, #tpu.memory_space<hbm>> -> memref<8x2048xf32, #tpu.memory_space<hbm>>
    tpu.wait_dma2 semaphore(%dma_wait3A_68 : memref<!tpu.dma_semaphore, #tpu.memory_space<semaphore_mem>>) src(%dma_wait3A_70 : memref<8x2048xf32, #tpu.memory_space<hbm>>) dst(%arg12 : memref<8x2048xf32, #tpu.memory_space<vmem>>)
    %dma_wait3A_71 = arith.constant 0 : i32
    %dma_wait3A_72 = arith.constant 504 : i32
    %dma_wait3A_73 = tpu.memref_slice %arg8[%dma_wait3A_72] : memref<512xi32, #tpu.memory_space<vmem>> -> memref<8xi32, #tpu.memory_space<vmem>>
    %dma_wait3A_74 = arith.constant 0 : i32
    %dma_wait3A_75 = arith.constant 0 : i32
    %dma_wait3A_76 = tpu.memref_slice %arg3[%dma_wait3A_74, %dma_wait3A_75] : memref<4096x2048xf32, #tpu.memory_space<hbm>> -> memref<4096x2048xf32, #tpu.memory_space<hbm>>
    %dma_wait3A_77 = tpu.memref_slice %arg19[%dma_wait3A_71] : memref<3x!tpu.dma_semaphore, #tpu.memory_space<semaphore_mem>> -> memref<1x!tpu.dma_semaphore, #tpu.memory_space<semaphore_mem>>
    %dma_wait3A_78 = tpu.memref_squeeze %dma_wait3A_77 : memref<1x!tpu.dma_semaphore, #tpu.memory_space<semaphore_mem>> -> memref<!tpu.dma_semaphore, #tpu.memory_space<semaphore_mem>>
    tpu.wait_indirect_dma semaphore(%dma_wait3A_78 : memref<!tpu.dma_semaphore, #tpu.memory_space<semaphore_mem>>) src(%dma_wait3A_76 : memref<4096x2048xf32, #tpu.memory_space<hbm>>) dst(%arg15 : memref<8x2048xf32, #tpu.memory_space<vmem>>)
    %dma_wait3A_79 = arith.constant 0 : i32
    %dma_wait3A_80 = arith.constant 504 : i32
    %dma_wait3A_81 = tpu.memref_slice %arg7[%dma_wait3A_80] : memref<512xi32, #tpu.memory_space<vmem>> -> memref<8xi32, #tpu.memory_space<vmem>>
    %dma_wait3A_82 = arith.constant 0 : i32
    %dma_wait3A_83 = arith.constant 0 : i32
    %dma_wait3A_84 = tpu.memref_slice %arg4[%dma_wait3A_82, %dma_wait3A_83] : memref<4608x128xf32, #tpu.memory_space<hbm>> -> memref<4608x128xf32, #tpu.memory_space<hbm>>
    %dma_wait3A_85 = tpu.memref_slice %arg21[%dma_wait3A_79] : memref<3x!tpu.dma_semaphore, #tpu.memory_space<semaphore_mem>> -> memref<1x!tpu.dma_semaphore, #tpu.memory_space<semaphore_mem>>
    %dma_wait3A_86 = tpu.memref_squeeze %dma_wait3A_85 : memref<1x!tpu.dma_semaphore, #tpu.memory_space<semaphore_mem>> -> memref<!tpu.dma_semaphore, #tpu.memory_space<semaphore_mem>>
    tpu.wait_indirect_dma semaphore(%dma_wait3A_86 : memref<!tpu.dma_semaphore, #tpu.memory_space<semaphore_mem>>) src(%dma_wait3A_84 : memref<4608x128xf32, #tpu.memory_space<hbm>>) dst(%arg9 : memref<8x128xf32, #tpu.memory_space<vmem>>)
    %get3A = arith.constant 0 : i32
    %get3A_87 = arith.index_cast %get3A : i32 to index
    %get3A_88 = arith.constant 0 : index
    %get3A_89 = tpu.vector_load %arg9[%get3A_87, %get3A_88] {strides = array<i32>} : memref<8x128xf32, #tpu.memory_space<vmem>>, vector<1x16xf32>,
    %get3A_90 = vector.shape_cast %get3A_89 : vector<1x16xf32> to vector<16xf32>
    %parallel_loop3A = arith.constant 0 : i32
    %parallel_loop3A_91 = arith.constant 128 : i32
    %parallel_loop3A_92 = arith.constant 1 : i32
    scf.for %parallel_loop3A_179 = %parallel_loop3A to %parallel_loop3A_91 step %parallel_loop3A_92  : i32 {
      %parallel_loop3A_180 = arith.constant 16 : i32
      %parallel_loop3A_181 = arith.muli %parallel_loop3A_179, %parallel_loop3A_180 : i32
      %parallel_loop3A_182 = arith.constant 0 : i32
      %parallel_loop3A_183 = arith.index_cast %parallel_loop3A_182 : i32 to index
      %parallel_loop3A_184 = arith.index_cast %parallel_loop3A_181 : i32 to index
      %parallel_loop3A_185 = tpu.vector_load %arg15[%parallel_loop3A_183, %parallel_loop3A_184] {strides = array<i32>} : memref<8x2048xf32, #tpu.memory_space<vmem>>, vector<1x16xf32>,
      %parallel_loop3A_186 = vector.shape_cast %parallel_loop3A_185 : vector<1x16xf32> to vector<16xf32>
      %parallel_loop3A_187 = arith.mulf %get3A_90, %parallel_loop3A_186 : vector<16xf32>
      %parallel_loop3A_188 = arith.constant 0 : i32
      %parallel_loop3A_189 = arith.index_cast %parallel_loop3A_188 : i32 to index
      %parallel_loop3A_190 = arith.index_cast %parallel_loop3A_181 : i32 to index
      %parallel_loop3A_191 = tpu.vector_load %arg12[%parallel_loop3A_189, %parallel_loop3A_190] {strides = array<i32>} : memref<8x2048xf32, #tpu.memory_space<vmem>>, vector<1x16xf32>,
      %parallel_loop3A_192 = vector.shape_cast %parallel_loop3A_191 : vector<1x16xf32> to vector<16xf32>
      %parallel_loop3A_193 = vector.shape_cast %parallel_loop3A_187 : vector<16xf32> to vector<1x16xf32>
      tpu.vector_store %arg12[%parallel_loop3A_189, %parallel_loop3A_190], %parallel_loop3A_193 {add = true, strides = array<i32>} : memref<8x2048xf32, #tpu.memory_space<vmem>>, vector<1x16xf32>,
    } {sc.loop_unroll_factor = 8 : i64, sc.parallel_access}
    %get3A_93 = arith.constant 1 : i32
    %get3A_94 = arith.index_cast %get3A_93 : i32 to index
    %get3A_95 = arith.constant 0 : index
    %get3A_96 = tpu.vector_load %arg9[%get3A_94, %get3A_95] {strides = array<i32>} : memref<8x128xf32, #tpu.memory_space<vmem>>, vector<1x16xf32>,
    %get3A_97 = vector.shape_cast %get3A_96 : vector<1x16xf32> to vector<16xf32>
    %parallel_loop3A_98 = arith.constant 0 : i32
    %parallel_loop3A_99 = arith.constant 128 : i32
    %parallel_loop3A_100 = arith.constant 1 : i32
    scf.for %parallel_loop3A_179 = %parallel_loop3A_98 to %parallel_loop3A_99 step %parallel_loop3A_100  : i32 {
      %parallel_loop3A_180 = arith.constant 16 : i32
      %parallel_loop3A_181 = arith.muli %parallel_loop3A_179, %parallel_loop3A_180 : i32
      %parallel_loop3A_182 = arith.constant 1 : i32
      %parallel_loop3A_183 = arith.index_cast %parallel_loop3A_182 : i32 to index
      %parallel_loop3A_184 = arith.index_cast %parallel_loop3A_181 : i32 to index
      %parallel_loop3A_185 = tpu.vector_load %arg15[%parallel_loop3A_183, %parallel_loop3A_184] {strides = array<i32>} : memref<8x2048xf32, #tpu.memory_space<vmem>>, vector<1x16xf32>,
      %parallel_loop3A_186 = vector.shape_cast %parallel_loop3A_185 : vector<1x16xf32> to vector<16xf32>
      %parallel_loop3A_187 = arith.mulf %get3A_97, %parallel_loop3A_186 : vector<16xf32>
      %parallel_loop3A_188 = arith.constant 1 : i32
      %parallel_loop3A_189 = arith.index_cast %parallel_loop3A_188 : i32 to index
      %parallel_loop3A_190 = arith.index_cast %parallel_loop3A_181 : i32 to index
      %parallel_loop3A_191 = tpu.vector_load %arg12[%parallel_loop3A_189, %parallel_loop3A_190] {strides = array<i32>} : memref<8x2048xf32, #tpu.memory_space<vmem>>, vector<1x16xf32>,
      %parallel_loop3A_192 = vector.shape_cast %parallel_loop3A_191 : vector<1x16xf32> to vector<16xf32>
      %parallel_loop3A_193 = vector.shape_cast %parallel_loop3A_187 : vector<16xf32> to vector<1x16xf32>
      tpu.vector_store %arg12[%parallel_loop3A_189, %parallel_loop3A_190], %parallel_loop3A_193 {add = true, strides = array<i32>} : memref<8x2048xf32, #tpu.memory_space<vmem>>, vector<1x16xf32>,
    } {sc.loop_unroll_factor = 8 : i64, sc.parallel_access}
    %get3A_101 = arith.constant 2 : i32
    %get3A_102 = arith.index_cast %get3A_101 : i32 to index
    %get3A_103 = arith.constant 0 : index
    %get3A_104 = tpu.vector_load %arg9[%get3A_102, %get3A_103] {strides = array<i32>} : memref<8x128xf32, #tpu.memory_space<vmem>>, vector<1x16xf32>,
    %get3A_105 = vector.shape_cast %get3A_104 : vector<1x16xf32> to vector<16xf32>
    %parallel_loop3A_106 = arith.constant 0 : i32
    %parallel_loop3A_107 = arith.constant 128 : i32
    %parallel_loop3A_108 = arith.constant 1 : i32
    scf.for %parallel_loop3A_179 = %parallel_loop3A_106 to %parallel_loop3A_107 step %parallel_loop3A_108  : i32 {
      %parallel_loop3A_180 = arith.constant 16 : i32
      %parallel_loop3A_181 = arith.muli %parallel_loop3A_179, %parallel_loop3A_180 : i32
      %parallel_loop3A_182 = arith.constant 2 : i32
      %parallel_loop3A_183 = arith.index_cast %parallel_loop3A_182 : i32 to index
      %parallel_loop3A_184 = arith.index_cast %parallel_loop3A_181 : i32 to index
      %parallel_loop3A_185 = tpu.vector_load %arg15[%parallel_loop3A_183, %parallel_loop3A_184] {strides = array<i32>} : memref<8x2048xf32, #tpu.memory_space<vmem>>, vector<1x16xf32>,
      %parallel_loop3A_186 = vector.shape_cast %parallel_loop3A_185 : vector<1x16xf32> to vector<16xf32>
      %parallel_loop3A_187 = arith.mulf %get3A_105, %parallel_loop3A_186 : vector<16xf32>
      %parallel_loop3A_188 = arith.constant 2 : i32
      %parallel_loop3A_189 = arith.index_cast %parallel_loop3A_188 : i32 to index
      %parallel_loop3A_190 = arith.index_cast %parallel_loop3A_181 : i32 to index
      %parallel_loop3A_191 = tpu.vector_load %arg12[%parallel_loop3A_189, %parallel_loop3A_190] {strides = array<i32>} : memref<8x2048xf32, #tpu.memory_space<vmem>>, vector<1x16xf32>,
      %parallel_loop3A_192 = vector.shape_cast %parallel_loop3A_191 : vector<1x16xf32> to vector<16xf32>
      %parallel_loop3A_193 = vector.shape_cast %parallel_loop3A_187 : vector<16xf32> to vector<1x16xf32>
      tpu.vector_store %arg12[%parallel_loop3A_189, %parallel_loop3A_190], %parallel_loop3A_193 {add = true, strides = array<i32>} : memref<8x2048xf32, #tpu.memory_space<vmem>>, vector<1x16xf32>,
    } {sc.loop_unroll_factor = 8 : i64, sc.parallel_access}
    %get3A_109 = arith.constant 3 : i32
    %get3A_110 = arith.index_cast %get3A_109 : i32 to index
    %get3A_111 = arith.constant 0 : index
    %get3A_112 = tpu.vector_load %arg9[%get3A_110, %get3A_111] {strides = array<i32>} : memref<8x128xf32, #tpu.memory_space<vmem>>, vector<1x16xf32>,
    %get3A_113 = vector.shape_cast %get3A_112 : vector<1x16xf32> to vector<16xf32>
    %parallel_loop3A_114 = arith.constant 0 : i32
    %parallel_loop3A_115 = arith.constant 128 : i32
    %parallel_loop3A_116 = arith.constant 1 : i32
    scf.for %parallel_loop3A_179 = %parallel_loop3A_114 to %parallel_loop3A_115 step %parallel_loop3A_116  : i32 {
      %parallel_loop3A_180 = arith.constant 16 : i32
      %parallel_loop3A_181 = arith.muli %parallel_loop3A_179, %parallel_loop3A_180 : i32
      %parallel_loop3A_182 = arith.constant 3 : i32
      %parallel_loop3A_183 = arith.index_cast %parallel_loop3A_182 : i32 to index
      %parallel_loop3A_184 = arith.index_cast %parallel_loop3A_181 : i32 to index
      %parallel_loop3A_185 = tpu.vector_load %arg15[%parallel_loop3A_183, %parallel_loop3A_184] {strides = array<i32>} : memref<8x2048xf32, #tpu.memory_space<vmem>>, vector<1x16xf32>,
      %parallel_loop3A_186 = vector.shape_cast %parallel_loop3A_185 : vector<1x16xf32> to vector<16xf32>
      %parallel_loop3A_187 = arith.mulf %get3A_113, %parallel_loop3A_186 : vector<16xf32>
      %parallel_loop3A_188 = arith.constant 3 : i32
      %parallel_loop3A_189 = arith.index_cast %parallel_loop3A_188 : i32 to index
      %parallel_loop3A_190 = arith.index_cast %parallel_loop3A_181 : i32 to index
      %parallel_loop3A_191 = tpu.vector_load %arg12[%parallel_loop3A_189, %parallel_loop3A_190] {strides = array<i32>} : memref<8x2048xf32, #tpu.memory_space<vmem>>, vector<1x16xf32>,
      %parallel_loop3A_192 = vector.shape_cast %parallel_loop3A_191 : vector<1x16xf32> to vector<16xf32>
      %parallel_loop3A_193 = vector.shape_cast %parallel_loop3A_187 : vector<16xf32> to vector<1x16xf32>
      tpu.vector_store %arg12[%parallel_loop3A_189, %parallel_loop3A_190], %parallel_loop3A_193 {add = true, strides = array<i32>} : memref<8x2048xf32, #tpu.memory_space<vmem>>, vector<1x16xf32>,
    } {sc.loop_unroll_factor = 8 : i64, sc.parallel_access}
    %get3A_117 = arith.constant 4 : i32
    %get3A_118 = arith.index_cast %get3A_117 : i32 to index
    %get3A_119 = arith.constant 0 : index
    %get3A_120 = tpu.vector_load %arg9[%get3A_118, %get3A_119] {strides = array<i32>} : memref<8x128xf32, #tpu.memory_space<vmem>>, vector<1x16xf32>,
    %get3A_121 = vector.shape_cast %get3A_120 : vector<1x16xf32> to vector<16xf32>
    %parallel_loop3A_122 = arith.constant 0 : i32
    %parallel_loop3A_123 = arith.constant 128 : i32
    %parallel_loop3A_124 = arith.constant 1 : i32
    scf.for %parallel_loop3A_179 = %parallel_loop3A_122 to %parallel_loop3A_123 step %parallel_loop3A_124  : i32 {
      %parallel_loop3A_180 = arith.constant 16 : i32
      %parallel_loop3A_181 = arith.muli %parallel_loop3A_179, %parallel_loop3A_180 : i32
      %parallel_loop3A_182 = arith.constant 4 : i32
      %parallel_loop3A_183 = arith.index_cast %parallel_loop3A_182 : i32 to index
      %parallel_loop3A_184 = arith.index_cast %parallel_loop3A_181 : i32 to index
      %parallel_loop3A_185 = tpu.vector_load %arg15[%parallel_loop3A_183, %parallel_loop3A_184] {strides = array<i32>} : memref<8x2048xf32, #tpu.memory_space<vmem>>, vector<1x16xf32>,
      %parallel_loop3A_186 = vector.shape_cast %parallel_loop3A_185 : vector<1x16xf32> to vector<16xf32>
      %parallel_loop3A_187 = arith.mulf %get3A_121, %parallel_loop3A_186 : vector<16xf32>
      %parallel_loop3A_188 = arith.constant 4 : i32
      %parallel_loop3A_189 = arith.index_cast %parallel_loop3A_188 : i32 to index
      %parallel_loop3A_190 = arith.index_cast %parallel_loop3A_181 : i32 to index
      %parallel_loop3A_191 = tpu.vector_load %arg12[%parallel_loop3A_189, %parallel_loop3A_190] {strides = array<i32>} : memref<8x2048xf32, #tpu.memory_space<vmem>>, vector<1x16xf32>,
      %parallel_loop3A_192 = vector.shape_cast %parallel_loop3A_191 : vector<1x16xf32> to vector<16xf32>
      %parallel_loop3A_193 = vector.shape_cast %parallel_loop3A_187 : vector<16xf32> to vector<1x16xf32>
      tpu.vector_store %arg12[%parallel_loop3A_189, %parallel_loop3A_190], %parallel_loop3A_193 {add = true, strides = array<i32>} : memref<8x2048xf32, #tpu.memory_space<vmem>>, vector<1x16xf32>,
    } {sc.loop_unroll_factor = 8 : i64, sc.parallel_access}
    %get3A_125 = arith.constant 5 : i32
    %get3A_126 = arith.index_cast %get3A_125 : i32 to index
    %get3A_127 = arith.constant 0 : index
    %get3A_128 = tpu.vector_load %arg9[%get3A_126, %get3A_127] {strides = array<i32>} : memref<8x128xf32, #tpu.memory_space<vmem>>, vector<1x16xf32>,
    %get3A_129 = vector.shape_cast %get3A_128 : vector<1x16xf32> to vector<16xf32>
    %parallel_loop3A_130 = arith.constant 0 : i32
    %parallel_loop3A_131 = arith.constant 128 : i32
    %parallel_loop3A_132 = arith.constant 1 : i32
    scf.for %parallel_loop3A_179 = %parallel_loop3A_130 to %parallel_loop3A_131 step %parallel_loop3A_132  : i32 {
      %parallel_loop3A_180 = arith.constant 16 : i32
      %parallel_loop3A_181 = arith.muli %parallel_loop3A_179, %parallel_loop3A_180 : i32
      %parallel_loop3A_182 = arith.constant 5 : i32
      %parallel_loop3A_183 = arith.index_cast %parallel_loop3A_182 : i32 to index
      %parallel_loop3A_184 = arith.index_cast %parallel_loop3A_181 : i32 to index
      %parallel_loop3A_185 = tpu.vector_load %arg15[%parallel_loop3A_183, %parallel_loop3A_184] {strides = array<i32>} : memref<8x2048xf32, #tpu.memory_space<vmem>>, vector<1x16xf32>,
      %parallel_loop3A_186 = vector.shape_cast %parallel_loop3A_185 : vector<1x16xf32> to vector<16xf32>
      %parallel_loop3A_187 = arith.mulf %get3A_129, %parallel_loop3A_186 : vector<16xf32>
      %parallel_loop3A_188 = arith.constant 5 : i32
      %parallel_loop3A_189 = arith.index_cast %parallel_loop3A_188 : i32 to index
      %parallel_loop3A_190 = arith.index_cast %parallel_loop3A_181 : i32 to index
      %parallel_loop3A_191 = tpu.vector_load %arg12[%parallel_loop3A_189, %parallel_loop3A_190] {strides = array<i32>} : memref<8x2048xf32, #tpu.memory_space<vmem>>, vector<1x16xf32>,
      %parallel_loop3A_192 = vector.shape_cast %parallel_loop3A_191 : vector<1x16xf32> to vector<16xf32>
      %parallel_loop3A_193 = vector.shape_cast %parallel_loop3A_187 : vector<16xf32> to vector<1x16xf32>
      tpu.vector_store %arg12[%parallel_loop3A_189, %parallel_loop3A_190], %parallel_loop3A_193 {add = true, strides = array<i32>} : memref<8x2048xf32, #tpu.memory_space<vmem>>, vector<1x16xf32>,
    } {sc.loop_unroll_factor = 8 : i64, sc.parallel_access}
    %get3A_133 = arith.constant 6 : i32
    %get3A_134 = arith.index_cast %get3A_133 : i32 to index
    %get3A_135 = arith.constant 0 : index
    %get3A_136 = tpu.vector_load %arg9[%get3A_134, %get3A_135] {strides = array<i32>} : memref<8x128xf32, #tpu.memory_space<vmem>>, vector<1x16xf32>,
    %get3A_137 = vector.shape_cast %get3A_136 : vector<1x16xf32> to vector<16xf32>
    %parallel_loop3A_138 = arith.constant 0 : i32
    %parallel_loop3A_139 = arith.constant 128 : i32
    %parallel_loop3A_140 = arith.constant 1 : i32
    scf.for %parallel_loop3A_179 = %parallel_loop3A_138 to %parallel_loop3A_139 step %parallel_loop3A_140  : i32 {
      %parallel_loop3A_180 = arith.constant 16 : i32
      %parallel_loop3A_181 = arith.muli %parallel_loop3A_179, %parallel_loop3A_180 : i32
      %parallel_loop3A_182 = arith.constant 6 : i32
      %parallel_loop3A_183 = arith.index_cast %parallel_loop3A_182 : i32 to index
      %parallel_loop3A_184 = arith.index_cast %parallel_loop3A_181 : i32 to index
      %parallel_loop3A_185 = tpu.vector_load %arg15[%parallel_loop3A_183, %parallel_loop3A_184] {strides = array<i32>} : memref<8x2048xf32, #tpu.memory_space<vmem>>, vector<1x16xf32>,
      %parallel_loop3A_186 = vector.shape_cast %parallel_loop3A_185 : vector<1x16xf32> to vector<16xf32>
      %parallel_loop3A_187 = arith.mulf %get3A_137, %parallel_loop3A_186 : vector<16xf32>
      %parallel_loop3A_188 = arith.constant 6 : i32
      %parallel_loop3A_189 = arith.index_cast %parallel_loop3A_188 : i32 to index
      %parallel_loop3A_190 = arith.index_cast %parallel_loop3A_181 : i32 to index
      %parallel_loop3A_191 = tpu.vector_load %arg12[%parallel_loop3A_189, %parallel_loop3A_190] {strides = array<i32>} : memref<8x2048xf32, #tpu.memory_space<vmem>>, vector<1x16xf32>,
      %parallel_loop3A_192 = vector.shape_cast %parallel_loop3A_191 : vector<1x16xf32> to vector<16xf32>
      %parallel_loop3A_193 = vector.shape_cast %parallel_loop3A_187 : vector<16xf32> to vector<1x16xf32>
      tpu.vector_store %arg12[%parallel_loop3A_189, %parallel_loop3A_190], %parallel_loop3A_193 {add = true, strides = array<i32>} : memref<8x2048xf32, #tpu.memory_space<vmem>>, vector<1x16xf32>,
    } {sc.loop_unroll_factor = 8 : i64, sc.parallel_access}
    %get3A_141 = arith.constant 7 : i32
    %get3A_142 = arith.index_cast %get3A_141 : i32 to index
    %get3A_143 = arith.constant 0 : index
    %get3A_144 = tpu.vector_load %arg9[%get3A_142, %get3A_143] {strides = array<i32>} : memref<8x128xf32, #tpu.memory_space<vmem>>, vector<1x16xf32>,
    %get3A_145 = vector.shape_cast %get3A_144 : vector<1x16xf32> to vector<16xf32>
    %parallel_loop3A_146 = arith.constant 0 : i32
    %parallel_loop3A_147 = arith.constant 128 : i32
    %parallel_loop3A_148 = arith.constant 1 : i32
    scf.for %parallel_loop3A_179 = %parallel_loop3A_146 to %parallel_loop3A_147 step %parallel_loop3A_148  : i32 {
      %parallel_loop3A_180 = arith.constant 16 : i32
      %parallel_loop3A_181 = arith.muli %parallel_loop3A_179, %parallel_loop3A_180 : i32
      %parallel_loop3A_182 = arith.constant 7 : i32
      %parallel_loop3A_183 = arith.index_cast %parallel_loop3A_182 : i32 to index
      %parallel_loop3A_184 = arith.index_cast %parallel_loop3A_181 : i32 to index
      %parallel_loop3A_185 = tpu.vector_load %arg15[%parallel_loop3A_183, %parallel_loop3A_184] {strides = array<i32>} : memref<8x2048xf32, #tpu.memory_space<vmem>>, vector<1x16xf32>,
      %parallel_loop3A_186 = vector.shape_cast %parallel_loop3A_185 : vector<1x16xf32> to vector<16xf32>
      %parallel_loop3A_187 = arith.mulf %get3A_145, %parallel_loop3A_186 : vector<16xf32>
      %parallel_loop3A_188 = arith.constant 7 : i32
      %parallel_loop3A_189 = arith.index_cast %parallel_loop3A_188 : i32 to index
      %parallel_loop3A_190 = arith.index_cast %parallel_loop3A_181 : i32 to index
      %parallel_loop3A_191 = tpu.vector_load %arg12[%parallel_loop3A_189, %parallel_loop3A_190] {strides = array<i32>} : memref<8x2048xf32, #tpu.memory_space<vmem>>, vector<1x16xf32>,
      %parallel_loop3A_192 = vector.shape_cast %parallel_loop3A_191 : vector<1x16xf32> to vector<16xf32>
      %parallel_loop3A_193 = vector.shape_cast %parallel_loop3A_187 : vector<16xf32> to vector<1x16xf32>
      tpu.vector_store %arg12[%parallel_loop3A_189, %parallel_loop3A_190], %parallel_loop3A_193 {add = true, strides = array<i32>} : memref<8x2048xf32, #tpu.memory_space<vmem>>, vector<1x16xf32>,
    } {sc.loop_unroll_factor = 8 : i64, sc.parallel_access}
    %add3A_149 = arith.constant 504 : i32
    %add3A_150 = arith.addi %mul3A_2, %add3A_149 : i32
    %dma_start3A_151 = arith.constant 0 : i32
    %dma_start3A_152 = arith.constant 0 : i32
    %dma_start3A_153 = tpu.memref_slice %arg6[%add3A_150, %dma_start3A_152] : memref<16384x2048xf32, #tpu.memory_space<hbm>> -> memref<8x2048xf32, #tpu.memory_space<hbm>>
    %dma_start3A_154 = tpu.memref_slice %arg20[%dma_start3A_151] : memref<3x!tpu.dma_semaphore, #tpu.memory_space<semaphore_mem>> -> memref<1x!tpu.dma_semaphore, #tpu.memory_space<semaphore_mem>>
    %dma_start3A_155 = tpu.memref_squeeze %dma_start3A_154 : memref<1x!tpu.dma_semaphore, #tpu.memory_space<semaphore_mem>> -> memref<!tpu.dma_semaphore, #tpu.memory_space<semaphore_mem>>
    %dma_start3A_156 = arith.constant 0 : i32
    %dma_start3A_157 = tpu.memref_slice %arg6[%add3A_150, %dma_start3A_156] : memref<16384x2048xf32, #tpu.memory_space<hbm>> -> memref<8x2048xf32, #tpu.memory_space<hbm>>
    tpu.enqueue_dma source(%arg12 : memref<8x2048xf32, #tpu.memory_space<vmem>>) target(%dma_start3A_157 : memref<8x2048xf32, #tpu.memory_space<hbm>>) target_semaphore(%dma_start3A_155 : memref<!tpu.dma_semaphore, #tpu.memory_space<semaphore_mem>>)
    %dma_wait3A_158 = arith.constant 1 : i32
    %dma_wait3A_159 = arith.constant 0 : i32
    %dma_wait3A_160 = tpu.memref_slice %arg6[%mul3A_2, %dma_wait3A_159] : memref<16384x2048xf32, #tpu.memory_space<hbm>> -> memref<8x2048xf32, #tpu.memory_space<hbm>>
    %dma_wait3A_161 = tpu.memref_slice %arg20[%dma_wait3A_158] : memref<3x!tpu.dma_semaphore, #tpu.memory_space<semaphore_mem>> -> memref<1x!tpu.dma_semaphore, #tpu.memory_space<semaphore_mem>>
    %dma_wait3A_162 = tpu.memref_squeeze %dma_wait3A_161 : memref<1x!tpu.dma_semaphore, #tpu.memory_space<semaphore_mem>> -> memref<!tpu.dma_semaphore, #tpu.memory_space<semaphore_mem>>
    %dma_wait3A_163 = arith.constant 0 : i32
    %dma_wait3A_164 = tpu.memref_slice %arg6[%mul3A_2, %dma_wait3A_163] : memref<16384x2048xf32, #tpu.memory_space<hbm>> -> memref<8x2048xf32, #tpu.memory_space<hbm>>
    tpu.wait_dma2 semaphore(%dma_wait3A_162 : memref<!tpu.dma_semaphore, #tpu.memory_space<semaphore_mem>>) src(%arg13 : memref<8x2048xf32, #tpu.memory_space<vmem>>) dst(%dma_wait3A_164 : memref<8x2048xf32, #tpu.memory_space<hbm>>)
    %dma_wait3A_165 = arith.constant 2 : i32
    %dma_wait3A_166 = arith.constant 0 : i32
    %dma_wait3A_167 = tpu.memref_slice %arg6[%mul3A_2, %dma_wait3A_166] : memref<16384x2048xf32, #tpu.memory_space<hbm>> -> memref<8x2048xf32, #tpu.memory_space<hbm>>
    %dma_wait3A_168 = tpu.memref_slice %arg20[%dma_wait3A_165] : memref<3x!tpu.dma_semaphore, #tpu.memory_space<semaphore_mem>> -> memref<1x!tpu.dma_semaphore, #tpu.memory_space<semaphore_mem>>
    %dma_wait3A_169 = tpu.memref_squeeze %dma_wait3A_168 : memref<1x!tpu.dma_semaphore, #tpu.memory_space<semaphore_mem>> -> memref<!tpu.dma_semaphore, #tpu.memory_space<semaphore_mem>>
    %dma_wait3A_170 = arith.constant 0 : i32
    %dma_wait3A_171 = tpu.memref_slice %arg6[%mul3A_2, %dma_wait3A_170] : memref<16384x2048xf32, #tpu.memory_space<hbm>> -> memref<8x2048xf32, #tpu.memory_space<hbm>>
    tpu.wait_dma2 semaphore(%dma_wait3A_169 : memref<!tpu.dma_semaphore, #tpu.memory_space<semaphore_mem>>) src(%arg14 : memref<8x2048xf32, #tpu.memory_space<vmem>>) dst(%dma_wait3A_171 : memref<8x2048xf32, #tpu.memory_space<hbm>>)
    %dma_wait3A_172 = arith.constant 0 : i32
    %dma_wait3A_173 = arith.constant 0 : i32
    %dma_wait3A_174 = tpu.memref_slice %arg6[%mul3A_2, %dma_wait3A_173] : memref<16384x2048xf32, #tpu.memory_space<hbm>> -> memref<8x2048xf32, #tpu.memory_space<hbm>>
    %dma_wait3A_175 = tpu.memref_slice %arg20[%dma_wait3A_172] : memref<3x!tpu.dma_semaphore, #tpu.memory_space<semaphore_mem>> -> memref<1x!tpu.dma_semaphore, #tpu.memory_space<semaphore_mem>>
    %dma_wait3A_176 = tpu.memref_squeeze %dma_wait3A_175 : memref<1x!tpu.dma_semaphore, #tpu.memory_space<semaphore_mem>> -> memref<!tpu.dma_semaphore, #tpu.memory_space<semaphore_mem>>
    %dma_wait3A_177 = arith.constant 0 : i32
    %dma_wait3A_178 = tpu.memref_slice %arg6[%mul3A_2, %dma_wait3A_177] : memref<16384x2048xf32, #tpu.memory_space<hbm>> -> memref<8x2048xf32, #tpu.memory_space<hbm>>
    tpu.wait_dma2 semaphore(%dma_wait3A_176 : memref<!tpu.dma_semaphore, #tpu.memory_space<semaphore_mem>>) src(%arg12 : memref<8x2048xf32, #tpu.memory_space<vmem>>) dst(%dma_wait3A_178 : memref<8x2048xf32, #tpu.memory_space<hbm>>)
    return
  }
}

module attributes {stable_mosaic.version = 14 : i64} {
  func.func @_factor_body(%arg0: i32, %arg1: memref<512x2048xf32, #tpu.memory_space<vmem>>, %arg2: memref<512xf32, #tpu.memory_space<vmem>>, %arg3: memref<512x128xf32, #tpu.memory_space<vmem>>) attributes {dimension_semantics = [#tpu.dimension_semantics<arbitrary>], iteration_bounds = array<i64: 9>, scalar_prefetch = 0 : i64, scratch_operands = 0 : i64, tpu.core_type = #tpu.core_type<tc>, window_params = [{transform_indices = @transform_0, window_bounds = array<i64: 512, 2048>}, {transform_indices = @transform_1, window_bounds = array<i64: 512>}, {transform_indices = @transform_2, window_bounds = array<i64: 512, 128>}]} {
    %lt3A = arith.constant 8 : i32
    %lt3A_0 = arith.cmpi slt, %arg0, %lt3A : i32
    %convert_element_type3A = arith.extui %lt3A_0 : i1 to i32
    %cond3A = arith.constant 0 : i32
    %cond3A_1 = arith.cmpi ne, %convert_element_type3A, %cond3A : i32
    scf.if %cond3A_1 {
      %get3A = arith.constant 0 : index
      %get3A_6 = arith.constant 0 : index
      %get3A_7 = vector.load %arg1[%get3A, %get3A_6] : memref<512x2048xf32, #tpu.memory_space<vmem>>, vector<512x2048xf32>
      %mul3A = arith.mulf %get3A_7, %get3A_7 : vector<512x2048xf32>
      %reduce_sum3A = arith.constant dense<0.000000e+00> : vector<512xf32>
      %reduce_sum3A_8 = vector.multi_reduction <add>, %mul3A, %reduce_sum3A [1] : vector<512x2048xf32> to vector<512xf32>
      %broadcast_in_dim3A = vector.shape_cast %reduce_sum3A_8 : vector<512xf32> to vector<512x1xf32>
      %sqrt3A = math.sqrt %broadcast_in_dim3A : vector<512x1xf32>
      %get3A_9 = arith.constant 0 : index
      %get3A_10 = vector.load %arg2[%get3A_9] : memref<512xf32, #tpu.memory_space<vmem>>, vector<512xf32>
      %broadcast_in_dim3A_11 = vector.shape_cast %get3A_10 : vector<512xf32> to vector<512x1xf32>
      %max3A = arith.constant 9.99999993E-9 : f32
      %max3A_12 = vector.broadcast %max3A : f32 to vector<512x1xf32>
      %max3A_13 = arith.maximumf %sqrt3A, %max3A_12 : vector<512x1xf32>
      %div3A = arith.divf %broadcast_in_dim3A_11, %max3A_13 : vector<512x1xf32>
      %broadcast_in_dim3A_14 = vector.shape_cast %div3A : vector<512x1xf32> to vector<512x1xf32>
      %broadcast_in_dim3A_15 = vector.broadcast %broadcast_in_dim3A_14 : vector<512x1xf32> to vector<512x128xf32>
      %swap3A = arith.constant 0 : index
      %swap3A_16 = arith.constant 0 : index
      %swap3A_17 = vector.load %arg3[%swap3A, %swap3A_16] : memref<512x128xf32, #tpu.memory_space<vmem>>, vector<512x128xf32>
      tpu.vector_store %arg3[%swap3A, %swap3A_16], %broadcast_in_dim3A_15 {strides = array<i32>} : memref<512x128xf32, #tpu.memory_space<vmem>>, vector<512x128xf32>,
    } else {
    }
    %eq3A = arith.constant 8 : i32
    %eq3A_2 = arith.cmpi eq, %arg0, %eq3A : i32
    %convert_element_type3A_3 = arith.extui %eq3A_2 : i1 to i32
    %cond3A_4 = arith.constant 0 : i32
    %cond3A_5 = arith.cmpi ne, %convert_element_type3A_3, %cond3A_4 : i32
    scf.if %cond3A_5 {
      %broadcast_in_dim3A = arith.constant 0.000000e+00 : f32
      %broadcast_in_dim3A_6 = vector.broadcast %broadcast_in_dim3A : f32 to vector<512x128xf32>
      %swap3A = arith.constant 0 : index
      %swap3A_7 = arith.constant 0 : index
      %swap3A_8 = vector.load %arg3[%swap3A, %swap3A_7] : memref<512x128xf32, #tpu.memory_space<vmem>>, vector<512x128xf32>
      tpu.vector_store %arg3[%swap3A, %swap3A_7], %broadcast_in_dim3A_6 {strides = array<i32>} : memref<512x128xf32, #tpu.memory_space<vmem>>, vector<512x128xf32>,
    } else {
    }
    return
  }
  func.func @transform_0(%arg0: i32) -> (i32, i32) {
    %min3A = arith.constant 7 : i32
    %min3A_0 = arith.minsi %arg0, %min3A : i32
    %c0_i32 = arith.constant 0 : i32
    %c0_i32_1 = arith.constant 0 : i32
    return %min3A_0, %c0_i32 : i32, i32
  }
  func.func @transform_1(%arg0: i32) -> i32 {
    %min3A = arith.constant 7 : i32
    %min3A_0 = arith.minsi %arg0, %min3A : i32
    %c0_i32 = arith.constant 0 : i32
    return %min3A_0 : i32
  }
  func.func @transform_2(%arg0: i32) -> (i32, i32) {
    %c0_i32 = arith.constant 0 : i32
    %c0_i32_0 = arith.constant 0 : i32
    return %arg0, %c0_i32 : i32, i32
  }
}

</mosaic_0001>

<sc_bundles>
// kernel: kernel.4.cloned.1.call-start
scs
__scs_entry_jumppad:
0x0: {  	(pc) =	sbr.rel $0x88, $3  }
0x1: {  	(tag) =	ssettag $0x0;
	lr =	simm.s32 $0x1  }
0x2: {  	[smem:$0x3F9D] =	sst lr;
	_ =	strace $0xD0000000  }
0x3: {  	_ = 	snop  }
0x4: {  	_ = 	snop  }
0x5: {  	_ = 	snop  }
0x6: {  	_ = 	snop  }
0x7: {  	_ = 	snop  }
__scs_overlays_trampoline_lowered:
0x8: {  	[smem:$0x3FAC] =	sst s0  }
0x9: {  	[smem:$0x3FAD] =	sst s1  }
0xa: {  	[smem:$0x3FAE] =	sst s2  }
0xb: {  	[smem:$0x3FAF] =	sst s3  }
0xc: {  	[smem:$0x3FB0] =	sst s4  }
0xd: {  	[smem:$0x3FB1] =	sst s5  }
0xe: {  	[smem:$0x3FB2] =	sst s6  }
0xf: {  	[smem:$0x3FB3] =	sst s7  }
0x10: {  	[smem:$0x3FB4] =	sst s8  }
0x11: {  	[smem:$0x3FB5] =	sst s9;
	s0 =	simm.s32 @!p0 $0x0  }
0x12: {  	s1 =	sld [smem:$0x3F9B];
	s0 =	simm.s32 @p0 $0x1  }
0x13: {  	[smem:$0x3FB6] =	sst s0;
	s0 =	simm.s32 @!p1 $0x0  }
0x14: {  	s2 =	sld [smem:$0x3F9A];
	s0 =	simm.s32 @p1 $0x1  }
0x15: {  	[smem:$0x3FB7] =	sst s0;
	s0 =	simm.s32 @!p2 $0x0  }
0x16: {  	s3 =	sld [smem:$0x3FDB];
	s0 =	simm.s32 @p2 $0x1  }
0x17: {  	s4 =	simm.s32 $0x1BF5;
	[smem:$0x3FB9] =	sst s0  }
0x18: {  	s0 =	sld [smem:$0x3F9C];
	_ =	swait.ge [sflag:s4], $0x0  }
0x19: {  	s7 =	sld [smem:$0x3F9D]  }
0x1a: {  	s8 =	sadd.s32 $0xFFFFE003, lr  }
0x1b: {  	s9 =	sadd.s32 $0xFFFFFEF7, lr;
	s5 =	simm.s32 $0xFFFFFFFF;
	p2 =	slt.u32 s8, $0xFFFFF086  }
0x1c: {  	p1 =	slt.u32 s9, $0xF7A;
	s5 =	simm.s32 @!p2 $0x0  }
0x1d: {  	s5 =	simm.s32 @p1 $0x1;
	p0 =	seq.s32 s7, s2  }
0x1e: {  	s7 =	smul.u32 @!p0 $0xF7A, s2;
	p2 =	seq.s32 @!p0 s5, $0x0  }
0x1f: {  	s9 =	smul.u32 $0xF7A, s1;
	s8 =	simm.s32 @!p0 $0x1BF5;
	p2 =	por !p2, p0  }
0x20: {  	[sflag:s8] =	ssyncset.s32 @!p0 $0xFFFFF086;
	s6 =	sadd.s32 @!p0 s3, s7;
	s7 =	simm.s32 @!p0 $0x108  }
0x21: {  	s3 =	sadd.s32 s3, s9;
	s6 =	sadd.s32 @!p0 $0x88, s6;
	s7 =	simm.s32 @p2 $0x1082  }
0x22: {  	[simem:s7], [sflag:s8] =	dma.local @!p0 [hbm:s6], $0xF7A  }
0x23: {  	s9 =	sor.u32 $0xD0000000, s2;
	s6 =	simm.s32 $0x108;
	_ =	swait.ge @!p0 [sflag:s8], $0x0  }
0x24: {  	s3 =	sadd.s32 $0x88, s3;
	s6 =	simm.s32 @!p1 $0x1082;
	[sflag:s4] =	ssyncset.s32 $0xFFFFF086  }
0x25: {  	[simem:s6], [sflag:s4] =	dma.local [hbm:s3], $0xF7A  }
0x26: {  	[smem:$0x3F9D] =	sst s1;
	(tag) =	ssettag s2;
	_ =	strace s9  }
0x27: {  	s1 =	sld [smem:$0x3FAD]  }
0x28: {  	s2 =	sld [smem:$0x3FAE]  }
0x29: {  	s4 =	sld [smem:$0x3FB0]  }
0x2a: {  	p0 =	seq.s32 s5, $0x0;
	s5 =	sld [smem:$0x3FB1]  }
0x2b: {  	s6 =	sld [smem:$0x3FB2]  }
0x2c: {  	s7 =	sld [smem:$0x3FB3]  }
0x2d: {  	s3 =	simm.s32 $0x108;
	s8 =	sld [smem:$0x3FB4]  }
0x2e: {  	s3 =	simm.s32 @!p0 $0x1082;
	s9 =	sld [smem:$0x3FB5]  }
0x2f: {  	lr =	sadd.s32 s0, s3;
	s0 =	sld [smem:$0x3FAC]  }
0x30: {  	s3 =	sld [smem:$0x3FAF]  }
0x31: {  	[smem:$0x3FB8] =	sst s10  }
0x32: {  	s10 =	sld [smem:$0x3FB6];
	_ =	sdelay $0x3  }
0x33: {  	p0 =	seq.s32 s10, $0x1;
	s10 =	sld [smem:$0x3FB8];
	_ =	sdelay $0x3  }
0x34: {  	[smem:$0x3FB8] =	sst s10  }
0x35: {  	s10 =	sld [smem:$0x3FB7];
	_ =	sdelay $0x3  }
0x36: {  	p1 =	seq.s32 s10, $0x1;
	s10 =	sld [smem:$0x3FB8];
	_ =	sdelay $0x3  }
0x37: {  	[smem:$0x3FB8] =	sst s10  }
0x38: {  	s10 =	sld [smem:$0x3FB9]  }
0x39: {  	_ = 	snop;
	(pc) =	sbr.ind lr, $3  }
0x3a: {  	_ = 	snop  }
0x3b: {  	_ = 	snop  }
0x3c: {  	p2 =	seq.s32 s10, $0x1;
	s10 =	sld [smem:$0x3FB8]  }
0x3d: {  	_ =	shalt  }
0x3e: {  	_ =	shalt  }
0x3f: {  	_ =	shalt  }
0x40: {  	_ =	shalt  }
0x41: {  	_ =	shalt  }
0x42: {  	_ =	shalt  }
0x43: {  	_ =	shalt  }
0x44: {  	_ =	shalt  }
0x45: {  	_ =	shalt  }
0x46: {  	_ =	shalt  }
0x47: {  	_ =	shalt  }
0x48: {  	_ =	shalt  }
0x49: {  	_ =	shalt  }
0x4a: {  	_ =	shalt  }
0x4b: {  	_ =	shalt  }
0x4c: {  	_ =	shalt  }
0x4d: {  	_ =	shalt  }
0x4e: {  	_ =	shalt  }
0x4f: {  	_ =	shalt  }
0x50: {  	_ =	shalt  }
0x51: {  	_ =	shalt  }
0x52: {  	_ =	shalt  }
0x53: {  	_ =	shalt  }
0x54: {  	_ =	shalt  }
0x55: {  	_ =	shalt  }
0x56: {  	_ =	shalt  }
0x57: {  	_ =	shalt  }
0x58: {  	_ =	shalt  }
0x59: {  	_ =	shalt  }
0x5a: {  	_ =	shalt  }
0x5b: {  	_ =	shalt  }
0x5c: {  	_ =	shalt  }
0x5d: {  	_ =	shalt  }
0x5e: {  	_ =	shalt  }
0x5f: {  	_ =	shalt  }
0x60: {  	_ =	shalt  }
0x61: {  	_ =	shalt  }
0x62: {  	_ =	shalt  }
0x63: {  	_ =	shalt  }
0x64: {  	_ =	shalt  }
0x65: {  	_ =	shalt  }
0x66: {  	_ =	shalt  }
0x67: {  	_ =	shalt  }
0x68: {  	_ =	shalt  }
0x69: {  	_ =	shalt  }
0x6a: {  	_ =	shalt  }
0x6b: {  	_ =	shalt  }
0x6c: {  	_ =	shalt  }
0x6d: {  	_ =	shalt  }
0x6e: {  	_ =	shalt  }
0x6f: {  	_ =	shalt  }
0x70: {  	_ =	shalt  }
0x71: {  	_ =	shalt  }
0x72: {  	_ =	shalt  }
0x73: {  	_ =	shalt  }
0x74: {  	_ =	shalt  }
0x75: {  	_ =	shalt  }
0x76: {  	_ =	shalt  }
0x77: {  	_ =	shalt  }
0x78: {  	_ =	shalt  }
0x79: {  	_ =	shalt  }
0x7a: {  	_ =	shalt  }
0x7b: {  	_ =	shalt  }
0x7c: {  	_ =	shalt  }
0x7d: {  	_ =	shalt  }
0x7e: {  	_ =	shalt  }
0x7f: {  	_ =	shalt  }
0x80: {  	_ =	shalt  }
0x81: {  	_ =	shalt  }
0x82: {  	_ =	shalt  }
0x83: {  	_ =	shalt  }
0x84: {  	_ =	shalt  }
0x85: {  	_ =	shalt  }
0x86: {  	_ =	shalt  }
0x87: {  	_ =	shalt  }
.Lfunc_end0:
.L_simem_size_0:
called_computation_lowered:
.L_overlay_start_0:
0x88: {  	s2 =	sld [smem:$0x3FD9]  }
0x89: {  	s3 =	sld [smem:$0x3FFE];
	_ =	sdelay $0x1  }
0x8a: {  	s1 =	srdreg.scid  }
0x8b: {  	s0 =	sand.u32 $0x1, s1  }
0x8c: {  	s17 =	sshll.u32 s0, $0xA;
	s2 =	sadd.s32 s3, s2  }
0x8d: {  	s2 =	sadd.s32 s2, s17  }
0x8e: {  	[smem:$0x3FC4] =	sst s2  }
0x8f: {  	_ = 	snop  }
0x90: {  	s2 =	sld [smem:$0x3FC9]  }
0x91: {  	s18 =	sld [smem:$0x3FC8]  }
0x92: {  	s4 =	sld [smem:$0x3FD0];
	(tm) =	ssettm $0x1  }
0x93: {  	s5 =	sld [smem:$0x3FFB];
	_ =	sdelay $0x3  }
0x94: {  	_ =	strace s5  }
0x95: {  	s5 =	sld [smem:$0x3FFC];
	_ =	sdelay $0x3  }
0x96: {  	_ =	strace s5  }
0x97: {  	s5 =	sld [smem:$0x3FFD];
	_ =	sdelay $0x3  }
0x98: {  	_ =	strace s5  }
0x99: {  	_ =	strace $0x8FFFFFFF  }
0x9a: {  	s19 =	sld [smem:$0x3FDB];
	_ =	sdelay $0x1  }
0x9b: {  	s6 =	simm.s32 $_scs_section_size  }
0x9c: {  	s7 =	simm.s32 $_size__tile_overlayer_lowered;
	s8 =	simm.s32 $_tile_overlayer_lowered  }
0x9d: {  	s22 =	simm.s32 $0x1BFF;
	s21 =	sshll.u32 s8, $0x1;
	s5 =	sadd.s32 s6, s19  }
0x9e: {  	s9 =	simm.s32 $0x0;
	s20 =	sshll.u32 s7, $0x1;
	s7 =	sadd.s32 s21, s5  }
0x9f: {  	[timem:s9], [sflag:s22] =	dma.local [hbm:s7], s20  }
0xa0: {  	_ =	swait.ge [sflag:s22], s20  }
0xa1: {  	s6 =	ssub.s32 $0x0, s20;
	[sflag:s22] =	ssyncset.done $0x0  }
0xa2: {  	[sflag:s22] =	ssyncadd.s32 s6;
	_ =	sdelay $0x1  }
0xa3: {  	s23 =	simm.s32 $0x1B8B  }
0xa4: {  	_ =	swait.ge [sflag:s23], $0x1  }
0xa5: {  	[sflag:s23] =	ssyncset.done $0x0  }
0xa6: {  	s25 =	simm.s32 $0x1B8E;
	s24 =	sld [smem:$0x3FFE];
	[sflag:s23] =	ssyncadd.s32 $0xFFFFFFFF  }
0xa7: {  	s26 =	simm.s32 $execute0_lowered;
	[smem:$0x3FD2] =	sst s25  }
0xa8: {  	s7 =	sshll.u32 s26, $0x1;
	_ =	strace $0x80000046;
	[dreg:$0x1] =	wrdreg $0xFFFFFFFF  }
0xa9: {  	s28 =	simm.s32 $_size_execute0_lowered;
	s5 =	sadd.s32 s5, s7;
	[dreg:$0x0] =	wrdreg $0x0  }
0xaa: {  	s7 =	sshll.u32 s28, $0x1;
	[dreg:$0x2] =	wrdreg s5  }
0xab: {  	[dreg:$0x3] =	wrdreg s7  }
0xac: {  	[dreg:$0x4] =	wrdreg $0xC0  }
0xad: {  	_ =	task [dreg:s9], $0x5FFFF  }
0xae: {  	[dreg:$0x1] =	wrdreg $0xFFFFFFFF  }
0xaf: {  	[dreg:$0x0] =	wrdreg $0x60  }
0xb0: {  	[dreg:$0x2] =	wrdreg s2  }
0xb1: {  	[dreg:$0x3] =	wrdreg s18  }
0xb2: {  	[dreg:$0x4] =	wrdreg s24  }
0xb3: {  	[dreg:$0x5] =	wrdreg s4  }
0xb4: {  	[dreg:$0x6] =	wrdreg $0x9  }
0xb5: {  	_ =	task.clear_ibuf [dreg:s9], $0x7FFFF;
	_ =	strace $0x90000046  }
0xb6: {  	s29 =	simm.s32 $0x9;
	_ =	strace $0x80000048  }
0xb7: {  	_ =	swait.ge [sflag:s29], $0x1  }
0xb8: {  	[sflag:s29] =	ssyncadd.s32 $0xFFFFFFFF  }
0xb9: {  	_ =	strace $0x90000048  }
0xba: {  	_ =	sfence  }
0xbb: {  	s30 =	sld [smem:$0x0];
	_ =	sdelay $0x2  }
0xbc: {  	s31 =	sshll.u32 s1, $0xD;
	s1 =	sshrl.u32 s1, $0x2  }
0xbd: {  	s3 =	sand.u32 $0x4000, s31;
	s1 =	sadd.s32 s1, s30  }
0xbe: {  	s0 =	sor.u32 s3, s0;
	s1 =	sshll.u32 s1, $0x11  }
0xbf: {  	s0 =	sor.u32 s1, s0  }
0xc0: {  	s0 =	sadd.s32 $0x8F2B, s0  }
0xc1: {  	[sflag:s0] =	ssyncadd.remote.s32 $0x1  }
0xc2: {  	_ =	sfence.sel $0xFFFF  }
0xc3: {  	[dreg:$0x0] =	wrdreg $0xFFFFFFFF;
	(pc) =	sbr.abs _section_cstart, $3  }
0xc4: {  	[dreg:$0x1] =	wrdreg $0xFFFFFFFF  }
0xc5: {  	_ =	task.clear_ibuf [dreg:s9], $0x2FFFF;
	_ =	strace $0x9FFFFFFF  }
0xc6: {  	(tm) =	ssettm $0x7FFFFFFF  }
0xc7: {  	_ =	shalt  }
tec
execute0_lowered:
.L_overlay_start_1:
0x0: {  	(tag) =	ssettag $0x1  }
0x1: {  	s1 =	rddreg [dreg:$0x0]  }
0x2: {  	s2 =	rddreg [dreg:$0x1]  }
0x3: {  	s0 =	rddreg [dreg:$0x2]  }
0x4: {  	s10 =	rddreg [dreg:$0x3]  }
0x5: {  	s3 =	srdreg.scid;
	s6 =	stileid.u32;
	s5 =	simm.s32 $0x0  }
0x6: {  	s21 =	simm.s32 $0x1;
	s28 =	simm.s32 $0x7;
	s29 =	simm.s32 $0x3  }
0x7: {  	s30 =	simm.s32 $0x6;
	s31 =	simm.s32 $0xC;
	s3 =	sand.u32 $0x1, s3  }
0x8: {  	s6 =	sshll.u32 s6, $0xA;
	[smem:$0x7FF] =	sst s5;
	s8 =	sadd.s32 $0x1000, s0  }
0x9: {  	s11 =	sadd.s32 $0x100, s2;
	s12 =	sadd.s32 $0x200, s2;
	s13 =	sadd.s32 $0x300, s2  }
0xa: {  	s14 =	sadd.s32 $0x400, s2;
	s15 =	sadd.s32 $0x500, s2;
	s16 =	sadd.s32 $0x600, s2  }
0xb: {  	s17 =	sadd.s32 $0x700, s2;
	s7 =	sshll.u32 s3, $0x9;
	s3 =	ssub.s32 $0x2, s3  }
0xc: {  	s4 =	smov.u32 s10;
	s6 =	sor.u32 s7, s6;
	s22 =	sshrl.u32 s3, $0x1  }
0xd: {  	_ =	strace $0x80000047;
	s9 =	sshrl.u32 s6, $0x3;
	s3 =	ssub.s32 s3, s22  }
0xe: {  	s23 =	sshll.u32 s6, $0x8;
	s22 =	simm.s32 $0xA;
	s0 =	sadd.s32 s9, s0  }
0xf: {  	s24 =	sadd.s32 s1, s23;
	[dreg:$0x5] =	wrdreg s9;
	s25 =	sor.u32 $0x1, s9  }
0x10: {  	s26 =	smax.u32 s3, $0x1;
	s3 =	simm.s32 $0x8;
	[dreg:$0x7] =	wrdreg s24  }
0x11: {  	s1 =	simm.s32 $0x0;
	s0 =	sadd.s32 $0x800, s0;
	[dreg:$0x9] =	wrdreg s25  }
0x12: {  	s7 =	sadd.s32 $0x800, s24;
	[dreg:$0xb] =	wrdreg s26;
	s24 =	simm.s32 $0x2  }
0x13: {  	v0 =	vlaneseq.u32;
	s25 =	simm.s32 $0x5;
	[dreg:$0x6] =	wrdreg s0;
	s0 =	sadd.s32 s23, s10  }
0x14: {  	v1 =	vshrl.u32 v0, $0x3;
	s26 =	simm.s32 $0xB;
	[dreg:$0x8] =	wrdreg s7;
	s0 =	sadd.s32 $0x1F800, s0  }
0x15: {  	vm0 =	vmmov $0xffff;
	v0 =	vand.u32 $0x7, v0;
	v1 =	vmul.u32 $0x8, v1;
	s23 =	simm.s32 $0x1000;
	s10 =	simm.s32 $0x4;
	[dreg:$0xa] =	wrdreg s0  }
.LBB2_1:
0x16: {  	[dreg:$0xc] =	wrdreg s1  }
0x17: {  	s0 =	rddreg [dreg:$0x6];
	s20 =	simm.s32 $0xD  }
0x18: {  	[tilespmem:s5], [sflag:$0xD] =	stream.linear.gather [hbm4b:s0+s5], $0x200, $0x38;
	[tilespmem:$0x19000] =	vst v63  }
0x19: {  	_ =	swait.ge [sflag:s20], $0x200  }
0x1a: {  	[sflag:s20] =	ssyncset.done $0x0  }
0x1b: {  	s0 =	simm.s32 $0x0;
	[sflag:s20] =	ssyncadd.s32 $0xFFFFFE00  }
0x1c: {  	v2 =	vld [tilespmem:s0+$0x0]  }
0x1d: {  	s7 =	simm.s32 $0x40  }
.LBB2_2:
0x1e: {  	p0 =	sne.s32 s7, $0x7C0  }
.Ltmp0:
0x1f: {  	_ = 	snop;
	(pc) =	sbr.rel @p0 .LBB2_2-.Ltmp0, $4  }
0x20: {  	_ = 	snop  }
0x21: {  	s9 =	sshra.s32 s7, $0x2;
	s7 =	sadd.s32 $0x40, s7;
	vm1 =	vlt.s32 v2, $0xFFF  }
0x22: {  	v3 =	vnsel vm1, $0xFFF, v2;
	v2 =	vld [tilespmem:s9+$0x0]  }
0x23: {  	[tilespmem:s0+$0x200] =	vst v3;
	s0 =	smov.u32 s9  }
0x24: {  	_ =	sdelay $0x2  }
0x25: {  	vm1 =	vlt.s32 v2, $0xFFF  }
0x26: {  	v2 =	vnsel vm1, $0xFFF, v2  }
0x27: {  	s7 =	rddreg [dreg:$0x7];
	[tilespmem:s0+$0x200] =	vst v2;
	s0 =	simm.s32 $0x0  }
0x28: {  	[tilespmem:s23], [sflag:$0x1] =	stream.linear.gather [hbm4b:s7+s0], $0x4000, $0x38;
	[tilespmem:$0x19000] =	vst v63  }
0x29: {  	v2 =	vld.msk [tilespmem:$0x200], $0xff;
	_ =	sdelay $0x4  }
0x2a: {  	v3 =	vshll.u32 v2, $0x4  }
0x2b: {  	v2 =	vand.u32 $0x7, v2;
	v3 =	vand.u32 $0xFFFFFF80, v3  }
0x2c: {  	v2 =	vor.u32 v2, v3  }
0x2d: {  	v2 =	vperm.xlane v2, v0;
	_ =	sdelay $0x1  }
0x2e: {  	v2 =	vadd.s32 v1, v2;
	_ =	sdelay $0x3  }
0x2f: {  	s9 =	simm.s32 $0xD000  }
0x30: {  	[tilespmem:s9], [sflag:$0x4] =	stream.indirect_vreg.gather [hbm4b:s2+s0], $0x80, v2, vm0, $0xb8;
	[tilespmem:$0x19000] =	vst v63  }
0x31: {  	s18 =	simm.s32 $0xD800  }
0x32: {  	[tilespmem:s18], [sflag:$0x4] =	stream.indirect_vreg.gather [hbm4b:s11+s0], $0x80, v2, vm0, $0xb8;
	[tilespmem:$0x19000] =	vst v63  }
0x33: {  	s19 =	simm.s32 $0xE000  }
0x34: {  	[tilespmem:s19], [sflag:$0x4] =	stream.indirect_vreg.gather [hbm4b:s12+s0], $0x80, v2, vm0, $0xb8;
	[tilespmem:$0x19000] =	vst v63  }
0x35: {  	s20 =	simm.s32 $0xE800  }
0x36: {  	[tilespmem:s20], [sflag:$0x4] =	stream.indirect_vreg.gather [hbm4b:s13+s0], $0x80, v2, vm0, $0xb8;
	[tilespmem:$0x19000] =	vst v63  }
0x37: {  	s1 =	simm.s32 $0xF000  }
0x38: {  	[tilespmem:s1], [sflag:$0x4] =	stream.indirect_vreg.gather [hbm4b:s14+s0], $0x80, v2, vm0, $0xb8;
	[tilespmem:$0x19000] =	vst v63  }
0x39: {  	s9 =	simm.s32 $0xF800  }
0x3a: {  	[tilespmem:s9], [sflag:$0x4] =	stream.indirect_vreg.gather [hbm4b:s15+s0], $0x80, v2, vm0, $0xb8;
	[tilespmem:$0x19000] =	vst v63  }
0x3b: {  	s18 =	simm.s32 $0x10000  }
0x3c: {  	[tilespmem:s18], [sflag:$0x4] =	stream.indirect_vreg.gather [hbm4b:s16+s0], $0x80, v2, vm0, $0xb8;
	[tilespmem:$0x19000] =	vst v63  }
0x3d: {  	s19 =	simm.s32 $0x10800  }
0x3e: {  	[tilespmem:s19], [sflag:$0x4] =	stream.indirect_vreg.gather [hbm4b:s17+s0], $0x80, v2, vm0, $0xb8;
	[tilespmem:$0x19000] =	vst v63  }
0x3f: {  	s20 =	simm.s32 $0x400  }
0x40: {  	[tilespmem:s20], [sflag:$0xA] =	stream.indirect.gather [hbm4b:s8+s3], $0x80, s0, s3, $0xb8;
	[tilespmem:$0x19000] =	vst v63  }
0x41: {  	s1 =	rddreg [dreg:$0x8];
	s9 =	simm.s32 $0x5000  }
0x42: {  	[tilespmem:s9], [sflag:$0x2] =	stream.linear.gather [hbm4b:s1+s0], $0x4000, $0x38;
	[tilespmem:$0x19000] =	vst v63  }
0x43: {  	v2 =	vld.msk [tilespmem:$0x208], $0xff;
	_ =	sdelay $0x4  }
0x44: {  	v3 =	vshll.u32 v2, $0x4  }
0x45: {  	v2 =	vand.u32 $0x7, v2;
	v3 =	vand.u32 $0xFFFFFF80, v3  }
0x46: {  	v2 =	vor.u32 v2, v3  }
0x47: {  	v2 =	vperm.xlane v2, v0;
	_ =	sdelay $0x1  }
0x48: {  	v2 =	vadd.s32 v1, v2;
	_ =	sdelay $0x3  }
0x49: {  	s9 =	simm.s32 $0x11000  }
0x4a: {  	[tilespmem:s9], [sflag:$0x5] =	stream.indirect_vreg.gather [hbm4b:s2+s0], $0x80, v2, vm0, $0xb8;
	[tilespmem:$0x19000] =	vst v63  }
0x4b: {  	s18 =	simm.s32 $0x11800  }
0x4c: {  	[tilespmem:s18], [sflag:$0x5] =	stream.indirect_vreg.gather [hbm4b:s11+s0], $0x80, v2, vm0, $0xb8;
	[tilespmem:$0x19000] =	vst v63  }
0x4d: {  	s19 =	simm.s32 $0x12000  }
0x4e: {  	[tilespmem:s19], [sflag:$0x5] =	stream.indirect_vreg.gather [hbm4b:s12+s0], $0x80, v2, vm0, $0xb8;
	[tilespmem:$0x19000] =	vst v63  }
0x4f: {  	s20 =	simm.s32 $0x12800  }
0x50: {  	[tilespmem:s20], [sflag:$0x5] =	stream.indirect_vreg.gather [hbm4b:s13+s0], $0x80, v2, vm0, $0xb8;
	[tilespmem:$0x19000] =	vst v63  }
0x51: {  	s1 =	simm.s32 $0x13000  }
0x52: {  	[tilespmem:s1], [sflag:$0x5] =	stream.indirect_vreg.gather [hbm4b:s14+s0], $0x80, v2, vm0, $0xb8;
	[tilespmem:$0x19000] =	vst v63  }
0x53: {  	s9 =	simm.s32 $0x13800  }
0x54: {  	[tilespmem:s9], [sflag:$0x5] =	stream.indirect_vreg.gather [hbm4b:s15+s0], $0x80, v2, vm0, $0xb8;
	[tilespmem:$0x19000] =	vst v63  }
0x55: {  	s18 =	simm.s32 $0x14000  }
0x56: {  	[tilespmem:s18], [sflag:$0x5] =	stream.indirect_vreg.gather [hbm4b:s16+s0], $0x80, v2, vm0, $0xb8;
	[tilespmem:$0x19000] =	vst v63  }
0x57: {  	s19 =	simm.s32 $0x14800  }
0x58: {  	[tilespmem:s19], [sflag:$0x5] =	stream.indirect_vreg.gather [hbm4b:s17+s0], $0x80, v2, vm0, $0xb8;
	[tilespmem:$0x19000] =	vst v63  }
0x59: {  	s20 =	simm.s32 $0x800  }
0x5a: {  	[tilespmem:s20], [sflag:$0xB] =	stream.indirect.gather [hbm4b:s8+s3], $0x80, s3, s3, $0xb8;
	[tilespmem:$0x19000] =	vst v63  }
.LBB2_4:
0x5b: {  	_ =	swait.ge [sflag:s21], $0x4000  }
0x5c: {  	[sflag:s21] =	ssyncset.done $0x0  }
0x5d: {  	[sflag:s21] =	ssyncadd.s32 $0xFFFFC000  }
0x5e: {  	_ =	swait.ge [sflag:s10], $0x4000  }
0x5f: {  	[sflag:s10] =	ssyncset.done $0x0  }
0x60: {  	[sflag:s10] =	ssyncadd.s32 $0xFFFFC000  }
0x61: {  	_ =	swait.ge [sflag:s22], $0x400  }
0x62: {  	[sflag:s22] =	ssyncset.done $0x0  }
0x63: {  	[sflag:s22] =	ssyncadd.s32 $0xFFFFFC00  }
0x64: {  	s7 =	simm.s32 $0x0;
	v2 =	vld [tilespmem:$0x400]  }
0x65: {  	v3 =	vld [tilespmem:s7+$0xD070]  }
0x66: {  	v4 =	vld [tilespmem:s7+$0xD000]  }
0x67: {  	v5 =	vld [tilespmem:s7+$0xD010]  }
0x68: {  	v6 =	vld [tilespmem:s7+$0xD020]  }
0x69: {  	v7 =	vld [tilespmem:s7+$0xD030]  }
0x6a: {  	v9 =	vld [tilespmem:s7+$0xD050];
	v3 =	vmul.f32 v3, v2  }
0x6b: {  	v8 =	vld [tilespmem:s7+$0xD040]  }
0x6c: {  	v4 =	vmul.f32 v4, v2;
	[tilespmem:s7+$0x1070] =	vst.add.f32.msk $0xffff, v3  }
0x6d: {  	v6 =	vmul.f32 v6, v2;
	v3 =	vmul.f32 v5, v2;
	v5 =	vld [tilespmem:s7+$0xD060]  }
0x6e: {  	[tilespmem:s7+$0x1000] =	vst.add.f32.msk $0xffff, v4  }
0x6f: {  	v63 =	vmul.f32 v9, v2;
	[tilespmem:s7+$0x1020] =	vst.add.f32.msk $0xffff, v6  }
0x70: {  	[tilespmem:s7+$0x1010] =	vst.add.f32.msk $0xffff, v3;
	v3 =	vmul.f32 v8, v2  }
0x71: {  	v4 =	vmul.f32 v7, v2;
	[tilespmem:s7+$0x1050] =	vst.add.f32.msk $0xffff, v63  }
0x72: {  	[tilespmem:s7+$0x1040] =	vst.add.f32.msk $0xffff, v3;
	v3 =	vmul.f32 v5, v2  }
0x73: {  	s9 =	simm.s32 $0x0;
	s18 =	simm.s32 $0x1000;
	[tilespmem:s7+$0x1030] =	vst.add.f32.msk $0xffff, v4  }
.LBB2_5:
0x74: {  	s9 =	sadd.s32 $0x8, s9;
	[tilespmem:s7+$0x1060] =	vst.add.f32.msk $0xffff, v3;
	s7 =	sshra.s32 s18, $0x2  }
0x75: {  	v3 =	vld [tilespmem:s7+$0xD070];
	p0 =	slt.u32 s9, $0x78  }
0x76: {  	v4 =	vld [tilespmem:s7+$0xD000]  }
0x77: {  	v5 =	vld [tilespmem:s7+$0xD010]  }
0x78: {  	v6 =	vld [tilespmem:s7+$0xD020]  }
0x79: {  	v7 =	vld [tilespmem:s7+$0xD030]  }
0x7a: {  	v8 =	vld [tilespmem:s7+$0xD040];
	v3 =	vmul.f32 v3, v2  }
0x7b: {  	v4 =	vmul.f32 v4, v2;
	v9 =	vld [tilespmem:s7+$0xD050]  }
0x7c: {  	v5 =	vmul.f32 v5, v2;
	[tilespmem:s7+$0x1070] =	vst.add.f32.msk $0xffff, v3  }
0x7d: {  	v3 =	vmul.f32 v6, v2;
	v6 =	vld [tilespmem:s7+$0xD060]  }
0x7e: {  	[tilespmem:s7+$0x1000] =	vst.add.f32.msk $0xffff, v4;
	v4 =	vmul.f32 v7, v2  }
.Ltmp1:
0x7f: {  	[tilespmem:s7+$0x1010] =	vst.add.f32.msk $0xffff, v5;
	v5 =	vmul.f32 v8, v2;
	(pc) =	sbr.rel @p0 .LBB2_5-.Ltmp1, $4  }
0x80: {  	[tilespmem:s7+$0x1020] =	vst.add.f32.msk $0xffff, v3;
	v7 =	vmul.f32 v9, v2  }
0x81: {  	[tilespmem:s7+$0x1030] =	vst.add.f32.msk $0xffff, v4  }
0x82: {  	[tilespmem:s7+$0x1040] =	vst.add.f32.msk $0xffff, v5;
	v3 =	vmul.f32 v6, v2  }
0x83: {  	s18 =	sadd.s32 $0x1000, s18;
	[tilespmem:s7+$0x1050] =	vst.add.f32.msk $0xffff, v7  }
0x84: {  	[tilespmem:s7+$0x1060] =	vst.add.f32.msk $0xffff, v3  }
0x85: {  	s7 =	simm.s32 $0x0;
	v2 =	vld [tilespmem:$0x480]  }
0x86: {  	v3 =	vld [tilespmem:s7+$0xD0F0]  }
0x87: {  	v4 =	vld [tilespmem:s7+$0xD080]  }
0x88: {  	v5 =	vld [tilespmem:s7+$0xD090]  }
0x89: {  	v6 =	vld [tilespmem:s7+$0xD0A0]  }
0x8a: {  	v7 =	vld [tilespmem:s7+$0xD0B0]  }
0x8b: {  	v9 =	vld [tilespmem:s7+$0xD0D0];
	v3 =	vmul.f32 v3, v2  }
0x8c: {  	v8 =	vld [tilespmem:s7+$0xD0C0]  }
0x8d: {  	v4 =	vmul.f32 v4, v2;
	[tilespmem:s7+$0x10F0] =	vst.add.f32.msk $0xffff, v3  }
0x8e: {  	v6 =	vmul.f32 v6, v2;
	v3 =	vmul.f32 v5, v2;
	v5 =	vld [tilespmem:s7+$0xD0E0]  }
0x8f: {  	[tilespmem:s7+$0x1080] =	vst.add.f32.msk $0xffff, v4  }
0x90: {  	v63 =	vmul.f32 v9, v2;
	[tilespmem:s7+$0x10A0] =	vst.add.f32.msk $0xffff, v6  }
0x91: {  	[tilespmem:s7+$0x1090] =	vst.add.f32.msk $0xffff, v3;
	v3 =	vmul.f32 v8, v2  }
0x92: {  	v4 =	vmul.f32 v7, v2;
	[tilespmem:s7+$0x10D0] =	vst.add.f32.msk $0xffff, v63  }
0x93: {  	[tilespmem:s7+$0x10C0] =	vst.add.f32.msk $0xffff, v3;
	v3 =	vmul.f32 v5, v2  }
0x94: {  	s9 =	simm.s32 $0x0;
	s18 =	simm.s32 $0x1000;
	[tilespmem:s7+$0x10B0] =	vst.add.f32.msk $0xffff, v4  }
.LBB2_7:
0x95: {  	s9 =	sadd.s32 $0x8, s9;
	[tilespmem:s7+$0x10E0] =	vst.add.f32.msk $0xffff, v3;
	s7 =	sshra.s32 s18, $0x2  }
0x96: {  	v3 =	vld [tilespmem:s7+$0xD0F0];
	p0 =	slt.u32 s9, $0x78  }
0x97: {  	v4 =	vld [tilespmem:s7+$0xD080]  }
0x98: {  	v5 =	vld [tilespmem:s7+$0xD090]  }
0x99: {  	v6 =	vld [tilespmem:s7+$0xD0A0]  }
0x9a: {  	v7 =	vld [tilespmem:s7+$0xD0B0]  }
0x9b: {  	v8 =	vld [tilespmem:s7+$0xD0C0];
	v3 =	vmul.f32 v3, v2  }
0x9c: {  	v4 =	vmul.f32 v4, v2;
	v9 =	vld [tilespmem:s7+$0xD0D0]  }
0x9d: {  	v5 =	vmul.f32 v5, v2;
	[tilespmem:s7+$0x10F0] =	vst.add.f32.msk $0xffff, v3  }
0x9e: {  	v3 =	vmul.f32 v6, v2;
	v6 =	vld [tilespmem:s7+$0xD0E0]  }
0x9f: {  	[tilespmem:s7+$0x1080] =	vst.add.f32.msk $0xffff, v4;
	v4 =	vmul.f32 v7, v2  }
.Ltmp2:
0xa0: {  	[tilespmem:s7+$0x1090] =	vst.add.f32.msk $0xffff, v5;
	v5 =	vmul.f32 v8, v2;
	(pc) =	sbr.rel @p0 .LBB2_7-.Ltmp2, $4  }
0xa1: {  	[tilespmem:s7+$0x10A0] =	vst.add.f32.msk $0xffff, v3;
	v7 =	vmul.f32 v9, v2  }
0xa2: {  	[tilespmem:s7+$0x10B0] =	vst.add.f32.msk $0xffff, v4  }
0xa3: {  	[tilespmem:s7+$0x10C0] =	vst.add.f32.msk $0xffff, v5;
	v3 =	vmul.f32 v6, v2  }
0xa4: {  	s18 =	sadd.s32 $0x1000, s18;
	[tilespmem:s7+$0x10D0] =	vst.add.f32.msk $0xffff, v7  }
0xa5: {  	[tilespmem:s7+$0x10E0] =	vst.add.f32.msk $0xffff, v3  }
0xa6: {  	s7 =	simm.s32 $0x0;
	v2 =	vld [tilespmem:$0x500]  }
0xa7: {  	v3 =	vld [tilespmem:s7+$0xD170]  }
0xa8: {  	v4 =	vld [tilespmem:s7+$0xD100]  }
0xa9: {  	v5 =	vld [tilespmem:s7+$0xD110]  }
0xaa: {  	v6 =	vld [tilespmem:s7+$0xD120]  }
0xab: {  	v7 =	vld [tilespmem:s7+$0xD130]  }
0xac: {  	v9 =	vld [tilespmem:s7+$0xD150];
	v3 =	vmul.f32 v3, v2  }
0xad: {  	v8 =	vld [tilespmem:s7+$0xD140]  }
0xae: {  	v4 =	vmul.f32 v4, v2;
	[tilespmem:s7+$0x1170] =	vst.add.f32.msk $0xffff, v3  }
0xaf: {  	v6 =	vmul.f32 v6, v2;
	v3 =	vmul.f32 v5, v2;
	v5 =	vld [tilespmem:s7+$0xD160]  }
0xb0: {  	[tilespmem:s7+$0x1100] =	vst.add.f32.msk $0xffff, v4  }
0xb1: {  	v63 =	vmul.f32 v9, v2;
	[tilespmem:s7+$0x1120] =	vst.add.f32.msk $0xffff, v6  }
0xb2: {  	[tilespmem:s7+$0x1110] =	vst.add.f32.msk $0xffff, v3;
	v3 =	vmul.f32 v8, v2  }
0xb3: {  	v4 =	vmul.f32 v7, v2;
	[tilespmem:s7+$0x1150] =	vst.add.f32.msk $0xffff, v63  }
0xb4: {  	[tilespmem:s7+$0x1140] =	vst.add.f32.msk $0xffff, v3;
	v3 =	vmul.f32 v5, v2  }
0xb5: {  	s9 =	simm.s32 $0x0;
	s18 =	simm.s32 $0x1000;
	[tilespmem:s7+$0x1130] =	vst.add.f32.msk $0xffff, v4  }
.LBB2_9:
0xb6: {  	s9 =	sadd.s32 $0x8, s9;
	[tilespmem:s7+$0x1160] =	vst.add.f32.msk $0xffff, v3;
	s7 =	sshra.s32 s18, $0x2  }
0xb7: {  	v3 =	vld [tilespmem:s7+$0xD170];
	p0 =	slt.u32 s9, $0x78  }
0xb8: {  	v4 =	vld [tilespmem:s7+$0xD100]  }
0xb9: {  	v5 =	vld [tilespmem:s7+$0xD110]  }
0xba: {  	v6 =	vld [tilespmem:s7+$0xD120]  }
0xbb: {  	v7 =	vld [tilespmem:s7+$0xD130]  }
0xbc: {  	v8 =	vld [tilespmem:s7+$0xD140];
	v3 =	vmul.f32 v3, v2  }
0xbd: {  	v4 =	vmul.f32 v4, v2;
	v9 =	vld [tilespmem:s7+$0xD150]  }
0xbe: {  	v5 =	vmul.f32 v5, v2;
	[tilespmem:s7+$0x1170] =	vst.add.f32.msk $0xffff, v3  }
0xbf: {  	v3 =	vmul.f32 v6, v2;
	v6 =	vld [tilespmem:s7+$0xD160]  }
0xc0: {  	[tilespmem:s7+$0x1100] =	vst.add.f32.msk $0xffff, v4;
	v4 =	vmul.f32 v7, v2  }
.Ltmp3:
0xc1: {  	[tilespmem:s7+$0x1110] =	vst.add.f32.msk $0xffff, v5;
	v5 =	vmul.f32 v8, v2;
	(pc) =	sbr.rel @p0 .LBB2_9-.Ltmp3, $4  }
0xc2: {  	[tilespmem:s7+$0x1120] =	vst.add.f32.msk $0xffff, v3;
	v7 =	vmul.f32 v9, v2  }
0xc3: {  	[tilespmem:s7+$0x1130] =	vst.add.f32.msk $0xffff, v4  }
0xc4: {  	[tilespmem:s7+$0x1140] =	vst.add.f32.msk $0xffff, v5;
	v3 =	vmul.f32 v6, v2  }
0xc5: {  	s18 =	sadd.s32 $0x1000, s18;
	[tilespmem:s7+$0x1150] =	vst.add.f32.msk $0xffff, v7  }
0xc6: {  	[tilespmem:s7+$0x1160] =	vst.add.f32.msk $0xffff, v3  }
0xc7: {  	s7 =	simm.s32 $0x0;
	v2 =	vld [tilespmem:$0x580]  }
0xc8: {  	v3 =	vld [tilespmem:s7+$0xD1F0]  }
0xc9: {  	v4 =	vld [tilespmem:s7+$0xD180]  }
0xca: {  	v5 =	vld [tilespmem:s7+$0xD190]  }
0xcb: {  	v6 =	vld [tilespmem:s7+$0xD1A0]  }
0xcc: {  	v7 =	vld [tilespmem:s7+$0xD1B0]  }
0xcd: {  	v9 =	vld [tilespmem:s7+$0xD1D0];
	v3 =	vmul.f32 v3, v2  }
0xce: {  	v8 =	vld [tilespmem:s7+$0xD1C0]  }
0xcf: {  	v4 =	vmul.f32 v4, v2;
	[tilespmem:s7+$0x11F0] =	vst.add.f32.msk $0xffff, v3  }
0xd0: {  	v6 =	vmul.f32 v6, v2;
	v3 =	vmul.f32 v5, v2;
	v5 =	vld [tilespmem:s7+$0xD1E0]  }
0xd1: {  	[tilespmem:s7+$0x1180] =	vst.add.f32.msk $0xffff, v4  }
0xd2: {  	v63 =	vmul.f32 v9, v2;
	[tilespmem:s7+$0x11A0] =	vst.add.f32.msk $0xffff, v6  }
0xd3: {  	[tilespmem:s7+$0x1190] =	vst.add.f32.msk $0xffff, v3;
	v3 =	vmul.f32 v8, v2  }
0xd4: {  	v4 =	vmul.f32 v7, v2;
	[tilespmem:s7+$0x11D0] =	vst.add.f32.msk $0xffff, v63  }
0xd5: {  	[tilespmem:s7+$0x11C0] =	vst.add.f32.msk $0xffff, v3;
	v3 =	vmul.f32 v5, v2  }
0xd6: {  	s9 =	simm.s32 $0x0;
	s18 =	simm.s32 $0x1000;
	[tilespmem:s7+$0x11B0] =	vst.add.f32.msk $0xffff, v4  }
.LBB2_11:
0xd7: {  	s9 =	sadd.s32 $0x8, s9;
	[tilespmem:s7+$0x11E0] =	vst.add.f32.msk $0xffff, v3;
	s7 =	sshra.s32 s18, $0x2  }
0xd8: {  	v3 =	vld [tilespmem:s7+$0xD1F0];
	p0 =	slt.u32 s9, $0x78  }
0xd9: {  	v4 =	vld [tilespmem:s7+$0xD180]  }
0xda: {  	v5 =	vld [tilespmem:s7+$0xD190]  }
0xdb: {  	v6 =	vld [tilespmem:s7+$0xD1A0]  }
0xdc: {  	v7 =	vld [tilespmem:s7+$0xD1B0]  }
0xdd: {  	v8 =	vld [tilespmem:s7+$0xD1C0];
	v3 =	vmul.f32 v3, v2  }
0xde: {  	v4 =	vmul.f32 v4, v2;
	v9 =	vld [tilespmem:s7+$0xD1D0]  }
0xdf: {  	v5 =	vmul.f32 v5, v2;
	[tilespmem:s7+$0x11F0] =	vst.add.f32.msk $0xffff, v3  }
0xe0: {  	v3 =	vmul.f32 v6, v2;
	v6 =	vld [tilespmem:s7+$0xD1E0]  }
0xe1: {  	[tilespmem:s7+$0x1180] =	vst.add.f32.msk $0xffff, v4;
	v4 =	vmul.f32 v7, v2  }
.Ltmp4:
0xe2: {  	[tilespmem:s7+$0x1190] =	vst.add.f32.msk $0xffff, v5;
	v5 =	vmul.f32 v8, v2;
	(pc) =	sbr.rel @p0 .LBB2_11-.Ltmp4, $4  }
0xe3: {  	[tilespmem:s7+$0x11A0] =	vst.add.f32.msk $0xffff, v3;
	v7 =	vmul.f32 v9, v2  }
0xe4: {  	[tilespmem:s7+$0x11B0] =	vst.add.f32.msk $0xffff, v4  }
0xe5: {  	[tilespmem:s7+$0x11C0] =	vst.add.f32.msk $0xffff, v5;
	v3 =	vmul.f32 v6, v2  }
0xe6: {  	s18 =	sadd.s32 $0x1000, s18;
	[tilespmem:s7+$0x11D0] =	vst.add.f32.msk $0xffff, v7  }
0xe7: {  	[tilespmem:s7+$0x11E0] =	vst.add.f32.msk $0xffff, v3  }
0xe8: {  	s7 =	simm.s32 $0x0;
	v2 =	vld [tilespmem:$0x600]  }
0xe9: {  	v3 =	vld [tilespmem:s7+$0xD270]  }
0xea: {  	v4 =	vld [tilespmem:s7+$0xD200]  }
0xeb: {  	v5 =	vld [tilespmem:s7+$0xD210]  }
0xec: {  	v6 =	vld [tilespmem:s7+$0xD220]  }
0xed: {  	v7 =	vld [tilespmem:s7+$0xD230]  }
0xee: {  	v9 =	vld [tilespmem:s7+$0xD250];
	v3 =	vmul.f32 v3, v2  }
0xef: {  	v8 =	vld [tilespmem:s7+$0xD240]  }
0xf0: {  	v4 =	vmul.f32 v4, v2;
	[tilespmem:s7+$0x1270] =	vst.add.f32.msk $0xffff, v3  }
0xf1: {  	v6 =	vmul.f32 v6, v2;
	v3 =	vmul.f32 v5, v2;
	v5 =	vld [tilespmem:s7+$0xD260]  }
0xf2: {  	[tilespmem:s7+$0x1200] =	vst.add.f32.msk $0xffff, v4  }
0xf3: {  	v63 =	vmul.f32 v9, v2;
	[tilespmem:s7+$0x1220] =	vst.add.f32.msk $0xffff, v6  }
0xf4: {  	[tilespmem:s7+$0x1210] =	vst.add.f32.msk $0xffff, v3;
	v3 =	vmul.f32 v8, v2  }
0xf5: {  	v4 =	vmul.f32 v7, v2;
	[tilespmem:s7+$0x1250] =	vst.add.f32.msk $0xffff, v63  }
0xf6: {  	[tilespmem:s7+$0x1240] =	vst.add.f32.msk $0xffff, v3;
	v3 =	vmul.f32 v5, v2  }
0xf7: {  	s9 =	simm.s32 $0x0;
	s18 =	simm.s32 $0x1000;
	[tilespmem:s7+$0x1230] =	vst.add.f32.msk $0xffff, v4  }
.LBB2_13:
0xf8: {  	s9 =	sadd.s32 $0x8, s9;
	[tilespmem:s7+$0x1260] =	vst.add.f32.msk $0xffff, v3;
	s7 =	sshra.s32 s18, $0x2  }
0xf9: {  	v3 =	vld [tilespmem:s7+$0xD270];
	p0 =	slt.u32 s9, $0x78  }
0xfa: {  	v4 =	vld [tilespmem:s7+$0xD200]  }
0xfb: {  	v5 =	vld [tilespmem:s7+$0xD210]  }
0xfc: {  	v6 =	vld [tilespmem:s7+$0xD220]  }
0xfd: {  	v7 =	vld [tilespmem:s7+$0xD230]  }
0xfe: {  	v8 =	vld [tilespmem:s7+$0xD240];
	v3 =	vmul.f32 v3, v2  }
0xff: {  	v4 =	vmul.f32 v4, v2;
	v9 =	vld [tilespmem:s7+$0xD250]  }
0x100: {  	v5 =	vmul.f32 v5, v2;
	[tilespmem:s7+$0x1270] =	vst.add.f32.msk $0xffff, v3  }
0x101: {  	v3 =	vmul.f32 v6, v2;
	v6 =	vld [tilespmem:s7+$0xD260]  }
0x102: {  	[tilespmem:s7+$0x1200] =	vst.add.f32.msk $0xffff, v4;
	v4 =	vmul.f32 v7, v2  }
.Ltmp5:
0x103: {  	[tilespmem:s7+$0x1210] =	vst.add.f32.msk $0xffff, v5;
	v5 =	vmul.f32 v8, v2;
	(pc) =	sbr.rel @p0 .LBB2_13-.Ltmp5, $4  }
0x104: {  	[tilespmem:s7+$0x1220] =	vst.add.f32.msk $0xffff, v3;
	v7 =	vmul.f32 v9, v2  }
0x105: {  	[tilespmem:s7+$0x1230] =	vst.add.f32.msk $0xffff, v4  }
0x106: {  	[tilespmem:s7+$0x1240] =	vst.add.f32.msk $0xffff, v5;
	v3 =	vmul.f32 v6, v2  }
0x107: {  	s18 =	sadd.s32 $0x1000, s18;
	[tilespmem:s7+$0x1250] =	vst.add.f32.msk $0xffff, v7  }
0x108: {  	[tilespmem:s7+$0x1260] =	vst.add.f32.msk $0xffff, v3  }
0x109: {  	s7 =	simm.s32 $0x0;
	v2 =	vld [tilespmem:$0x680]  }
0x10a: {  	v3 =	vld [tilespmem:s7+$0xD2F0]  }
0x10b: {  	v4 =	vld [tilespmem:s7+$0xD280]  }
0x10c: {  	v5 =	vld [tilespmem:s7+$0xD290]  }
0x10d: {  	v6 =	vld [tilespmem:s7+$0xD2A0]  }
0x10e: {  	v7 =	vld [tilespmem:s7+$0xD2B0]  }
0x10f: {  	v9 =	vld [tilespmem:s7+$0xD2D0];
	v3 =	vmul.f32 v3, v2  }
0x110: {  	v8 =	vld [tilespmem:s7+$0xD2C0]  }
0x111: {  	v4 =	vmul.f32 v4, v2;
	[tilespmem:s7+$0x12F0] =	vst.add.f32.msk $0xffff, v3  }
0x112: {  	v6 =	vmul.f32 v6, v2;
	v3 =	vmul.f32 v5, v2;
	v5 =	vld [tilespmem:s7+$0xD2E0]  }
0x113: {  	[tilespmem:s7+$0x1280] =	vst.add.f32.msk $0xffff, v4  }
0x114: {  	v63 =	vmul.f32 v9, v2;
	[tilespmem:s7+$0x12A0] =	vst.add.f32.msk $0xffff, v6  }
0x115: {  	[tilespmem:s7+$0x1290] =	vst.add.f32.msk $0xffff, v3;
	v3 =	vmul.f32 v8, v2  }
0x116: {  	v4 =	vmul.f32 v7, v2;
	[tilespmem:s7+$0x12D0] =	vst.add.f32.msk $0xffff, v63  }
0x117: {  	[tilespmem:s7+$0x12C0] =	vst.add.f32.msk $0xffff, v3;
	v3 =	vmul.f32 v5, v2  }
0x118: {  	s9 =	simm.s32 $0x0;
	s18 =	simm.s32 $0x1000;
	[tilespmem:s7+$0x12B0] =	vst.add.f32.msk $0xffff, v4  }
.LBB2_15:
0x119: {  	s9 =	sadd.s32 $0x8, s9;
	[tilespmem:s7+$0x12E0] =	vst.add.f32.msk $0xffff, v3;
	s7 =	sshra.s32 s18, $0x2  }
0x11a: {  	v3 =	vld [tilespmem:s7+$0xD2F0];
	p0 =	slt.u32 s9, $0x78  }
0x11b: {  	v4 =	vld [tilespmem:s7+$0xD280]  }
0x11c: {  	v5 =	vld [tilespmem:s7+$0xD290]  }
0x11d: {  	v6 =	vld [tilespmem:s7+$0xD2A0]  }
0x11e: {  	v7 =	vld [tilespmem:s7+$0xD2B0]  }
0x11f: {  	v8 =	vld [tilespmem:s7+$0xD2C0];
	v3 =	vmul.f32 v3, v2  }
0x120: {  	v4 =	vmul.f32 v4, v2;
	v9 =	vld [tilespmem:s7+$0xD2D0]  }
0x121: {  	v5 =	vmul.f32 v5, v2;
	[tilespmem:s7+$0x12F0] =	vst.add.f32.msk $0xffff, v3  }
0x122: {  	v3 =	vmul.f32 v6, v2;
	v6 =	vld [tilespmem:s7+$0xD2E0]  }
0x123: {  	[tilespmem:s7+$0x1280] =	vst.add.f32.msk $0xffff, v4;
	v4 =	vmul.f32 v7, v2  }
.Ltmp6:
0x124: {  	[tilespmem:s7+$0x1290] =	vst.add.f32.msk $0xffff, v5;
	v5 =	vmul.f32 v8, v2;
	(pc) =	sbr.rel @p0 .LBB2_15-.Ltmp6, $4  }
0x125: {  	[tilespmem:s7+$0x12A0] =	vst.add.f32.msk $0xffff, v3;
	v7 =	vmul.f32 v9, v2  }
0x126: {  	[tilespmem:s7+$0x12B0] =	vst.add.f32.msk $0xffff, v4  }
0x127: {  	[tilespmem:s7+$0x12C0] =	vst.add.f32.msk $0xffff, v5;
	v3 =	vmul.f32 v6, v2  }
0x128: {  	s18 =	sadd.s32 $0x1000, s18;
	[tilespmem:s7+$0x12D0] =	vst.add.f32.msk $0xffff, v7  }
0x129: {  	[tilespmem:s7+$0x12E0] =	vst.add.f32.msk $0xffff, v3  }
0x12a: {  	s7 =	simm.s32 $0x0;
	v2 =	vld [tilespmem:$0x700]  }
0x12b: {  	v3 =	vld [tilespmem:s7+$0xD370]  }
0x12c: {  	v4 =	vld [tilespmem:s7+$0xD300]  }
0x12d: {  	v5 =	vld [tilespmem:s7+$0xD310]  }
0x12e: {  	v6 =	vld [tilespmem:s7+$0xD320]  }
0x12f: {  	v7 =	vld [tilespmem:s7+$0xD330]  }
0x130: {  	v9 =	vld [tilespmem:s7+$0xD350];
	v3 =	vmul.f32 v3, v2  }
0x131: {  	v8 =	vld [tilespmem:s7+$0xD340]  }
0x132: {  	v4 =	vmul.f32 v4, v2;
	[tilespmem:s7+$0x1370] =	vst.add.f32.msk $0xffff, v3  }
0x133: {  	v6 =	vmul.f32 v6, v2;
	v3 =	vmul.f32 v5, v2;
	v5 =	vld [tilespmem:s7+$0xD360]  }
0x134: {  	[tilespmem:s7+$0x1300] =	vst.add.f32.msk $0xffff, v4  }
0x135: {  	v63 =	vmul.f32 v9, v2;
	[tilespmem:s7+$0x1320] =	vst.add.f32.msk $0xffff, v6  }
0x136: {  	[tilespmem:s7+$0x1310] =	vst.add.f32.msk $0xffff, v3;
	v3 =	vmul.f32 v8, v2  }
0x137: {  	v4 =	vmul.f32 v7, v2;
	[tilespmem:s7+$0x1350] =	vst.add.f32.msk $0xffff, v63  }
0x138: {  	[tilespmem:s7+$0x1340] =	vst.add.f32.msk $0xffff, v3;
	v3 =	vmul.f32 v5, v2  }
0x139: {  	s9 =	simm.s32 $0x0;
	s18 =	simm.s32 $0x1000;
	[tilespmem:s7+$0x1330] =	vst.add.f32.msk $0xffff, v4  }
.LBB2_17:
0x13a: {  	s9 =	sadd.s32 $0x8, s9;
	[tilespmem:s7+$0x1360] =	vst.add.f32.msk $0xffff, v3;
	s7 =	sshra.s32 s18, $0x2  }
0x13b: {  	v3 =	vld [tilespmem:s7+$0xD370];
	p0 =	slt.u32 s9, $0x78  }
0x13c: {  	v4 =	vld [tilespmem:s7+$0xD300]  }
0x13d: {  	v5 =	vld [tilespmem:s7+$0xD310]  }
0x13e: {  	v6 =	vld [tilespmem:s7+$0xD320]  }
0x13f: {  	v7 =	vld [tilespmem:s7+$0xD330]  }
0x140: {  	v8 =	vld [tilespmem:s7+$0xD340];
	v3 =	vmul.f32 v3, v2  }
0x141: {  	v4 =	vmul.f32 v4, v2;
	v9 =	vld [tilespmem:s7+$0xD350]  }
0x142: {  	v5 =	vmul.f32 v5, v2;
	[tilespmem:s7+$0x1370] =	vst.add.f32.msk $0xffff, v3  }
0x143: {  	v3 =	vmul.f32 v6, v2;
	v6 =	vld [tilespmem:s7+$0xD360]  }
0x144: {  	[tilespmem:s7+$0x1300] =	vst.add.f32.msk $0xffff, v4;
	v4 =	vmul.f32 v7, v2  }
.Ltmp7:
0x145: {  	[tilespmem:s7+$0x1310] =	vst.add.f32.msk $0xffff, v5;
	v5 =	vmul.f32 v8, v2;
	(pc) =	sbr.rel @p0 .LBB2_17-.Ltmp7, $4  }
0x146: {  	[tilespmem:s7+$0x1320] =	vst.add.f32.msk $0xffff, v3;
	v7 =	vmul.f32 v9, v2  }
0x147: {  	[tilespmem:s7+$0x1330] =	vst.add.f32.msk $0xffff, v4  }
0x148: {  	[tilespmem:s7+$0x1340] =	vst.add.f32.msk $0xffff, v5;
	v3 =	vmul.f32 v6, v2  }
0x149: {  	s18 =	sadd.s32 $0x1000, s18;
	[tilespmem:s7+$0x1350] =	vst.add.f32.msk $0xffff, v7  }
0x14a: {  	[tilespmem:s7+$0x1360] =	vst.add.f32.msk $0xffff, v3  }
0x14b: {  	s7 =	simm.s32 $0x0;
	v2 =	vld [tilespmem:$0x780]  }
0x14c: {  	v3 =	vld [tilespmem:s7+$0xD3F0]  }
0x14d: {  	v4 =	vld [tilespmem:s7+$0xD380]  }
0x14e: {  	v5 =	vld [tilespmem:s7+$0xD390]  }
0x14f: {  	v6 =	vld [tilespmem:s7+$0xD3A0]  }
0x150: {  	v7 =	vld [tilespmem:s7+$0xD3B0]  }
0x151: {  	v9 =	vld [tilespmem:s7+$0xD3D0];
	v3 =	vmul.f32 v3, v2  }
0x152: {  	v8 =	vld [tilespmem:s7+$0xD3C0]  }
0x153: {  	v4 =	vmul.f32 v4, v2;
	[tilespmem:s7+$0x13F0] =	vst.add.f32.msk $0xffff, v3  }
0x154: {  	v6 =	vmul.f32 v6, v2;
	v3 =	vmul.f32 v5, v2;
	v5 =	vld [tilespmem:s7+$0xD3E0]  }
0x155: {  	[tilespmem:s7+$0x1380] =	vst.add.f32.msk $0xffff, v4  }
0x156: {  	v63 =	vmul.f32 v9, v2;
	[tilespmem:s7+$0x13A0] =	vst.add.f32.msk $0xffff, v6  }
0x157: {  	[tilespmem:s7+$0x1390] =	vst.add.f32.msk $0xffff, v3;
	v3 =	vmul.f32 v8, v2  }
0x158: {  	v4 =	vmul.f32 v7, v2;
	[tilespmem:s7+$0x13D0] =	vst.add.f32.msk $0xffff, v63  }
0x159: {  	[tilespmem:s7+$0x13C0] =	vst.add.f32.msk $0xffff, v3;
	v3 =	vmul.f32 v5, v2  }
0x15a: {  	s9 =	simm.s32 $0x0;
	s18 =	simm.s32 $0x1000;
	[tilespmem:s7+$0x13B0] =	vst.add.f32.msk $0xffff, v4  }
.LBB2_19:
0x15b: {  	s9 =	sadd.s32 $0x8, s9;
	[tilespmem:s7+$0x13E0] =	vst.add.f32.msk $0xffff, v3;
	s7 =	sshra.s32 s18, $0x2  }
0x15c: {  	v3 =	vld [tilespmem:s7+$0xD3F0];
	p0 =	slt.u32 s9, $0x78  }
0x15d: {  	v4 =	vld [tilespmem:s7+$0xD380]  }
0x15e: {  	v5 =	vld [tilespmem:s7+$0xD390]  }
0x15f: {  	v6 =	vld [tilespmem:s7+$0xD3A0]  }
0x160: {  	v7 =	vld [tilespmem:s7+$0xD3B0]  }
0x161: {  	v8 =	vld [tilespmem:s7+$0xD3C0];
	v3 =	vmul.f32 v3, v2  }
0x162: {  	v4 =	vmul.f32 v4, v2;
	v9 =	vld [tilespmem:s7+$0xD3D0]  }
0x163: {  	v5 =	vmul.f32 v5, v2;
	[tilespmem:s7+$0x13F0] =	vst.add.f32.msk $0xffff, v3  }
0x164: {  	v3 =	vmul.f32 v6, v2;
	v6 =	vld [tilespmem:s7+$0xD3E0]  }
0x165: {  	[tilespmem:s7+$0x1380] =	vst.add.f32.msk $0xffff, v4;
	v4 =	vmul.f32 v7, v2  }
.Ltmp8:
0x166: {  	[tilespmem:s7+$0x1390] =	vst.add.f32.msk $0xffff, v5;
	v5 =	vmul.f32 v8, v2;
	(pc) =	sbr.rel @p0 .LBB2_19-.Ltmp8, $4  }
0x167: {  	[tilespmem:s7+$0x13A0] =	vst.add.f32.msk $0xffff, v3;
	v7 =	vmul.f32 v9, v2  }
0x168: {  	[tilespmem:s7+$0x13B0] =	vst.add.f32.msk $0xffff, v4  }
0x169: {  	[tilespmem:s7+$0x13C0] =	vst.add.f32.msk $0xffff, v5;
	v3 =	vmul.f32 v6, v2  }
0x16a: {  	s18 =	sadd.s32 $0x1000, s18;
	[tilespmem:s7+$0x13D0] =	vst.add.f32.msk $0xffff, v7  }
0x16b: {  	s9 =	smul.u32 $0x18, s0;
	_ =	sdelay $0x1  }
0x16c: {  	s18 =	sadd.s32 s6, s9  }
0x16d: {  	p0 =	seq.s32 s0, $0x0;
	s18 =	sshll.u32 s18, $0x8  }
0x16e: {  	[tilespmem:s7+$0x13E0] =	vst.add.f32.msk $0xffff, v3;
	s19 =	smul.u32 $0x3, s0;
	s20 =	sadd.s32 s4, s18;
	s18 =	simm.s32 @!p0 $0x9  }
0x16f: {  	[hbm4b:s20+s5] =	stream.linear.scatter [tilespmem:s23], [sflag:$0x7], $0x4000, $0x38;
	[tilespmem:$0x19000] =	vst v63  }
0x170: {  	s7 =	sadd.s32 $0x2, s19;
	_ =	swait.ge @!p0 [sflag:s18], $0x4000  }
0x171: {  	s20 =	sshll.u32 s7, $0x3;
	[sflag:s18] =	ssyncset.done @!p0 $0x0  }
0x172: {  	s1 =	sadd.s32 s6, s20;
	[sflag:s18] =	ssyncadd.s32 @!p0 $0xFFFFC000  }
0x173: {  	s23 =	sshll.u32 s1, $0x8;
	s1 =	rddreg [dreg:$0x0]  }
0x174: {  	s18 =	sadd.s32 s1, s23;
	s23 =	simm.s32 $0x0;
	s1 =	simm.s32 $0x9000  }
0x175: {  	[tilespmem:s1], [sflag:$0x3] =	stream.linear.gather [hbm4b:s18+s23], $0x4000, $0x38;
	[tilespmem:$0x19000] =	vst v63  }
0x176: {  	v2 =	vld.msk [tilespmem:s20+$0x200], $0xff;
	_ =	sdelay $0x4  }
0x177: {  	v3 =	vshll.u32 v2, $0x4  }
0x178: {  	v2 =	vand.u32 $0x7, v2;
	v3 =	vand.u32 $0xFFFFFF80, v3  }
0x179: {  	v2 =	vor.u32 v2, v3  }
0x17a: {  	v2 =	vperm.xlane v2, v0;
	_ =	sdelay $0x1  }
0x17b: {  	v2 =	vadd.s32 v1, v2;
	_ =	sdelay $0x3  }
0x17c: {  	s18 =	simm.s32 $0x15000  }
0x17d: {  	[tilespmem:s18], [sflag:$0x6] =	stream.indirect_vreg.gather [hbm4b:s2+s23], $0x80, v2, vm0, $0xb8;
	[tilespmem:$0x19000] =	vst v63  }
0x17e: {  	s18 =	simm.s32 $0x15800  }
0x17f: {  	[tilespmem:s18], [sflag:$0x6] =	stream.indirect_vreg.gather [hbm4b:s11+s23], $0x80, v2, vm0, $0xb8;
	[tilespmem:$0x19000] =	vst v63  }
0x180: {  	s18 =	simm.s32 $0x16000  }
0x181: {  	[tilespmem:s18], [sflag:$0x6] =	stream.indirect_vreg.gather [hbm4b:s12+s23], $0x80, v2, vm0, $0xb8;
	[tilespmem:$0x19000] =	vst v63  }
0x182: {  	s18 =	simm.s32 $0x16800  }
0x183: {  	[tilespmem:s18], [sflag:$0x6] =	stream.indirect_vreg.gather [hbm4b:s13+s23], $0x80, v2, vm0, $0xb8;
	[tilespmem:$0x19000] =	vst v63  }
0x184: {  	s18 =	simm.s32 $0x17000  }
0x185: {  	[tilespmem:s18], [sflag:$0x6] =	stream.indirect_vreg.gather [hbm4b:s14+s23], $0x80, v2, vm0, $0xb8;
	[tilespmem:$0x19000] =	vst v63  }
0x186: {  	s18 =	simm.s32 $0x17800  }
0x187: {  	[tilespmem:s18], [sflag:$0x6] =	stream.indirect_vreg.gather [hbm4b:s15+s23], $0x80, v2, vm0, $0xb8;
	[tilespmem:$0x19000] =	vst v63  }
0x188: {  	s18 =	simm.s32 $0x18000  }
0x189: {  	[tilespmem:s18], [sflag:$0x6] =	stream.indirect_vreg.gather [hbm4b:s16+s23], $0x80, v2, vm0, $0xb8;
	[tilespmem:$0x19000] =	vst v63  }
0x18a: {  	s18 =	simm.s32 $0x18800  }
0x18b: {  	[tilespmem:s18], [sflag:$0x6] =	stream.indirect_vreg.gather [hbm4b:s17+s23], $0x80, v2, vm0, $0xb8;
	[tilespmem:$0x19000] =	vst v63  }
0x18c: {  	s23 =	simm.s32 $0xC00  }
0x18d: {  	[tilespmem:s23], [sflag:$0xC] =	stream.indirect.gather [hbm4b:s8+s3], $0x80, s20, s3, $0xb8;
	[tilespmem:$0x19000] =	vst v63  }
0x18e: {  	_ =	swait.ge [sflag:s24], $0x4000  }
0x18f: {  	[sflag:s24] =	ssyncset.done $0x0  }
0x190: {  	[sflag:s24] =	ssyncadd.s32 $0xFFFFC000  }
0x191: {  	_ =	swait.ge [sflag:s25], $0x4000  }
0x192: {  	[sflag:s25] =	ssyncset.done $0x0  }
0x193: {  	[sflag:s25] =	ssyncadd.s32 $0xFFFFC000  }
0x194: {  	_ =	swait.ge [sflag:s26], $0x400  }
0x195: {  	[sflag:s26] =	ssyncset.done $0x0  }
0x196: {  	[sflag:s26] =	ssyncadd.s32 $0xFFFFFC00  }
0x197: {  	s18 =	simm.s32 $0x0;
	v2 =	vld [tilespmem:$0x800]  }
0x198: {  	v3 =	vld [tilespmem:s18+$0x11070]  }
0x199: {  	v4 =	vld [tilespmem:s18+$0x11000]  }
0x19a: {  	v5 =	vld [tilespmem:s18+$0x11010]  }
0x19b: {  	v6 =	vld [tilespmem:s18+$0x11020]  }
0x19c: {  	v7 =	vld [tilespmem:s18+$0x11030]  }
0x19d: {  	v9 =	vld [tilespmem:s18+$0x11050];
	v3 =	vmul.f32 v3, v2  }
0x19e: {  	v8 =	vld [tilespmem:s18+$0x11040]  }
0x19f: {  	v4 =	vmul.f32 v4, v2;
	[tilespmem:s18+$0x5070] =	vst.add.f32.msk $0xffff, v3  }
0x1a0: {  	v6 =	vmul.f32 v6, v2;
	v3 =	vmul.f32 v5, v2;
	v5 =	vld [tilespmem:s18+$0x11060]  }
0x1a1: {  	[tilespmem:s18+$0x5000] =	vst.add.f32.msk $0xffff, v4  }
0x1a2: {  	v63 =	vmul.f32 v9, v2;
	[tilespmem:s18+$0x5020] =	vst.add.f32.msk $0xffff, v6  }
0x1a3: {  	[tilespmem:s18+$0x5010] =	vst.add.f32.msk $0xffff, v3;
	v3 =	vmul.f32 v8, v2  }
0x1a4: {  	v4 =	vmul.f32 v7, v2;
	[tilespmem:s18+$0x5050] =	vst.add.f32.msk $0xffff, v63  }
0x1a5: {  	[tilespmem:s18+$0x5040] =	vst.add.f32.msk $0xffff, v3;
	v3 =	vmul.f32 v5, v2  }
0x1a6: {  	s20 =	simm.s32 $0x0;
	s23 =	simm.s32 $0x1000;
	[tilespmem:s18+$0x5030] =	vst.add.f32.msk $0xffff, v4  }
.LBB2_21:
0x1a7: {  	s20 =	sadd.s32 $0x8, s20;
	[tilespmem:s18+$0x5060] =	vst.add.f32.msk $0xffff, v3;
	s18 =	sshra.s32 s23, $0x2  }
0x1a8: {  	v3 =	vld [tilespmem:s18+$0x11070];
	p0 =	slt.u32 s20, $0x78  }
0x1a9: {  	v4 =	vld [tilespmem:s18+$0x11000]  }
0x1aa: {  	v5 =	vld [tilespmem:s18+$0x11010]  }
0x1ab: {  	v6 =	vld [tilespmem:s18+$0x11020]  }
0x1ac: {  	v7 =	vld [tilespmem:s18+$0x11030]  }
0x1ad: {  	v8 =	vld [tilespmem:s18+$0x11040];
	v3 =	vmul.f32 v3, v2  }
0x1ae: {  	v4 =	vmul.f32 v4, v2;
	v9 =	vld [tilespmem:s18+$0x11050]  }
0x1af: {  	v5 =	vmul.f32 v5, v2;
	[tilespmem:s18+$0x5070] =	vst.add.f32.msk $0xffff, v3  }
0x1b0: {  	v3 =	vmul.f32 v6, v2;
	v6 =	vld [tilespmem:s18+$0x11060]  }
0x1b1: {  	[tilespmem:s18+$0x5000] =	vst.add.f32.msk $0xffff, v4;
	v4 =	vmul.f32 v7, v2  }
.Ltmp9:
0x1b2: {  	[tilespmem:s18+$0x5010] =	vst.add.f32.msk $0xffff, v5;
	v5 =	vmul.f32 v8, v2;
	(pc) =	sbr.rel @p0 .LBB2_21-.Ltmp9, $4  }
0x1b3: {  	[tilespmem:s18+$0x5020] =	vst.add.f32.msk $0xffff, v3;
	v7 =	vmul.f32 v9, v2  }
0x1b4: {  	[tilespmem:s18+$0x5030] =	vst.add.f32.msk $0xffff, v4  }
0x1b5: {  	[tilespmem:s18+$0x5040] =	vst.add.f32.msk $0xffff, v5;
	v3 =	vmul.f32 v6, v2  }
0x1b6: {  	s23 =	sadd.s32 $0x1000, s23;
	[tilespmem:s18+$0x5050] =	vst.add.f32.msk $0xffff, v7  }
0x1b7: {  	[tilespmem:s18+$0x5060] =	vst.add.f32.msk $0xffff, v3  }
0x1b8: {  	s18 =	simm.s32 $0x0;
	v2 =	vld [tilespmem:$0x880]  }
0x1b9: {  	v3 =	vld [tilespmem:s18+$0x110F0]  }
0x1ba: {  	v4 =	vld [tilespmem:s18+$0x11080]  }
0x1bb: {  	v5 =	vld [tilespmem:s18+$0x11090]  }
0x1bc: {  	v6 =	vld [tilespmem:s18+$0x110A0]  }
0x1bd: {  	v7 =	vld [tilespmem:s18+$0x110B0]  }
0x1be: {  	v9 =	vld [tilespmem:s18+$0x110D0];
	v3 =	vmul.f32 v3, v2  }
0x1bf: {  	v8 =	vld [tilespmem:s18+$0x110C0]  }
0x1c0: {  	v4 =	vmul.f32 v4, v2;
	[tilespmem:s18+$0x50F0] =	vst.add.f32.msk $0xffff, v3  }
0x1c1: {  	v6 =	vmul.f32 v6, v2;
	v3 =	vmul.f32 v5, v2;
	v5 =	vld [tilespmem:s18+$0x110E0]  }
0x1c2: {  	[tilespmem:s18+$0x5080] =	vst.add.f32.msk $0xffff, v4  }
0x1c3: {  	v63 =	vmul.f32 v9, v2;
	[tilespmem:s18+$0x50A0] =	vst.add.f32.msk $0xffff, v6  }
0x1c4: {  	[tilespmem:s18+$0x5090] =	vst.add.f32.msk $0xffff, v3;
	v3 =	vmul.f32 v8, v2  }
0x1c5: {  	v4 =	vmul.f32 v7, v2;
	[tilespmem:s18+$0x50D0] =	vst.add.f32.msk $0xffff, v63  }
0x1c6: {  	[tilespmem:s18+$0x50C0] =	vst.add.f32.msk $0xffff, v3;
	v3 =	vmul.f32 v5, v2  }
0x1c7: {  	s20 =	simm.s32 $0x0;
	s23 =	simm.s32 $0x1000;
	[tilespmem:s18+$0x50B0] =	vst.add.f32.msk $0xffff, v4  }
.LBB2_23:
0x1c8: {  	s20 =	sadd.s32 $0x8, s20;
	[tilespmem:s18+$0x50E0] =	vst.add.f32.msk $0xffff, v3;
	s18 =	sshra.s32 s23, $0x2  }
0x1c9: {  	v3 =	vld [tilespmem:s18+$0x110F0];
	p0 =	slt.u32 s20, $0x78  }
0x1ca: {  	v4 =	vld [tilespmem:s18+$0x11080]  }
0x1cb: {  	v5 =	vld [tilespmem:s18+$0x11090]  }
0x1cc: {  	v6 =	vld [tilespmem:s18+$0x110A0]  }
0x1cd: {  	v7 =	vld [tilespmem:s18+$0x110B0]  }
0x1ce: {  	v8 =	vld [tilespmem:s18+$0x110C0];
	v3 =	vmul.f32 v3, v2  }
0x1cf: {  	v4 =	vmul.f32 v4, v2;
	v9 =	vld [tilespmem:s18+$0x110D0]  }
0x1d0: {  	v5 =	vmul.f32 v5, v2;
	[tilespmem:s18+$0x50F0] =	vst.add.f32.msk $0xffff, v3  }
0x1d1: {  	v3 =	vmul.f32 v6, v2;
	v6 =	vld [tilespmem:s18+$0x110E0]  }
0x1d2: {  	[tilespmem:s18+$0x5080] =	vst.add.f32.msk $0xffff, v4;
	v4 =	vmul.f32 v7, v2  }
.Ltmp10:
0x1d3: {  	[tilespmem:s18+$0x5090] =	vst.add.f32.msk $0xffff, v5;
	v5 =	vmul.f32 v8, v2;
	(pc) =	sbr.rel @p0 .LBB2_23-.Ltmp10, $4  }
0x1d4: {  	[tilespmem:s18+$0x50A0] =	vst.add.f32.msk $0xffff, v3;
	v7 =	vmul.f32 v9, v2  }
0x1d5: {  	[tilespmem:s18+$0x50B0] =	vst.add.f32.msk $0xffff, v4  }
0x1d6: {  	[tilespmem:s18+$0x50C0] =	vst.add.f32.msk $0xffff, v5;
	v3 =	vmul.f32 v6, v2  }
0x1d7: {  	s23 =	sadd.s32 $0x1000, s23;
	[tilespmem:s18+$0x50D0] =	vst.add.f32.msk $0xffff, v7  }
0x1d8: {  	[tilespmem:s18+$0x50E0] =	vst.add.f32.msk $0xffff, v3  }
0x1d9: {  	s18 =	simm.s32 $0x0;
	v2 =	vld [tilespmem:$0x900]  }
0x1da: {  	v3 =	vld [tilespmem:s18+$0x11170]  }
0x1db: {  	v4 =	vld [tilespmem:s18+$0x11100]  }
0x1dc: {  	v5 =	vld [tilespmem:s18+$0x11110]  }
0x1dd: {  	v6 =	vld [tilespmem:s18+$0x11120]  }
0x1de: {  	v7 =	vld [tilespmem:s18+$0x11130]  }
0x1df: {  	v9 =	vld [tilespmem:s18+$0x11150];
	v3 =	vmul.f32 v3, v2  }
0x1e0: {  	v8 =	vld [tilespmem:s18+$0x11140]  }
0x1e1: {  	v4 =	vmul.f32 v4, v2;
	[tilespmem:s18+$0x5170] =	vst.add.f32.msk $0xffff, v3  }
0x1e2: {  	v6 =	vmul.f32 v6, v2;
	v3 =	vmul.f32 v5, v2;
	v5 =	vld [tilespmem:s18+$0x11160]  }
0x1e3: {  	[tilespmem:s18+$0x5100] =	vst.add.f32.msk $0xffff, v4  }
0x1e4: {  	v63 =	vmul.f32 v9, v2;
	[tilespmem:s18+$0x5120] =	vst.add.f32.msk $0xffff, v6  }
0x1e5: {  	[tilespmem:s18+$0x5110] =	vst.add.f32.msk $0xffff, v3;
	v3 =	vmul.f32 v8, v2  }
0x1e6: {  	v4 =	vmul.f32 v7, v2;
	[tilespmem:s18+$0x5150] =	vst.add.f32.msk $0xffff, v63  }
0x1e7: {  	[tilespmem:s18+$0x5140] =	vst.add.f32.msk $0xffff, v3;
	v3 =	vmul.f32 v5, v2  }
0x1e8: {  	s20 =	simm.s32 $0x0;
	s23 =	simm.s32 $0x1000;
	[tilespmem:s18+$0x5130] =	vst.add.f32.msk $0xffff, v4  }
.LBB2_25:
0x1e9: {  	s20 =	sadd.s32 $0x8, s20;
	[tilespmem:s18+$0x5160] =	vst.add.f32.msk $0xffff, v3;
	s18 =	sshra.s32 s23, $0x2  }
0x1ea: {  	v3 =	vld [tilespmem:s18+$0x11170];
	p0 =	slt.u32 s20, $0x78  }
0x1eb: {  	v4 =	vld [tilespmem:s18+$0x11100]  }
0x1ec: {  	v5 =	vld [tilespmem:s18+$0x11110]  }
0x1ed: {  	v6 =	vld [tilespmem:s18+$0x11120]  }
0x1ee: {  	v7 =	vld [tilespmem:s18+$0x11130]  }
0x1ef: {  	v8 =	vld [tilespmem:s18+$0x11140];
	v3 =	vmul.f32 v3, v2  }
0x1f0: {  	v4 =	vmul.f32 v4, v2;
	v9 =	vld [tilespmem:s18+$0x11150]  }
0x1f1: {  	v5 =	vmul.f32 v5, v2;
	[tilespmem:s18+$0x5170] =	vst.add.f32.msk $0xffff, v3  }
0x1f2: {  	v3 =	vmul.f32 v6, v2;
	v6 =	vld [tilespmem:s18+$0x11160]  }
0x1f3: {  	[tilespmem:s18+$0x5100] =	vst.add.f32.msk $0xffff, v4;
	v4 =	vmul.f32 v7, v2  }
.Ltmp11:
0x1f4: {  	[tilespmem:s18+$0x5110] =	vst.add.f32.msk $0xffff, v5;
	v5 =	vmul.f32 v8, v2;
	(pc) =	sbr.rel @p0 .LBB2_25-.Ltmp11, $4  }
0x1f5: {  	[tilespmem:s18+$0x5120] =	vst.add.f32.msk $0xffff, v3;
	v7 =	vmul.f32 v9, v2  }
0x1f6: {  	[tilespmem:s18+$0x5130] =	vst.add.f32.msk $0xffff, v4  }
0x1f7: {  	[tilespmem:s18+$0x5140] =	vst.add.f32.msk $0xffff, v5;
	v3 =	vmul.f32 v6, v2  }
0x1f8: {  	s23 =	sadd.s32 $0x1000, s23;
	[tilespmem:s18+$0x5150] =	vst.add.f32.msk $0xffff, v7  }
0x1f9: {  	[tilespmem:s18+$0x5160] =	vst.add.f32.msk $0xffff, v3  }
0x1fa: {  	s18 =	simm.s32 $0x0;
	v2 =	vld [tilespmem:$0x980]  }
0x1fb: {  	v3 =	vld [tilespmem:s18+$0x111F0]  }
0x1fc: {  	v4 =	vld [tilespmem:s18+$0x11180]  }
0x1fd: {  	v5 =	vld [tilespmem:s18+$0x11190]  }
0x1fe: {  	v6 =	vld [tilespmem:s18+$0x111A0]  }
0x1ff: {  	v7 =	vld [tilespmem:s18+$0x111B0]  }
0x200: {  	v9 =	vld [tilespmem:s18+$0x111D0];
	v3 =	vmul.f32 v3, v2  }
0x201: {  	v8 =	vld [tilespmem:s18+$0x111C0]  }
0x202: {  	v4 =	vmul.f32 v4, v2;
	[tilespmem:s18+$0x51F0] =	vst.add.f32.msk $0xffff, v3  }
0x203: {  	v6 =	vmul.f32 v6, v2;
	v3 =	vmul.f32 v5, v2;
	v5 =	vld [tilespmem:s18+$0x111E0]  }
0x204: {  	[tilespmem:s18+$0x5180] =	vst.add.f32.msk $0xffff, v4  }
0x205: {  	v63 =	vmul.f32 v9, v2;
	[tilespmem:s18+$0x51A0] =	vst.add.f32.msk $0xffff, v6  }
0x206: {  	[tilespmem:s18+$0x5190] =	vst.add.f32.msk $0xffff, v3;
	v3 =	vmul.f32 v8, v2  }
0x207: {  	v4 =	vmul.f32 v7, v2;
	[tilespmem:s18+$0x51D0] =	vst.add.f32.msk $0xffff, v63  }
0x208: {  	[tilespmem:s18+$0x51C0] =	vst.add.f32.msk $0xffff, v3;
	v3 =	vmul.f32 v5, v2  }
0x209: {  	s20 =	simm.s32 $0x0;
	s23 =	simm.s32 $0x1000;
	[tilespmem:s18+$0x51B0] =	vst.add.f32.msk $0xffff, v4  }
.LBB2_27:
0x20a: {  	s20 =	sadd.s32 $0x8, s20;
	[tilespmem:s18+$0x51E0] =	vst.add.f32.msk $0xffff, v3;
	s18 =	sshra.s32 s23, $0x2  }
0x20b: {  	v3 =	vld [tilespmem:s18+$0x111F0];
	p0 =	slt.u32 s20, $0x78  }
0x20c: {  	v4 =	vld [tilespmem:s18+$0x11180]  }
0x20d: {  	v5 =	vld [tilespmem:s18+$0x11190]  }
0x20e: {  	v6 =	vld [tilespmem:s18+$0x111A0]  }
0x20f: {  	v7 =	vld [tilespmem:s18+$0x111B0]  }
0x210: {  	v8 =	vld [tilespmem:s18+$0x111C0];
	v3 =	vmul.f32 v3, v2  }
0x211: {  	v4 =	vmul.f32 v4, v2;
	v9 =	vld [tilespmem:s18+$0x111D0]  }
0x212: {  	v5 =	vmul.f32 v5, v2;
	[tilespmem:s18+$0x51F0] =	vst.add.f32.msk $0xffff, v3  }
0x213: {  	v3 =	vmul.f32 v6, v2;
	v6 =	vld [tilespmem:s18+$0x111E0]  }
0x214: {  	[tilespmem:s18+$0x5180] =	vst.add.f32.msk $0xffff, v4;
	v4 =	vmul.f32 v7, v2  }
.Ltmp12:
0x215: {  	[tilespmem:s18+$0x5190] =	vst.add.f32.msk $0xffff, v5;
	v5 =	vmul.f32 v8, v2;
	(pc) =	sbr.rel @p0 .LBB2_27-.Ltmp12, $4  }
0x216: {  	[tilespmem:s18+$0x51A0] =	vst.add.f32.msk $0xffff, v3;
	v7 =	vmul.f32 v9, v2  }
0x217: {  	[tilespmem:s18+$0x51B0] =	vst.add.f32.msk $0xffff, v4  }
0x218: {  	[tilespmem:s18+$0x51C0] =	vst.add.f32.msk $0xffff, v5;
	v3 =	vmul.f32 v6, v2  }
0x219: {  	s23 =	sadd.s32 $0x1000, s23;
	[tilespmem:s18+$0x51D0] =	vst.add.f32.msk $0xffff, v7  }
0x21a: {  	[tilespmem:s18+$0x51E0] =	vst.add.f32.msk $0xffff, v3  }
0x21b: {  	s18 =	simm.s32 $0x0;
	v2 =	vld [tilespmem:$0xA00]  }
0x21c: {  	v3 =	vld [tilespmem:s18+$0x11270]  }
0x21d: {  	v4 =	vld [tilespmem:s18+$0x11200]  }
0x21e: {  	v5 =	vld [tilespmem:s18+$0x11210]  }
0x21f: {  	v6 =	vld [tilespmem:s18+$0x11220]  }
0x220: {  	v7 =	vld [tilespmem:s18+$0x11230]  }
0x221: {  	v9 =	vld [tilespmem:s18+$0x11250];
	v3 =	vmul.f32 v3, v2  }
0x222: {  	v8 =	vld [tilespmem:s18+$0x11240]  }
0x223: {  	v4 =	vmul.f32 v4, v2;
	[tilespmem:s18+$0x5270] =	vst.add.f32.msk $0xffff, v3  }
0x224: {  	v6 =	vmul.f32 v6, v2;
	v3 =	vmul.f32 v5, v2;
	v5 =	vld [tilespmem:s18+$0x11260]  }
0x225: {  	[tilespmem:s18+$0x5200] =	vst.add.f32.msk $0xffff, v4  }
0x226: {  	v63 =	vmul.f32 v9, v2;
	[tilespmem:s18+$0x5220] =	vst.add.f32.msk $0xffff, v6  }
0x227: {  	[tilespmem:s18+$0x5210] =	vst.add.f32.msk $0xffff, v3;
	v3 =	vmul.f32 v8, v2  }
0x228: {  	v4 =	vmul.f32 v7, v2;
	[tilespmem:s18+$0x5250] =	vst.add.f32.msk $0xffff, v63  }
0x229: {  	[tilespmem:s18+$0x5240] =	vst.add.f32.msk $0xffff, v3;
	v3 =	vmul.f32 v5, v2  }
0x22a: {  	s20 =	simm.s32 $0x0;
	s23 =	simm.s32 $0x1000;
	[tilespmem:s18+$0x5230] =	vst.add.f32.msk $0xffff, v4  }
.LBB2_29:
0x22b: {  	s20 =	sadd.s32 $0x8, s20;
	[tilespmem:s18+$0x5260] =	vst.add.f32.msk $0xffff, v3;
	s18 =	sshra.s32 s23, $0x2  }
0x22c: {  	v3 =	vld [tilespmem:s18+$0x11270];
	p0 =	slt.u32 s20, $0x78  }
0x22d: {  	v4 =	vld [tilespmem:s18+$0x11200]  }
0x22e: {  	v5 =	vld [tilespmem:s18+$0x11210]  }
0x22f: {  	v6 =	vld [tilespmem:s18+$0x11220]  }
0x230: {  	v7 =	vld [tilespmem:s18+$0x11230]  }
0x231: {  	v8 =	vld [tilespmem:s18+$0x11240];
	v3 =	vmul.f32 v3, v2  }
0x232: {  	v4 =	vmul.f32 v4, v2;
	v9 =	vld [tilespmem:s18+$0x11250]  }
0x233: {  	v5 =	vmul.f32 v5, v2;
	[tilespmem:s18+$0x5270] =	vst.add.f32.msk $0xffff, v3  }
0x234: {  	v3 =	vmul.f32 v6, v2;
	v6 =	vld [tilespmem:s18+$0x11260]  }
0x235: {  	[tilespmem:s18+$0x5200] =	vst.add.f32.msk $0xffff, v4;
	v4 =	vmul.f32 v7, v2  }
.Ltmp13:
0x236: {  	[tilespmem:s18+$0x5210] =	vst.add.f32.msk $0xffff, v5;
	v5 =	vmul.f32 v8, v2;
	(pc) =	sbr.rel @p0 .LBB2_29-.Ltmp13, $4  }
0x237: {  	[tilespmem:s18+$0x5220] =	vst.add.f32.msk $0xffff, v3;
	v7 =	vmul.f32 v9, v2  }
0x238: {  	[tilespmem:s18+$0x5230] =	vst.add.f32.msk $0xffff, v4  }
0x239: {  	[tilespmem:s18+$0x5240] =	vst.add.f32.msk $0xffff, v5;
	v3 =	vmul.f32 v6, v2  }
0x23a: {  	s23 =	sadd.s32 $0x1000, s23;
	[tilespmem:s18+$0x5250] =	vst.add.f32.msk $0xffff, v7  }
0x23b: {  	[tilespmem:s18+$0x5260] =	vst.add.f32.msk $0xffff, v3  }
0x23c: {  	s18 =	simm.s32 $0x0;
	v2 =	vld [tilespmem:$0xA80]  }
0x23d: {  	v3 =	vld [tilespmem:s18+$0x112F0]  }
0x23e: {  	v4 =	vld [tilespmem:s18+$0x11280]  }
0x23f: {  	v5 =	vld [tilespmem:s18+$0x11290]  }
0x240: {  	v6 =	vld [tilespmem:s18+$0x112A0]  }
0x241: {  	v7 =	vld [tilespmem:s18+$0x112B0]  }
0x242: {  	v9 =	vld [tilespmem:s18+$0x112D0];
	v3 =	vmul.f32 v3, v2  }
0x243: {  	v8 =	vld [tilespmem:s18+$0x112C0]  }
0x244: {  	v4 =	vmul.f32 v4, v2;
	[tilespmem:s18+$0x52F0] =	vst.add.f32.msk $0xffff, v3  }
0x245: {  	v6 =	vmul.f32 v6, v2;
	v3 =	vmul.f32 v5, v2;
	v5 =	vld [tilespmem:s18+$0x112E0]  }
0x246: {  	[tilespmem:s18+$0x5280] =	vst.add.f32.msk $0xffff, v4  }
0x247: {  	v63 =	vmul.f32 v9, v2;
	[tilespmem:s18+$0x52A0] =	vst.add.f32.msk $0xffff, v6  }
0x248: {  	[tilespmem:s18+$0x5290] =	vst.add.f32.msk $0xffff, v3;
	v3 =	vmul.f32 v8, v2  }
0x249: {  	v4 =	vmul.f32 v7, v2;
	[tilespmem:s18+$0x52D0] =	vst.add.f32.msk $0xffff, v63  }
0x24a: {  	[tilespmem:s18+$0x52C0] =	vst.add.f32.msk $0xffff, v3;
	v3 =	vmul.f32 v5, v2  }
0x24b: {  	s20 =	simm.s32 $0x0;
	s23 =	simm.s32 $0x1000;
	[tilespmem:s18+$0x52B0] =	vst.add.f32.msk $0xffff, v4  }
.LBB2_31:
0x24c: {  	s20 =	sadd.s32 $0x8, s20;
	[tilespmem:s18+$0x52E0] =	vst.add.f32.msk $0xffff, v3;
	s18 =	sshra.s32 s23, $0x2  }
0x24d: {  	v3 =	vld [tilespmem:s18+$0x112F0];
	p0 =	slt.u32 s20, $0x78  }
0x24e: {  	v4 =	vld [tilespmem:s18+$0x11280]  }
0x24f: {  	v5 =	vld [tilespmem:s18+$0x11290]  }
0x250: {  	v6 =	vld [tilespmem:s18+$0x112A0]  }
0x251: {  	v7 =	vld [tilespmem:s18+$0x112B0]  }
0x252: {  	v8 =	vld [tilespmem:s18+$0x112C0];
	v3 =	vmul.f32 v3, v2  }
0x253: {  	v4 =	vmul.f32 v4, v2;
	v9 =	vld [tilespmem:s18+$0x112D0]  }
0x254: {  	v5 =	vmul.f32 v5, v2;
	[tilespmem:s18+$0x52F0] =	vst.add.f32.msk $0xffff, v3  }
0x255: {  	v3 =	vmul.f32 v6, v2;
	v6 =	vld [tilespmem:s18+$0x112E0]  }
0x256: {  	[tilespmem:s18+$0x5280] =	vst.add.f32.msk $0xffff, v4;
	v4 =	vmul.f32 v7, v2  }
.Ltmp14:
0x257: {  	[tilespmem:s18+$0x5290] =	vst.add.f32.msk $0xffff, v5;
	v5 =	vmul.f32 v8, v2;
	(pc) =	sbr.rel @p0 .LBB2_31-.Ltmp14, $4  }
0x258: {  	[tilespmem:s18+$0x52A0] =	vst.add.f32.msk $0xffff, v3;
	v7 =	vmul.f32 v9, v2  }
0x259: {  	[tilespmem:s18+$0x52B0] =	vst.add.f32.msk $0xffff, v4  }
0x25a: {  	[tilespmem:s18+$0x52C0] =	vst.add.f32.msk $0xffff, v5;
	v3 =	vmul.f32 v6, v2  }
0x25b: {  	s23 =	sadd.s32 $0x1000, s23;
	[tilespmem:s18+$0x52D0] =	vst.add.f32.msk $0xffff, v7  }
0x25c: {  	[tilespmem:s18+$0x52E0] =	vst.add.f32.msk $0xffff, v3  }
0x25d: {  	s18 =	simm.s32 $0x0;
	v2 =	vld [tilespmem:$0xB00]  }
0x25e: {  	v3 =	vld [tilespmem:s18+$0x11370]  }
0x25f: {  	v4 =	vld [tilespmem:s18+$0x11300]  }
0x260: {  	v5 =	vld [tilespmem:s18+$0x11310]  }
0x261: {  	v6 =	vld [tilespmem:s18+$0x11320]  }
0x262: {  	v7 =	vld [tilespmem:s18+$0x11330]  }
0x263: {  	v9 =	vld [tilespmem:s18+$0x11350];
	v3 =	vmul.f32 v3, v2  }
0x264: {  	v8 =	vld [tilespmem:s18+$0x11340]  }
0x265: {  	v4 =	vmul.f32 v4, v2;
	[tilespmem:s18+$0x5370] =	vst.add.f32.msk $0xffff, v3  }
0x266: {  	v6 =	vmul.f32 v6, v2;
	v3 =	vmul.f32 v5, v2;
	v5 =	vld [tilespmem:s18+$0x11360]  }
0x267: {  	[tilespmem:s18+$0x5300] =	vst.add.f32.msk $0xffff, v4  }
0x268: {  	v63 =	vmul.f32 v9, v2;
	[tilespmem:s18+$0x5320] =	vst.add.f32.msk $0xffff, v6  }
0x269: {  	[tilespmem:s18+$0x5310] =	vst.add.f32.msk $0xffff, v3;
	v3 =	vmul.f32 v8, v2  }
0x26a: {  	v4 =	vmul.f32 v7, v2;
	[tilespmem:s18+$0x5350] =	vst.add.f32.msk $0xffff, v63  }
0x26b: {  	[tilespmem:s18+$0x5340] =	vst.add.f32.msk $0xffff, v3;
	v3 =	vmul.f32 v5, v2  }
0x26c: {  	s20 =	simm.s32 $0x0;
	s23 =	simm.s32 $0x1000;
	[tilespmem:s18+$0x5330] =	vst.add.f32.msk $0xffff, v4  }
.LBB2_33:
0x26d: {  	s20 =	sadd.s32 $0x8, s20;
	[tilespmem:s18+$0x5360] =	vst.add.f32.msk $0xffff, v3;
	s18 =	sshra.s32 s23, $0x2  }
0x26e: {  	v3 =	vld [tilespmem:s18+$0x11370];
	p0 =	slt.u32 s20, $0x78  }
0x26f: {  	v4 =	vld [tilespmem:s18+$0x11300]  }
0x270: {  	v5 =	vld [tilespmem:s18+$0x11310]  }
0x271: {  	v6 =	vld [tilespmem:s18+$0x11320]  }
0x272: {  	v7 =	vld [tilespmem:s18+$0x11330]  }
0x273: {  	v8 =	vld [tilespmem:s18+$0x11340];
	v3 =	vmul.f32 v3, v2  }
0x274: {  	v4 =	vmul.f32 v4, v2;
	v9 =	vld [tilespmem:s18+$0x11350]  }
0x275: {  	v5 =	vmul.f32 v5, v2;
	[tilespmem:s18+$0x5370] =	vst.add.f32.msk $0xffff, v3  }
0x276: {  	v3 =	vmul.f32 v6, v2;
	v6 =	vld [tilespmem:s18+$0x11360]  }
0x277: {  	[tilespmem:s18+$0x5300] =	vst.add.f32.msk $0xffff, v4;
	v4 =	vmul.f32 v7, v2  }
.Ltmp15:
0x278: {  	[tilespmem:s18+$0x5310] =	vst.add.f32.msk $0xffff, v5;
	v5 =	vmul.f32 v8, v2;
	(pc) =	sbr.rel @p0 .LBB2_33-.Ltmp15, $4  }
0x279: {  	[tilespmem:s18+$0x5320] =	vst.add.f32.msk $0xffff, v3;
	v7 =	vmul.f32 v9, v2  }
0x27a: {  	[tilespmem:s18+$0x5330] =	vst.add.f32.msk $0xffff, v4  }
0x27b: {  	[tilespmem:s18+$0x5340] =	vst.add.f32.msk $0xffff, v5;
	v3 =	vmul.f32 v6, v2  }
0x27c: {  	s23 =	sadd.s32 $0x1000, s23;
	[tilespmem:s18+$0x5350] =	vst.add.f32.msk $0xffff, v7  }
0x27d: {  	[tilespmem:s18+$0x5360] =	vst.add.f32.msk $0xffff, v3  }
0x27e: {  	s18 =	simm.s32 $0x0;
	v2 =	vld [tilespmem:$0xB80]  }
0x27f: {  	v3 =	vld [tilespmem:s18+$0x113F0]  }
0x280: {  	v4 =	vld [tilespmem:s18+$0x11380]  }
0x281: {  	v5 =	vld [tilespmem:s18+$0x11390]  }
0x282: {  	v6 =	vld [tilespmem:s18+$0x113A0]  }
0x283: {  	v7 =	vld [tilespmem:s18+$0x113B0]  }
0x284: {  	v9 =	vld [tilespmem:s18+$0x113D0];
	v3 =	vmul.f32 v3, v2  }
0x285: {  	v8 =	vld [tilespmem:s18+$0x113C0]  }
0x286: {  	v4 =	vmul.f32 v4, v2;
	[tilespmem:s18+$0x53F0] =	vst.add.f32.msk $0xffff, v3  }
0x287: {  	v6 =	vmul.f32 v6, v2;
	v3 =	vmul.f32 v5, v2;
	v5 =	vld [tilespmem:s18+$0x113E0]  }
0x288: {  	[tilespmem:s18+$0x5380] =	vst.add.f32.msk $0xffff, v4  }
0x289: {  	v63 =	vmul.f32 v9, v2;
	[tilespmem:s18+$0x53A0] =	vst.add.f32.msk $0xffff, v6  }
0x28a: {  	[tilespmem:s18+$0x5390] =	vst.add.f32.msk $0xffff, v3;
	v3 =	vmul.f32 v8, v2  }
0x28b: {  	v4 =	vmul.f32 v7, v2;
	[tilespmem:s18+$0x53D0] =	vst.add.f32.msk $0xffff, v63  }
0x28c: {  	[tilespmem:s18+$0x53C0] =	vst.add.f32.msk $0xffff, v3;
	v3 =	vmul.f32 v5, v2  }
0x28d: {  	s20 =	simm.s32 $0x0;
	s23 =	simm.s32 $0x1000;
	[tilespmem:s18+$0x53B0] =	vst.add.f32.msk $0xffff, v4  }
.LBB2_35:
0x28e: {  	s20 =	sadd.s32 $0x8, s20;
	[tilespmem:s18+$0x53E0] =	vst.add.f32.msk $0xffff, v3;
	s18 =	sshra.s32 s23, $0x2  }
0x28f: {  	v3 =	vld [tilespmem:s18+$0x113F0];
	p0 =	slt.u32 s20, $0x78  }
0x290: {  	v4 =	vld [tilespmem:s18+$0x11380]  }
0x291: {  	v5 =	vld [tilespmem:s18+$0x11390]  }
0x292: {  	v6 =	vld [tilespmem:s18+$0x113A0]  }
0x293: {  	v7 =	vld [tilespmem:s18+$0x113B0]  }
0x294: {  	v8 =	vld [tilespmem:s18+$0x113C0];
	v3 =	vmul.f32 v3, v2  }
0x295: {  	v4 =	vmul.f32 v4, v2;
	v9 =	vld [tilespmem:s18+$0x113D0]  }
0x296: {  	v5 =	vmul.f32 v5, v2;
	[tilespmem:s18+$0x53F0] =	vst.add.f32.msk $0xffff, v3  }
0x297: {  	v3 =	vmul.f32 v6, v2;
	v6 =	vld [tilespmem:s18+$0x113E0]  }
0x298: {  	[tilespmem:s18+$0x5380] =	vst.add.f32.msk $0xffff, v4;
	v4 =	vmul.f32 v7, v2  }
.Ltmp16:
0x299: {  	[tilespmem:s18+$0x5390] =	vst.add.f32.msk $0xffff, v5;
	v5 =	vmul.f32 v8, v2;
	(pc) =	sbr.rel @p0 .LBB2_35-.Ltmp16, $4  }
0x29a: {  	[tilespmem:s18+$0x53A0] =	vst.add.f32.msk $0xffff, v3;
	v7 =	vmul.f32 v9, v2  }
0x29b: {  	[tilespmem:s18+$0x53B0] =	vst.add.f32.msk $0xffff, v4  }
0x29c: {  	[tilespmem:s18+$0x53C0] =	vst.add.f32.msk $0xffff, v5;
	v3 =	vmul.f32 v6, v2  }
0x29d: {  	s23 =	sadd.s32 $0x1000, s23;
	[tilespmem:s18+$0x53D0] =	vst.add.f32.msk $0xffff, v7  }
0x29e: {  	s20 =	rddreg [dreg:$0x9]  }
0x29f: {  	s19 =	sadd.s32 s19, s20  }
0x2a0: {  	s19 =	sshll.u32 s19, $0xB  }
0x2a1: {  	[tilespmem:s18+$0x53E0] =	vst.add.f32.msk $0xffff, v3;
	s1 =	simm.s32 $0x5000;
	s23 =	sadd.s32 s4, s19;
	s19 =	simm.s32 $0x0  }
0x2a2: {  	[hbm4b:s23+s19] =	stream.linear.scatter [tilespmem:s1], [sflag:$0x8], $0x4000, $0x38;
	[tilespmem:$0x19000] =	vst v63  }
0x2a3: {  	_ =	swait.ge [sflag:s28], $0x4000  }
0x2a4: {  	s18 =	sadd.s32 $0x18, s9;
	[sflag:s28] =	ssyncset.done $0x0  }
0x2a5: {  	s23 =	sadd.s32 s6, s18;
	[sflag:s28] =	ssyncadd.s32 $0xFFFFC000  }
0x2a6: {  	s20 =	sshll.u32 s23, $0x8;
	s1 =	rddreg [dreg:$0x0]  }
0x2a7: {  	s23 =	simm.s32 $0x1000;
	s20 =	sadd.s32 s1, s20  }
0x2a8: {  	[tilespmem:s23], [sflag:$0x1] =	stream.linear.gather [hbm4b:s20+s19], $0x4000, $0x38;
	[tilespmem:$0x19000] =	vst v63  }
0x2a9: {  	v2 =	vld.msk [tilespmem:s9+$0x218], $0xff;
	_ =	sdelay $0x4  }
0x2aa: {  	v3 =	vshll.u32 v2, $0x4  }
0x2ab: {  	v2 =	vand.u32 $0x7, v2;
	v3 =	vand.u32 $0xFFFFFF80, v3  }
0x2ac: {  	v2 =	vor.u32 v2, v3  }
0x2ad: {  	v2 =	vperm.xlane v2, v0;
	_ =	sdelay $0x1  }
0x2ae: {  	v2 =	vadd.s32 v1, v2;
	_ =	sdelay $0x3  }
0x2af: {  	s1 =	simm.s32 $0xD000  }
0x2b0: {  	[tilespmem:s1], [sflag:$0x4] =	stream.indirect_vreg.gather [hbm4b:s2+s19], $0x80, v2, vm0, $0xb8;
	[tilespmem:$0x19000] =	vst v63  }
0x2b1: {  	s1 =	simm.s32 $0xD800  }
0x2b2: {  	[tilespmem:s1], [sflag:$0x4] =	stream.indirect_vreg.gather [hbm4b:s11+s19], $0x80, v2, vm0, $0xb8;
	[tilespmem:$0x19000] =	vst v63  }
0x2b3: {  	s1 =	simm.s32 $0xE000  }
0x2b4: {  	[tilespmem:s1], [sflag:$0x4] =	stream.indirect_vreg.gather [hbm4b:s12+s19], $0x80, v2, vm0, $0xb8;
	[tilespmem:$0x19000] =	vst v63  }
0x2b5: {  	s1 =	simm.s32 $0xE800  }
0x2b6: {  	[tilespmem:s1], [sflag:$0x4] =	stream.indirect_vreg.gather [hbm4b:s13+s19], $0x80, v2, vm0, $0xb8;
	[tilespmem:$0x19000] =	vst v63  }
0x2b7: {  	s1 =	simm.s32 $0xF000  }
0x2b8: {  	[tilespmem:s1], [sflag:$0x4] =	stream.indirect_vreg.gather [hbm4b:s14+s19], $0x80, v2, vm0, $0xb8;
	[tilespmem:$0x19000] =	vst v63  }
0x2b9: {  	s1 =	simm.s32 $0xF800  }
0x2ba: {  	[tilespmem:s1], [sflag:$0x4] =	stream.indirect_vreg.gather [hbm4b:s15+s19], $0x80, v2, vm0, $0xb8;
	[tilespmem:$0x19000] =	vst v63  }
0x2bb: {  	s1 =	simm.s32 $0x10000  }
0x2bc: {  	[tilespmem:s1], [sflag:$0x4] =	stream.indirect_vreg.gather [hbm4b:s16+s19], $0x80, v2, vm0, $0xb8;
	[tilespmem:$0x19000] =	vst v63  }
0x2bd: {  	s1 =	simm.s32 $0x10800  }
0x2be: {  	[tilespmem:s1], [sflag:$0x4] =	stream.indirect_vreg.gather [hbm4b:s17+s19], $0x80, v2, vm0, $0xb8;
	[tilespmem:$0x19000] =	vst v63  }
0x2bf: {  	s20 =	simm.s32 $0x400  }
0x2c0: {  	[tilespmem:s20], [sflag:$0xA] =	stream.indirect.gather [hbm4b:s8+s3], $0x80, s18, s3, $0xb8;
	[tilespmem:$0x19000] =	vst v63  }
0x2c1: {  	_ =	swait.ge [sflag:s29], $0x4000  }
0x2c2: {  	[sflag:s29] =	ssyncset.done $0x0  }
0x2c3: {  	[sflag:s29] =	ssyncadd.s32 $0xFFFFC000  }
0x2c4: {  	_ =	swait.ge [sflag:s30], $0x4000  }
0x2c5: {  	[sflag:s30] =	ssyncset.done $0x0  }
0x2c6: {  	[sflag:s30] =	ssyncadd.s32 $0xFFFFC000  }
0x2c7: {  	_ =	swait.ge [sflag:s31], $0x400  }
0x2c8: {  	[sflag:s31] =	ssyncset.done $0x0  }
0x2c9: {  	[sflag:s31] =	ssyncadd.s32 $0xFFFFFC00  }
0x2ca: {  	s18 =	simm.s32 $0x0;
	v2 =	vld [tilespmem:$0xC00]  }
0x2cb: {  	v3 =	vld [tilespmem:s18+$0x15070]  }
0x2cc: {  	v4 =	vld [tilespmem:s18+$0x15000]  }
0x2cd: {  	v5 =	vld [tilespmem:s18+$0x15010]  }
0x2ce: {  	v6 =	vld [tilespmem:s18+$0x15020]  }
0x2cf: {  	v7 =	vld [tilespmem:s18+$0x15030]  }
0x2d0: {  	v9 =	vld [tilespmem:s18+$0x15050];
	v3 =	vmul.f32 v3, v2  }
0x2d1: {  	v8 =	vld [tilespmem:s18+$0x15040]  }
0x2d2: {  	v4 =	vmul.f32 v4, v2;
	[tilespmem:s18+$0x9070] =	vst.add.f32.msk $0xffff, v3  }
0x2d3: {  	v6 =	vmul.f32 v6, v2;
	v3 =	vmul.f32 v5, v2;
	v5 =	vld [tilespmem:s18+$0x15060]  }
0x2d4: {  	[tilespmem:s18+$0x9000] =	vst.add.f32.msk $0xffff, v4  }
0x2d5: {  	v63 =	vmul.f32 v9, v2;
	[tilespmem:s18+$0x9020] =	vst.add.f32.msk $0xffff, v6  }
0x2d6: {  	[tilespmem:s18+$0x9010] =	vst.add.f32.msk $0xffff, v3;
	v3 =	vmul.f32 v8, v2  }
0x2d7: {  	v4 =	vmul.f32 v7, v2;
	[tilespmem:s18+$0x9050] =	vst.add.f32.msk $0xffff, v63  }
0x2d8: {  	[tilespmem:s18+$0x9040] =	vst.add.f32.msk $0xffff, v3;
	v3 =	vmul.f32 v5, v2  }
0x2d9: {  	s19 =	simm.s32 $0x0;
	s20 =	simm.s32 $0x1000;
	[tilespmem:s18+$0x9030] =	vst.add.f32.msk $0xffff, v4  }
.LBB2_37:
0x2da: {  	s19 =	sadd.s32 $0x8, s19;
	[tilespmem:s18+$0x9060] =	vst.add.f32.msk $0xffff, v3;
	s18 =	sshra.s32 s20, $0x2  }
0x2db: {  	v3 =	vld [tilespmem:s18+$0x15070];
	p0 =	slt.u32 s19, $0x78  }
0x2dc: {  	v4 =	vld [tilespmem:s18+$0x15000]  }
0x2dd: {  	v5 =	vld [tilespmem:s18+$0x15010]  }
0x2de: {  	v6 =	vld [tilespmem:s18+$0x15020]  }
0x2df: {  	v7 =	vld [tilespmem:s18+$0x15030]  }
0x2e0: {  	v8 =	vld [tilespmem:s18+$0x15040];
	v3 =	vmul.f32 v3, v2  }
0x2e1: {  	v4 =	vmul.f32 v4, v2;
	v9 =	vld [tilespmem:s18+$0x15050]  }
0x2e2: {  	v5 =	vmul.f32 v5, v2;
	[tilespmem:s18+$0x9070] =	vst.add.f32.msk $0xffff, v3  }
0x2e3: {  	v3 =	vmul.f32 v6, v2;
	v6 =	vld [tilespmem:s18+$0x15060]  }
0x2e4: {  	[tilespmem:s18+$0x9000] =	vst.add.f32.msk $0xffff, v4;
	v4 =	vmul.f32 v7, v2  }
.Ltmp17:
0x2e5: {  	[tilespmem:s18+$0x9010] =	vst.add.f32.msk $0xffff, v5;
	v5 =	vmul.f32 v8, v2;
	(pc) =	sbr.rel @p0 .LBB2_37-.Ltmp17, $4  }
0x2e6: {  	[tilespmem:s18+$0x9020] =	vst.add.f32.msk $0xffff, v3;
	v7 =	vmul.f32 v9, v2  }
0x2e7: {  	[tilespmem:s18+$0x9030] =	vst.add.f32.msk $0xffff, v4  }
0x2e8: {  	[tilespmem:s18+$0x9040] =	vst.add.f32.msk $0xffff, v5;
	v3 =	vmul.f32 v6, v2  }
0x2e9: {  	s20 =	sadd.s32 $0x1000, s20;
	[tilespmem:s18+$0x9050] =	vst.add.f32.msk $0xffff, v7  }
0x2ea: {  	[tilespmem:s18+$0x9060] =	vst.add.f32.msk $0xffff, v3  }
0x2eb: {  	s18 =	simm.s32 $0x0;
	v2 =	vld [tilespmem:$0xC80]  }
0x2ec: {  	v3 =	vld [tilespmem:s18+$0x150F0]  }
0x2ed: {  	v4 =	vld [tilespmem:s18+$0x15080]  }
0x2ee: {  	v5 =	vld [tilespmem:s18+$0x15090]  }
0x2ef: {  	v6 =	vld [tilespmem:s18+$0x150A0]  }
0x2f0: {  	v7 =	vld [tilespmem:s18+$0x150B0]  }
0x2f1: {  	v9 =	vld [tilespmem:s18+$0x150D0];
	v3 =	vmul.f32 v3, v2  }
0x2f2: {  	v8 =	vld [tilespmem:s18+$0x150C0]  }
0x2f3: {  	v4 =	vmul.f32 v4, v2;
	[tilespmem:s18+$0x90F0] =	vst.add.f32.msk $0xffff, v3  }
0x2f4: {  	v6 =	vmul.f32 v6, v2;
	v3 =	vmul.f32 v5, v2;
	v5 =	vld [tilespmem:s18+$0x150E0]  }
0x2f5: {  	[tilespmem:s18+$0x9080] =	vst.add.f32.msk $0xffff, v4  }
0x2f6: {  	v63 =	vmul.f32 v9, v2;
	[tilespmem:s18+$0x90A0] =	vst.add.f32.msk $0xffff, v6  }
0x2f7: {  	[tilespmem:s18+$0x9090] =	vst.add.f32.msk $0xffff, v3;
	v3 =	vmul.f32 v8, v2  }
0x2f8: {  	v4 =	vmul.f32 v7, v2;
	[tilespmem:s18+$0x90D0] =	vst.add.f32.msk $0xffff, v63  }
0x2f9: {  	[tilespmem:s18+$0x90C0] =	vst.add.f32.msk $0xffff, v3;
	v3 =	vmul.f32 v5, v2  }
0x2fa: {  	s19 =	simm.s32 $0x0;
	s20 =	simm.s32 $0x1000;
	[tilespmem:s18+$0x90B0] =	vst.add.f32.msk $0xffff, v4  }
.LBB2_39:
0x2fb: {  	s19 =	sadd.s32 $0x8, s19;
	[tilespmem:s18+$0x90E0] =	vst.add.f32.msk $0xffff, v3;
	s18 =	sshra.s32 s20, $0x2  }
0x2fc: {  	v3 =	vld [tilespmem:s18+$0x150F0];
	p0 =	slt.u32 s19, $0x78  }
0x2fd: {  	v4 =	vld [tilespmem:s18+$0x15080]  }
0x2fe: {  	v5 =	vld [tilespmem:s18+$0x15090]  }
0x2ff: {  	v6 =	vld [tilespmem:s18+$0x150A0]  }
0x300: {  	v7 =	vld [tilespmem:s18+$0x150B0]  }
0x301: {  	v8 =	vld [tilespmem:s18+$0x150C0];
	v3 =	vmul.f32 v3, v2  }
0x302: {  	v4 =	vmul.f32 v4, v2;
	v9 =	vld [tilespmem:s18+$0x150D0]  }
0x303: {  	v5 =	vmul.f32 v5, v2;
	[tilespmem:s18+$0x90F0] =	vst.add.f32.msk $0xffff, v3  }
0x304: {  	v3 =	vmul.f32 v6, v2;
	v6 =	vld [tilespmem:s18+$0x150E0]  }
0x305: {  	[tilespmem:s18+$0x9080] =	vst.add.f32.msk $0xffff, v4;
	v4 =	vmul.f32 v7, v2  }
.Ltmp18:
0x306: {  	[tilespmem:s18+$0x9090] =	vst.add.f32.msk $0xffff, v5;
	v5 =	vmul.f32 v8, v2;
	(pc) =	sbr.rel @p0 .LBB2_39-.Ltmp18, $4  }
0x307: {  	[tilespmem:s18+$0x90A0] =	vst.add.f32.msk $0xffff, v3;
	v7 =	vmul.f32 v9, v2  }
0x308: {  	[tilespmem:s18+$0x90B0] =	vst.add.f32.msk $0xffff, v4  }
0x309: {  	[tilespmem:s18+$0x90C0] =	vst.add.f32.msk $0xffff, v5;
	v3 =	vmul.f32 v6, v2  }
0x30a: {  	s20 =	sadd.s32 $0x1000, s20;
	[tilespmem:s18+$0x90D0] =	vst.add.f32.msk $0xffff, v7  }
0x30b: {  	[tilespmem:s18+$0x90E0] =	vst.add.f32.msk $0xffff, v3  }
0x30c: {  	s18 =	simm.s32 $0x0;
	v2 =	vld [tilespmem:$0xD00]  }
0x30d: {  	v3 =	vld [tilespmem:s18+$0x15170]  }
0x30e: {  	v4 =	vld [tilespmem:s18+$0x15100]  }
0x30f: {  	v5 =	vld [tilespmem:s18+$0x15110]  }
0x310: {  	v6 =	vld [tilespmem:s18+$0x15120]  }
0x311: {  	v7 =	vld [tilespmem:s18+$0x15130]  }
0x312: {  	v9 =	vld [tilespmem:s18+$0x15150];
	v3 =	vmul.f32 v3, v2  }
0x313: {  	v8 =	vld [tilespmem:s18+$0x15140]  }
0x314: {  	v4 =	vmul.f32 v4, v2;
	[tilespmem:s18+$0x9170] =	vst.add.f32.msk $0xffff, v3  }
0x315: {  	v6 =	vmul.f32 v6, v2;
	v3 =	vmul.f32 v5, v2;
	v5 =	vld [tilespmem:s18+$0x15160]  }
0x316: {  	[tilespmem:s18+$0x9100] =	vst.add.f32.msk $0xffff, v4  }
0x317: {  	v63 =	vmul.f32 v9, v2;
	[tilespmem:s18+$0x9120] =	vst.add.f32.msk $0xffff, v6  }
0x318: {  	[tilespmem:s18+$0x9110] =	vst.add.f32.msk $0xffff, v3;
	v3 =	vmul.f32 v8, v2  }
0x319: {  	v4 =	vmul.f32 v7, v2;
	[tilespmem:s18+$0x9150] =	vst.add.f32.msk $0xffff, v63  }
0x31a: {  	[tilespmem:s18+$0x9140] =	vst.add.f32.msk $0xffff, v3;
	v3 =	vmul.f32 v5, v2  }
0x31b: {  	s19 =	simm.s32 $0x0;
	s20 =	simm.s32 $0x1000;
	[tilespmem:s18+$0x9130] =	vst.add.f32.msk $0xffff, v4  }
.LBB2_41:
0x31c: {  	s19 =	sadd.s32 $0x8, s19;
	[tilespmem:s18+$0x9160] =	vst.add.f32.msk $0xffff, v3;
	s18 =	sshra.s32 s20, $0x2  }
0x31d: {  	v3 =	vld [tilespmem:s18+$0x15170];
	p0 =	slt.u32 s19, $0x78  }
0x31e: {  	v4 =	vld [tilespmem:s18+$0x15100]  }
0x31f: {  	v5 =	vld [tilespmem:s18+$0x15110]  }
0x320: {  	v6 =	vld [tilespmem:s18+$0x15120]  }
0x321: {  	v7 =	vld [tilespmem:s18+$0x15130]  }
0x322: {  	v8 =	vld [tilespmem:s18+$0x15140];
	v3 =	vmul.f32 v3, v2  }
0x323: {  	v4 =	vmul.f32 v4, v2;
	v9 =	vld [tilespmem:s18+$0x15150]  }
0x324: {  	v5 =	vmul.f32 v5, v2;
	[tilespmem:s18+$0x9170] =	vst.add.f32.msk $0xffff, v3  }
0x325: {  	v3 =	vmul.f32 v6, v2;
	v6 =	vld [tilespmem:s18+$0x15160]  }
0x326: {  	[tilespmem:s18+$0x9100] =	vst.add.f32.msk $0xffff, v4;
	v4 =	vmul.f32 v7, v2  }
.Ltmp19:
0x327: {  	[tilespmem:s18+$0x9110] =	vst.add.f32.msk $0xffff, v5;
	v5 =	vmul.f32 v8, v2;
	(pc) =	sbr.rel @p0 .LBB2_41-.Ltmp19, $4  }
0x328: {  	[tilespmem:s18+$0x9120] =	vst.add.f32.msk $0xffff, v3;
	v7 =	vmul.f32 v9, v2  }
0x329: {  	[tilespmem:s18+$0x9130] =	vst.add.f32.msk $0xffff, v4  }
0x32a: {  	[tilespmem:s18+$0x9140] =	vst.add.f32.msk $0xffff, v5;
	v3 =	vmul.f32 v6, v2  }
0x32b: {  	s20 =	sadd.s32 $0x1000, s20;
	[tilespmem:s18+$0x9150] =	vst.add.f32.msk $0xffff, v7  }
0x32c: {  	[tilespmem:s18+$0x9160] =	vst.add.f32.msk $0xffff, v3  }
0x32d: {  	s18 =	simm.s32 $0x0;
	v2 =	vld [tilespmem:$0xD80]  }
0x32e: {  	v3 =	vld [tilespmem:s18+$0x151F0]  }
0x32f: {  	v4 =	vld [tilespmem:s18+$0x15180]  }
0x330: {  	v5 =	vld [tilespmem:s18+$0x15190]  }
0x331: {  	v6 =	vld [tilespmem:s18+$0x151A0]  }
0x332: {  	v7 =	vld [tilespmem:s18+$0x151B0]  }
0x333: {  	v9 =	vld [tilespmem:s18+$0x151D0];
	v3 =	vmul.f32 v3, v2  }
0x334: {  	v8 =	vld [tilespmem:s18+$0x151C0]  }
0x335: {  	v4 =	vmul.f32 v4, v2;
	[tilespmem:s18+$0x91F0] =	vst.add.f32.msk $0xffff, v3  }
0x336: {  	v6 =	vmul.f32 v6, v2;
	v3 =	vmul.f32 v5, v2;
	v5 =	vld [tilespmem:s18+$0x151E0]  }
0x337: {  	[tilespmem:s18+$0x9180] =	vst.add.f32.msk $0xffff, v4  }
0x338: {  	v63 =	vmul.f32 v9, v2;
	[tilespmem:s18+$0x91A0] =	vst.add.f32.msk $0xffff, v6  }
0x339: {  	[tilespmem:s18+$0x9190] =	vst.add.f32.msk $0xffff, v3;
	v3 =	vmul.f32 v8, v2  }
0x33a: {  	v4 =	vmul.f32 v7, v2;
	[tilespmem:s18+$0x91D0] =	vst.add.f32.msk $0xffff, v63  }
0x33b: {  	[tilespmem:s18+$0x91C0] =	vst.add.f32.msk $0xffff, v3;
	v3 =	vmul.f32 v5, v2  }
0x33c: {  	s19 =	simm.s32 $0x0;
	s20 =	simm.s32 $0x1000;
	[tilespmem:s18+$0x91B0] =	vst.add.f32.msk $0xffff, v4  }
.LBB2_43:
0x33d: {  	s19 =	sadd.s32 $0x8, s19;
	[tilespmem:s18+$0x91E0] =	vst.add.f32.msk $0xffff, v3;
	s18 =	sshra.s32 s20, $0x2  }
0x33e: {  	v3 =	vld [tilespmem:s18+$0x151F0];
	p0 =	slt.u32 s19, $0x78  }
0x33f: {  	v4 =	vld [tilespmem:s18+$0x15180]  }
0x340: {  	v5 =	vld [tilespmem:s18+$0x15190]  }
0x341: {  	v6 =	vld [tilespmem:s18+$0x151A0]  }
0x342: {  	v7 =	vld [tilespmem:s18+$0x151B0]  }
0x343: {  	v8 =	vld [tilespmem:s18+$0x151C0];
	v3 =	vmul.f32 v3, v2  }
0x344: {  	v4 =	vmul.f32 v4, v2;
	v9 =	vld [tilespmem:s18+$0x151D0]  }
0x345: {  	v5 =	vmul.f32 v5, v2;
	[tilespmem:s18+$0x91F0] =	vst.add.f32.msk $0xffff, v3  }
0x346: {  	v3 =	vmul.f32 v6, v2;
	v6 =	vld [tilespmem:s18+$0x151E0]  }
0x347: {  	[tilespmem:s18+$0x9180] =	vst.add.f32.msk $0xffff, v4;
	v4 =	vmul.f32 v7, v2  }
.Ltmp20:
0x348: {  	[tilespmem:s18+$0x9190] =	vst.add.f32.msk $0xffff, v5;
	v5 =	vmul.f32 v8, v2;
	(pc) =	sbr.rel @p0 .LBB2_43-.Ltmp20, $4  }
0x349: {  	[tilespmem:s18+$0x91A0] =	vst.add.f32.msk $0xffff, v3;
	v7 =	vmul.f32 v9, v2  }
0x34a: {  	[tilespmem:s18+$0x91B0] =	vst.add.f32.msk $0xffff, v4  }
0x34b: {  	[tilespmem:s18+$0x91C0] =	vst.add.f32.msk $0xffff, v5;
	v3 =	vmul.f32 v6, v2  }
0x34c: {  	s20 =	sadd.s32 $0x1000, s20;
	[tilespmem:s18+$0x91D0] =	vst.add.f32.msk $0xffff, v7  }
0x34d: {  	[tilespmem:s18+$0x91E0] =	vst.add.f32.msk $0xffff, v3  }
0x34e: {  	s18 =	simm.s32 $0x0;
	v2 =	vld [tilespmem:$0xE00]  }
0x34f: {  	v3 =	vld [tilespmem:s18+$0x15270]  }
0x350: {  	v4 =	vld [tilespmem:s18+$0x15200]  }
0x351: {  	v5 =	vld [tilespmem:s18+$0x15210]  }
0x352: {  	v6 =	vld [tilespmem:s18+$0x15220]  }
0x353: {  	v7 =	vld [tilespmem:s18+$0x15230]  }
0x354: {  	v9 =	vld [tilespmem:s18+$0x15250];
	v3 =	vmul.f32 v3, v2  }
0x355: {  	v8 =	vld [tilespmem:s18+$0x15240]  }
0x356: {  	v4 =	vmul.f32 v4, v2;
	[tilespmem:s18+$0x9270] =	vst.add.f32.msk $0xffff, v3  }
0x357: {  	v6 =	vmul.f32 v6, v2;
	v3 =	vmul.f32 v5, v2;
	v5 =	vld [tilespmem:s18+$0x15260]  }
0x358: {  	[tilespmem:s18+$0x9200] =	vst.add.f32.msk $0xffff, v4  }
0x359: {  	v63 =	vmul.f32 v9, v2;
	[tilespmem:s18+$0x9220] =	vst.add.f32.msk $0xffff, v6  }
0x35a: {  	[tilespmem:s18+$0x9210] =	vst.add.f32.msk $0xffff, v3;
	v3 =	vmul.f32 v8, v2  }
0x35b: {  	v4 =	vmul.f32 v7, v2;
	[tilespmem:s18+$0x9250] =	vst.add.f32.msk $0xffff, v63  }
0x35c: {  	[tilespmem:s18+$0x9240] =	vst.add.f32.msk $0xffff, v3;
	v3 =	vmul.f32 v5, v2  }
0x35d: {  	s19 =	simm.s32 $0x0;
	s20 =	simm.s32 $0x1000;
	[tilespmem:s18+$0x9230] =	vst.add.f32.msk $0xffff, v4  }
.LBB2_45:
0x35e: {  	s19 =	sadd.s32 $0x8, s19;
	[tilespmem:s18+$0x9260] =	vst.add.f32.msk $0xffff, v3;
	s18 =	sshra.s32 s20, $0x2  }
0x35f: {  	v3 =	vld [tilespmem:s18+$0x15270];
	p0 =	slt.u32 s19, $0x78  }
0x360: {  	v4 =	vld [tilespmem:s18+$0x15200]  }
0x361: {  	v5 =	vld [tilespmem:s18+$0x15210]  }
0x362: {  	v6 =	vld [tilespmem:s18+$0x15220]  }
0x363: {  	v7 =	vld [tilespmem:s18+$0x15230]  }
0x364: {  	v8 =	vld [tilespmem:s18+$0x15240];
	v3 =	vmul.f32 v3, v2  }
0x365: {  	v4 =	vmul.f32 v4, v2;
	v9 =	vld [tilespmem:s18+$0x15250]  }
0x366: {  	v5 =	vmul.f32 v5, v2;
	[tilespmem:s18+$0x9270] =	vst.add.f32.msk $0xffff, v3  }
0x367: {  	v3 =	vmul.f32 v6, v2;
	v6 =	vld [tilespmem:s18+$0x15260]  }
0x368: {  	[tilespmem:s18+$0x9200] =	vst.add.f32.msk $0xffff, v4;
	v4 =	vmul.f32 v7, v2  }
.Ltmp21:
0x369: {  	[tilespmem:s18+$0x9210] =	vst.add.f32.msk $0xffff, v5;
	v5 =	vmul.f32 v8, v2;
	(pc) =	sbr.rel @p0 .LBB2_45-.Ltmp21, $4  }
0x36a: {  	[tilespmem:s18+$0x9220] =	vst.add.f32.msk $0xffff, v3;
	v7 =	vmul.f32 v9, v2  }
0x36b: {  	[tilespmem:s18+$0x9230] =	vst.add.f32.msk $0xffff, v4  }
0x36c: {  	[tilespmem:s18+$0x9240] =	vst.add.f32.msk $0xffff, v5;
	v3 =	vmul.f32 v6, v2  }
0x36d: {  	s20 =	sadd.s32 $0x1000, s20;
	[tilespmem:s18+$0x9250] =	vst.add.f32.msk $0xffff, v7  }
0x36e: {  	[tilespmem:s18+$0x9260] =	vst.add.f32.msk $0xffff, v3  }
0x36f: {  	s18 =	simm.s32 $0x0;
	v2 =	vld [tilespmem:$0xE80]  }
0x370: {  	v3 =	vld [tilespmem:s18+$0x152F0]  }
0x371: {  	v4 =	vld [tilespmem:s18+$0x15280]  }
0x372: {  	v5 =	vld [tilespmem:s18+$0x15290]  }
0x373: {  	v6 =	vld [tilespmem:s18+$0x152A0]  }
0x374: {  	v7 =	vld [tilespmem:s18+$0x152B0]  }
0x375: {  	v9 =	vld [tilespmem:s18+$0x152D0];
	v3 =	vmul.f32 v3, v2  }
0x376: {  	v8 =	vld [tilespmem:s18+$0x152C0]  }
0x377: {  	v4 =	vmul.f32 v4, v2;
	[tilespmem:s18+$0x92F0] =	vst.add.f32.msk $0xffff, v3  }
0x378: {  	v6 =	vmul.f32 v6, v2;
	v3 =	vmul.f32 v5, v2;
	v5 =	vld [tilespmem:s18+$0x152E0]  }
0x379: {  	[tilespmem:s18+$0x9280] =	vst.add.f32.msk $0xffff, v4  }
0x37a: {  	v63 =	vmul.f32 v9, v2;
	[tilespmem:s18+$0x92A0] =	vst.add.f32.msk $0xffff, v6  }
0x37b: {  	[tilespmem:s18+$0x9290] =	vst.add.f32.msk $0xffff, v3;
	v3 =	vmul.f32 v8, v2  }
0x37c: {  	v4 =	vmul.f32 v7, v2;
	[tilespmem:s18+$0x92D0] =	vst.add.f32.msk $0xffff, v63  }
0x37d: {  	[tilespmem:s18+$0x92C0] =	vst.add.f32.msk $0xffff, v3;
	v3 =	vmul.f32 v5, v2  }
0x37e: {  	s19 =	simm.s32 $0x0;
	s20 =	simm.s32 $0x1000;
	[tilespmem:s18+$0x92B0] =	vst.add.f32.msk $0xffff, v4  }
.LBB2_47:
0x37f: {  	s19 =	sadd.s32 $0x8, s19;
	[tilespmem:s18+$0x92E0] =	vst.add.f32.msk $0xffff, v3;
	s18 =	sshra.s32 s20, $0x2  }
0x380: {  	v3 =	vld [tilespmem:s18+$0x152F0];
	p0 =	slt.u32 s19, $0x78  }
0x381: {  	v4 =	vld [tilespmem:s18+$0x15280]  }
0x382: {  	v5 =	vld [tilespmem:s18+$0x15290]  }
0x383: {  	v6 =	vld [tilespmem:s18+$0x152A0]  }
0x384: {  	v7 =	vld [tilespmem:s18+$0x152B0]  }
0x385: {  	v8 =	vld [tilespmem:s18+$0x152C0];
	v3 =	vmul.f32 v3, v2  }
0x386: {  	v4 =	vmul.f32 v4, v2;
	v9 =	vld [tilespmem:s18+$0x152D0]  }
0x387: {  	v5 =	vmul.f32 v5, v2;
	[tilespmem:s18+$0x92F0] =	vst.add.f32.msk $0xffff, v3  }
0x388: {  	v3 =	vmul.f32 v6, v2;
	v6 =	vld [tilespmem:s18+$0x152E0]  }
0x389: {  	[tilespmem:s18+$0x9280] =	vst.add.f32.msk $0xffff, v4;
	v4 =	vmul.f32 v7, v2  }
.Ltmp22:
0x38a: {  	[tilespmem:s18+$0x9290] =	vst.add.f32.msk $0xffff, v5;
	v5 =	vmul.f32 v8, v2;
	(pc) =	sbr.rel @p0 .LBB2_47-.Ltmp22, $4  }
0x38b: {  	[tilespmem:s18+$0x92A0] =	vst.add.f32.msk $0xffff, v3;
	v7 =	vmul.f32 v9, v2  }
0x38c: {  	[tilespmem:s18+$0x92B0] =	vst.add.f32.msk $0xffff, v4  }
0x38d: {  	[tilespmem:s18+$0x92C0] =	vst.add.f32.msk $0xffff, v5;
	v3 =	vmul.f32 v6, v2  }
0x38e: {  	s20 =	sadd.s32 $0x1000, s20;
	[tilespmem:s18+$0x92D0] =	vst.add.f32.msk $0xffff, v7  }
0x38f: {  	[tilespmem:s18+$0x92E0] =	vst.add.f32.msk $0xffff, v3  }
0x390: {  	s18 =	simm.s32 $0x0;
	v2 =	vld [tilespmem:$0xF00]  }
0x391: {  	v3 =	vld [tilespmem:s18+$0x15370]  }
0x392: {  	v4 =	vld [tilespmem:s18+$0x15300]  }
0x393: {  	v5 =	vld [tilespmem:s18+$0x15310]  }
0x394: {  	v6 =	vld [tilespmem:s18+$0x15320]  }
0x395: {  	v7 =	vld [tilespmem:s18+$0x15330]  }
0x396: {  	v9 =	vld [tilespmem:s18+$0x15350];
	v3 =	vmul.f32 v3, v2  }
0x397: {  	v8 =	vld [tilespmem:s18+$0x15340]  }
0x398: {  	v4 =	vmul.f32 v4, v2;
	[tilespmem:s18+$0x9370] =	vst.add.f32.msk $0xffff, v3  }
0x399: {  	v6 =	vmul.f32 v6, v2;
	v3 =	vmul.f32 v5, v2;
	v5 =	vld [tilespmem:s18+$0x15360]  }
0x39a: {  	[tilespmem:s18+$0x9300] =	vst.add.f32.msk $0xffff, v4  }
0x39b: {  	v63 =	vmul.f32 v9, v2;
	[tilespmem:s18+$0x9320] =	vst.add.f32.msk $0xffff, v6  }
0x39c: {  	[tilespmem:s18+$0x9310] =	vst.add.f32.msk $0xffff, v3;
	v3 =	vmul.f32 v8, v2  }
0x39d: {  	v4 =	vmul.f32 v7, v2;
	[tilespmem:s18+$0x9350] =	vst.add.f32.msk $0xffff, v63  }
0x39e: {  	[tilespmem:s18+$0x9340] =	vst.add.f32.msk $0xffff, v3;
	v3 =	vmul.f32 v5, v2  }
0x39f: {  	s19 =	simm.s32 $0x0;
	s20 =	simm.s32 $0x1000;
	[tilespmem:s18+$0x9330] =	vst.add.f32.msk $0xffff, v4  }
.LBB2_49:
0x3a0: {  	s19 =	sadd.s32 $0x8, s19;
	[tilespmem:s18+$0x9360] =	vst.add.f32.msk $0xffff, v3;
	s18 =	sshra.s32 s20, $0x2  }
0x3a1: {  	v3 =	vld [tilespmem:s18+$0x15370];
	p0 =	slt.u32 s19, $0x78  }
0x3a2: {  	v4 =	vld [tilespmem:s18+$0x15300]  }
0x3a3: {  	v5 =	vld [tilespmem:s18+$0x15310]  }
0x3a4: {  	v6 =	vld [tilespmem:s18+$0x15320]  }
0x3a5: {  	v7 =	vld [tilespmem:s18+$0x15330]  }
0x3a6: {  	v8 =	vld [tilespmem:s18+$0x15340];
	v3 =	vmul.f32 v3, v2  }
0x3a7: {  	v4 =	vmul.f32 v4, v2;
	v9 =	vld [tilespmem:s18+$0x15350]  }
0x3a8: {  	v5 =	vmul.f32 v5, v2;
	[tilespmem:s18+$0x9370] =	vst.add.f32.msk $0xffff, v3  }
0x3a9: {  	v3 =	vmul.f32 v6, v2;
	v6 =	vld [tilespmem:s18+$0x15360]  }
0x3aa: {  	[tilespmem:s18+$0x9300] =	vst.add.f32.msk $0xffff, v4;
	v4 =	vmul.f32 v7, v2  }
.Ltmp23:
0x3ab: {  	[tilespmem:s18+$0x9310] =	vst.add.f32.msk $0xffff, v5;
	v5 =	vmul.f32 v8, v2;
	(pc) =	sbr.rel @p0 .LBB2_49-.Ltmp23, $4  }
0x3ac: {  	[tilespmem:s18+$0x9320] =	vst.add.f32.msk $0xffff, v3;
	v7 =	vmul.f32 v9, v2  }
0x3ad: {  	[tilespmem:s18+$0x9330] =	vst.add.f32.msk $0xffff, v4  }
0x3ae: {  	[tilespmem:s18+$0x9340] =	vst.add.f32.msk $0xffff, v5;
	v3 =	vmul.f32 v6, v2  }
0x3af: {  	s20 =	sadd.s32 $0x1000, s20;
	[tilespmem:s18+$0x9350] =	vst.add.f32.msk $0xffff, v7  }
0x3b0: {  	[tilespmem:s18+$0x9360] =	vst.add.f32.msk $0xffff, v3  }
0x3b1: {  	s18 =	simm.s32 $0x0;
	v2 =	vld [tilespmem:$0xF80]  }
0x3b2: {  	v3 =	vld [tilespmem:s18+$0x153F0]  }
0x3b3: {  	v4 =	vld [tilespmem:s18+$0x15380]  }
0x3b4: {  	v5 =	vld [tilespmem:s18+$0x15390]  }
0x3b5: {  	v6 =	vld [tilespmem:s18+$0x153A0]  }
0x3b6: {  	v7 =	vld [tilespmem:s18+$0x153B0]  }
0x3b7: {  	v9 =	vld [tilespmem:s18+$0x153D0];
	v3 =	vmul.f32 v3, v2  }
0x3b8: {  	v8 =	vld [tilespmem:s18+$0x153C0]  }
0x3b9: {  	v4 =	vmul.f32 v4, v2;
	[tilespmem:s18+$0x93F0] =	vst.add.f32.msk $0xffff, v3  }
0x3ba: {  	v6 =	vmul.f32 v6, v2;
	v3 =	vmul.f32 v5, v2;
	v5 =	vld [tilespmem:s18+$0x153E0]  }
0x3bb: {  	[tilespmem:s18+$0x9380] =	vst.add.f32.msk $0xffff, v4  }
0x3bc: {  	v63 =	vmul.f32 v9, v2;
	[tilespmem:s18+$0x93A0] =	vst.add.f32.msk $0xffff, v6  }
0x3bd: {  	[tilespmem:s18+$0x9390] =	vst.add.f32.msk $0xffff, v3;
	v3 =	vmul.f32 v8, v2  }
0x3be: {  	v4 =	vmul.f32 v7, v2;
	[tilespmem:s18+$0x93D0] =	vst.add.f32.msk $0xffff, v63  }
0x3bf: {  	[tilespmem:s18+$0x93C0] =	vst.add.f32.msk $0xffff, v3;
	v3 =	vmul.f32 v5, v2  }
0x3c0: {  	s19 =	simm.s32 $0x0;
	s20 =	simm.s32 $0x1000;
	[tilespmem:s18+$0x93B0] =	vst.add.f32.msk $0xffff, v4  }
.LBB2_51:
0x3c1: {  	s19 =	sadd.s32 $0x8, s19;
	[tilespmem:s18+$0x93E0] =	vst.add.f32.msk $0xffff, v3;
	s18 =	sshra.s32 s20, $0x2  }
0x3c2: {  	v3 =	vld [tilespmem:s18+$0x153F0];
	p0 =	slt.u32 s19, $0x78  }
0x3c3: {  	v4 =	vld [tilespmem:s18+$0x15380]  }
0x3c4: {  	v5 =	vld [tilespmem:s18+$0x15390]  }
0x3c5: {  	v6 =	vld [tilespmem:s18+$0x153A0]  }
0x3c6: {  	v7 =	vld [tilespmem:s18+$0x153B0]  }
0x3c7: {  	v8 =	vld [tilespmem:s18+$0x153C0];
	v3 =	vmul.f32 v3, v2  }
0x3c8: {  	v4 =	vmul.f32 v4, v2;
	v9 =	vld [tilespmem:s18+$0x153D0]  }
0x3c9: {  	v5 =	vmul.f32 v5, v2;
	[tilespmem:s18+$0x93F0] =	vst.add.f32.msk $0xffff, v3  }
0x3ca: {  	v3 =	vmul.f32 v6, v2;
	v6 =	vld [tilespmem:s18+$0x153E0]  }
0x3cb: {  	[tilespmem:s18+$0x9380] =	vst.add.f32.msk $0xffff, v4;
	v4 =	vmul.f32 v7, v2  }
.Ltmp24:
0x3cc: {  	[tilespmem:s18+$0x9390] =	vst.add.f32.msk $0xffff, v5;
	v5 =	vmul.f32 v8, v2;
	(pc) =	sbr.rel @p0 .LBB2_51-.Ltmp24, $4  }
0x3cd: {  	[tilespmem:s18+$0x93A0] =	vst.add.f32.msk $0xffff, v3;
	v7 =	vmul.f32 v9, v2  }
0x3ce: {  	[tilespmem:s18+$0x93B0] =	vst.add.f32.msk $0xffff, v4  }
0x3cf: {  	[tilespmem:s18+$0x93C0] =	vst.add.f32.msk $0xffff, v5;
	v3 =	vmul.f32 v6, v2  }
0x3d0: {  	s20 =	sadd.s32 $0x1000, s20;
	[tilespmem:s18+$0x93D0] =	vst.add.f32.msk $0xffff, v7  }
0x3d1: {  	p0 =	seq.s32 s0, $0x14  }
.Ltmp25:
0x3d2: {  	s19 =	rddreg [dreg:$0x5];
	(pc) =	sbr.rel @p0 .LBB2_54-.Ltmp25, $4  }
0x3d3: {  	s7 =	sadd.s32 s19, s7  }
0x3d4: {  	s7 =	sshll.u32 s7, $0xB  }
0x3d5: {  	[tilespmem:s18+$0x93E0] =	vst.add.f32.msk $0xffff, v3;
	s1 =	simm.s32 $0x9000;
	s7 =	sadd.s32 s4, s7  }
0x3d6: {  	[hbm4b:s7+s5] =	stream.linear.scatter [tilespmem:s1], [sflag:$0x9], $0x4000, $0x38;
	[tilespmem:$0x19000] =	vst v63  }
0x3d7: {  	_ =	swait.ge [sflag:s3], $0x4000  }
0x3d8: {  	s7 =	sadd.s32 $0x20, s9;
	[sflag:s3] =	ssyncset.done $0x0  }
0x3d9: {  	s18 =	sadd.s32 s6, s7;
	[sflag:s3] =	ssyncadd.s32 $0xFFFFC000  }
0x3da: {  	s18 =	sshll.u32 s18, $0x8;
	s1 =	rddreg [dreg:$0x0]  }
0x3db: {  	s19 =	simm.s32 $0x5000;
	s18 =	sadd.s32 s1, s18  }
0x3dc: {  	[tilespmem:s19], [sflag:$0x2] =	stream.linear.gather [hbm4b:s18+s5], $0x4000, $0x38;
	[tilespmem:$0x19000] =	vst v63  }
0x3dd: {  	v2 =	vld.msk [tilespmem:s9+$0x220], $0xff;
	_ =	sdelay $0x4  }
0x3de: {  	v3 =	vshll.u32 v2, $0x4  }
0x3df: {  	v2 =	vand.u32 $0x7, v2;
	v3 =	vand.u32 $0xFFFFFF80, v3  }
0x3e0: {  	v2 =	vor.u32 v2, v3  }
0x3e1: {  	v2 =	vperm.xlane v2, v0;
	_ =	sdelay $0x1  }
0x3e2: {  	v2 =	vadd.s32 v1, v2;
	_ =	sdelay $0x3  }
0x3e3: {  	s20 =	simm.s32 $0x11000  }
0x3e4: {  	[tilespmem:s20], [sflag:$0x5] =	stream.indirect_vreg.gather [hbm4b:s2+s5], $0x80, v2, vm0, $0xb8;
	[tilespmem:$0x19000] =	vst v63  }
0x3e5: {  	s1 =	simm.s32 $0x11800  }
0x3e6: {  	[tilespmem:s1], [sflag:$0x5] =	stream.indirect_vreg.gather [hbm4b:s11+s5], $0x80, v2, vm0, $0xb8;
	[tilespmem:$0x19000] =	vst v63  }
0x3e7: {  	s18 =	simm.s32 $0x12000  }
0x3e8: {  	[tilespmem:s18], [sflag:$0x5] =	stream.indirect_vreg.gather [hbm4b:s12+s5], $0x80, v2, vm0, $0xb8;
	[tilespmem:$0x19000] =	vst v63  }
0x3e9: {  	s19 =	simm.s32 $0x12800  }
0x3ea: {  	[tilespmem:s19], [sflag:$0x5] =	stream.indirect_vreg.gather [hbm4b:s13+s5], $0x80, v2, vm0, $0xb8;
	[tilespmem:$0x19000] =	vst v63  }
0x3eb: {  	s20 =	simm.s32 $0x13000  }
0x3ec: {  	[tilespmem:s20], [sflag:$0x5] =	stream.indirect_vreg.gather [hbm4b:s14+s5], $0x80, v2, vm0, $0xb8;
	[tilespmem:$0x19000] =	vst v63  }
0x3ed: {  	s1 =	simm.s32 $0x13800  }
0x3ee: {  	[tilespmem:s1], [sflag:$0x5] =	stream.indirect_vreg.gather [hbm4b:s15+s5], $0x80, v2, vm0, $0xb8;
	[tilespmem:$0x19000] =	vst v63  }
0x3ef: {  	s18 =	simm.s32 $0x14000  }
0x3f0: {  	[tilespmem:s18], [sflag:$0x5] =	stream.indirect_vreg.gather [hbm4b:s16+s5], $0x80, v2, vm0, $0xb8;
	[tilespmem:$0x19000] =	vst v63  }
.Ltmp26:
0x3f1: {  	_ = 	snop;
	(pc) =	sbr.rel .LBB2_4-.Ltmp26, $4  }
0x3f2: {  	s19 =	simm.s32 $0x14800  }
0x3f3: {  	[tilespmem:s19], [sflag:$0x5] =	stream.indirect_vreg.gather [hbm4b:s17+s5], $0x80, v2, vm0, $0xb8;
	[tilespmem:$0x19000] =	vst v63  }
0x3f4: {  	s0 =	sadd.s32 $0x1, s0;
	s20 =	simm.s32 $0x800  }
0x3f5: {  	[tilespmem:s20], [sflag:$0xB] =	stream.indirect.gather [hbm4b:s8+s3], $0x80, s7, s3, $0xb8;
	[tilespmem:$0x19000] =	vst v63  }
.LBB2_54:
0x3f6: {  	_ =	swait.ge [sflag:s21], $0x4000  }
0x3f7: {  	[sflag:s21] =	ssyncset.done $0x0  }
0x3f8: {  	[sflag:s21] =	ssyncadd.s32 $0xFFFFC000  }
0x3f9: {  	_ =	swait.ge [sflag:s10], $0x4000  }
0x3fa: {  	[sflag:s10] =	ssyncset.done $0x0  }
0x3fb: {  	[sflag:s10] =	ssyncadd.s32 $0xFFFFC000  }
0x3fc: {  	_ =	swait.ge [sflag:s22], $0x400  }
0x3fd: {  	[sflag:s22] =	ssyncset.done $0x0  }
0x3fe: {  	[sflag:s22] =	ssyncadd.s32 $0xFFFFFC00  }
0x3ff: {  	s0 =	simm.s32 $0x0;
	v2 =	vld [tilespmem:$0x400]  }
0x400: {  	v3 =	vld [tilespmem:s0+$0xD070]  }
0x401: {  	v4 =	vld [tilespmem:s0+$0xD000]  }
0x402: {  	v5 =	vld [tilespmem:s0+$0xD010]  }
0x403: {  	v6 =	vld [tilespmem:s0+$0xD020]  }
0x404: {  	v7 =	vld [tilespmem:s0+$0xD030]  }
0x405: {  	v9 =	vld [tilespmem:s0+$0xD050];
	v3 =	vmul.f32 v3, v2  }
0x406: {  	v8 =	vld [tilespmem:s0+$0xD040]  }
0x407: {  	v4 =	vmul.f32 v4, v2;
	[tilespmem:s0+$0x1070] =	vst.add.f32.msk $0xffff, v3  }
0x408: {  	v6 =	vmul.f32 v6, v2;
	v3 =	vmul.f32 v5, v2;
	v5 =	vld [tilespmem:s0+$0xD060]  }
0x409: {  	[tilespmem:s0+$0x1000] =	vst.add.f32.msk $0xffff, v4  }
0x40a: {  	v63 =	vmul.f32 v9, v2;
	[tilespmem:s0+$0x1020] =	vst.add.f32.msk $0xffff, v6  }
0x40b: {  	[tilespmem:s0+$0x1010] =	vst.add.f32.msk $0xffff, v3;
	v3 =	vmul.f32 v8, v2  }
0x40c: {  	v4 =	vmul.f32 v7, v2;
	[tilespmem:s0+$0x1050] =	vst.add.f32.msk $0xffff, v63  }
0x40d: {  	[tilespmem:s0+$0x1040] =	vst.add.f32.msk $0xffff, v3;
	v3 =	vmul.f32 v5, v2  }
0x40e: {  	s7 =	simm.s32 $0x0;
	s9 =	simm.s32 $0x1000;
	[tilespmem:s0+$0x1030] =	vst.add.f32.msk $0xffff, v4  }
.LBB2_55:
0x40f: {  	s7 =	sadd.s32 $0x8, s7;
	[tilespmem:s0+$0x1060] =	vst.add.f32.msk $0xffff, v3;
	s0 =	sshra.s32 s9, $0x2  }
0x410: {  	v3 =	vld [tilespmem:s0+$0xD070];
	p0 =	slt.u32 s7, $0x78  }
0x411: {  	v4 =	vld [tilespmem:s0+$0xD000]  }
0x412: {  	v5 =	vld [tilespmem:s0+$0xD010]  }
0x413: {  	v6 =	vld [tilespmem:s0+$0xD020]  }
0x414: {  	v7 =	vld [tilespmem:s0+$0xD030]  }
0x415: {  	v8 =	vld [tilespmem:s0+$0xD040];
	v3 =	vmul.f32 v3, v2  }
0x416: {  	v4 =	vmul.f32 v4, v2;
	v9 =	vld [tilespmem:s0+$0xD050]  }
0x417: {  	v5 =	vmul.f32 v5, v2;
	[tilespmem:s0+$0x1070] =	vst.add.f32.msk $0xffff, v3  }
0x418: {  	v3 =	vmul.f32 v6, v2;
	v6 =	vld [tilespmem:s0+$0xD060]  }
0x419: {  	[tilespmem:s0+$0x1000] =	vst.add.f32.msk $0xffff, v4;
	v4 =	vmul.f32 v7, v2  }
.Ltmp27:
0x41a: {  	[tilespmem:s0+$0x1010] =	vst.add.f32.msk $0xffff, v5;
	v5 =	vmul.f32 v8, v2;
	(pc) =	sbr.rel @p0 .LBB2_55-.Ltmp27, $4  }
0x41b: {  	[tilespmem:s0+$0x1020] =	vst.add.f32.msk $0xffff, v3;
	v7 =	vmul.f32 v9, v2  }
0x41c: {  	[tilespmem:s0+$0x1030] =	vst.add.f32.msk $0xffff, v4  }
0x41d: {  	[tilespmem:s0+$0x1040] =	vst.add.f32.msk $0xffff, v5;
	v3 =	vmul.f32 v6, v2  }
0x41e: {  	s9 =	sadd.s32 $0x1000, s9;
	[tilespmem:s0+$0x1050] =	vst.add.f32.msk $0xffff, v7  }
0x41f: {  	[tilespmem:s0+$0x1060] =	vst.add.f32.msk $0xffff, v3  }
0x420: {  	s0 =	simm.s32 $0x0;
	v2 =	vld [tilespmem:$0x480]  }
0x421: {  	v3 =	vld [tilespmem:s0+$0xD0F0]  }
0x422: {  	v4 =	vld [tilespmem:s0+$0xD080]  }
0x423: {  	v5 =	vld [tilespmem:s0+$0xD090]  }
0x424: {  	v6 =	vld [tilespmem:s0+$0xD0A0]  }
0x425: {  	v7 =	vld [tilespmem:s0+$0xD0B0]  }
0x426: {  	v9 =	vld [tilespmem:s0+$0xD0D0];
	v3 =	vmul.f32 v3, v2  }
0x427: {  	v8 =	vld [tilespmem:s0+$0xD0C0]  }
0x428: {  	v4 =	vmul.f32 v4, v2;
	[tilespmem:s0+$0x10F0] =	vst.add.f32.msk $0xffff, v3  }
0x429: {  	v6 =	vmul.f32 v6, v2;
	v3 =	vmul.f32 v5, v2;
	v5 =	vld [tilespmem:s0+$0xD0E0]  }
0x42a: {  	[tilespmem:s0+$0x1080] =	vst.add.f32.msk $0xffff, v4  }
0x42b: {  	v63 =	vmul.f32 v9, v2;
	[tilespmem:s0+$0x10A0] =	vst.add.f32.msk $0xffff, v6  }
0x42c: {  	[tilespmem:s0+$0x1090] =	vst.add.f32.msk $0xffff, v3;
	v3 =	vmul.f32 v8, v2  }
0x42d: {  	v4 =	vmul.f32 v7, v2;
	[tilespmem:s0+$0x10D0] =	vst.add.f32.msk $0xffff, v63  }
0x42e: {  	[tilespmem:s0+$0x10C0] =	vst.add.f32.msk $0xffff, v3;
	v3 =	vmul.f32 v5, v2  }
0x42f: {  	s7 =	simm.s32 $0x0;
	s9 =	simm.s32 $0x1000;
	[tilespmem:s0+$0x10B0] =	vst.add.f32.msk $0xffff, v4  }
.LBB2_57:
0x430: {  	s7 =	sadd.s32 $0x8, s7;
	[tilespmem:s0+$0x10E0] =	vst.add.f32.msk $0xffff, v3;
	s0 =	sshra.s32 s9, $0x2  }
0x431: {  	v3 =	vld [tilespmem:s0+$0xD0F0];
	p0 =	slt.u32 s7, $0x78  }
0x432: {  	v4 =	vld [tilespmem:s0+$0xD080]  }
0x433: {  	v5 =	vld [tilespmem:s0+$0xD090]  }
0x434: {  	v6 =	vld [tilespmem:s0+$0xD0A0]  }
0x435: {  	v7 =	vld [tilespmem:s0+$0xD0B0]  }
0x436: {  	v8 =	vld [tilespmem:s0+$0xD0C0];
	v3 =	vmul.f32 v3, v2  }
0x437: {  	v4 =	vmul.f32 v4, v2;
	v9 =	vld [tilespmem:s0+$0xD0D0]  }
0x438: {  	v5 =	vmul.f32 v5, v2;
	[tilespmem:s0+$0x10F0] =	vst.add.f32.msk $0xffff, v3  }
0x439: {  	v3 =	vmul.f32 v6, v2;
	v6 =	vld [tilespmem:s0+$0xD0E0]  }
0x43a: {  	[tilespmem:s0+$0x1080] =	vst.add.f32.msk $0xffff, v4;
	v4 =	vmul.f32 v7, v2  }
.Ltmp28:
0x43b: {  	[tilespmem:s0+$0x1090] =	vst.add.f32.msk $0xffff, v5;
	v5 =	vmul.f32 v8, v2;
	(pc) =	sbr.rel @p0 .LBB2_57-.Ltmp28, $4  }
0x43c: {  	[tilespmem:s0+$0x10A0] =	vst.add.f32.msk $0xffff, v3;
	v7 =	vmul.f32 v9, v2  }
0x43d: {  	[tilespmem:s0+$0x10B0] =	vst.add.f32.msk $0xffff, v4  }
0x43e: {  	[tilespmem:s0+$0x10C0] =	vst.add.f32.msk $0xffff, v5;
	v3 =	vmul.f32 v6, v2  }
0x43f: {  	s9 =	sadd.s32 $0x1000, s9;
	[tilespmem:s0+$0x10D0] =	vst.add.f32.msk $0xffff, v7  }
0x440: {  	[tilespmem:s0+$0x10E0] =	vst.add.f32.msk $0xffff, v3  }
0x441: {  	s0 =	simm.s32 $0x0;
	v2 =	vld [tilespmem:$0x500]  }
0x442: {  	v3 =	vld [tilespmem:s0+$0xD170]  }
0x443: {  	v4 =	vld [tilespmem:s0+$0xD100]  }
0x444: {  	v5 =	vld [tilespmem:s0+$0xD110]  }
0x445: {  	v6 =	vld [tilespmem:s0+$0xD120]  }
0x446: {  	v7 =	vld [tilespmem:s0+$0xD130]  }
0x447: {  	v9 =	vld [tilespmem:s0+$0xD150];
	v3 =	vmul.f32 v3, v2  }
0x448: {  	v8 =	vld [tilespmem:s0+$0xD140]  }
0x449: {  	v4 =	vmul.f32 v4, v2;
	[tilespmem:s0+$0x1170] =	vst.add.f32.msk $0xffff, v3  }
0x44a: {  	v6 =	vmul.f32 v6, v2;
	v3 =	vmul.f32 v5, v2;
	v5 =	vld [tilespmem:s0+$0xD160]  }
0x44b: {  	[tilespmem:s0+$0x1100] =	vst.add.f32.msk $0xffff, v4  }
0x44c: {  	v63 =	vmul.f32 v9, v2;
	[tilespmem:s0+$0x1120] =	vst.add.f32.msk $0xffff, v6  }
0x44d: {  	[tilespmem:s0+$0x1110] =	vst.add.f32.msk $0xffff, v3;
	v3 =	vmul.f32 v8, v2  }
0x44e: {  	v4 =	vmul.f32 v7, v2;
	[tilespmem:s0+$0x1150] =	vst.add.f32.msk $0xffff, v63  }
0x44f: {  	[tilespmem:s0+$0x1140] =	vst.add.f32.msk $0xffff, v3;
	v3 =	vmul.f32 v5, v2  }
0x450: {  	s7 =	simm.s32 $0x0;
	s9 =	simm.s32 $0x1000;
	[tilespmem:s0+$0x1130] =	vst.add.f32.msk $0xffff, v4  }
.LBB2_59:
0x451: {  	s7 =	sadd.s32 $0x8, s7;
	[tilespmem:s0+$0x1160] =	vst.add.f32.msk $0xffff, v3;
	s0 =	sshra.s32 s9, $0x2  }
0x452: {  	v3 =	vld [tilespmem:s0+$0xD170];
	p0 =	slt.u32 s7, $0x78  }
0x453: {  	v4 =	vld [tilespmem:s0+$0xD100]  }
0x454: {  	v5 =	vld [tilespmem:s0+$0xD110]  }
0x455: {  	v6 =	vld [tilespmem:s0+$0xD120]  }
0x456: {  	v7 =	vld [tilespmem:s0+$0xD130]  }
0x457: {  	v8 =	vld [tilespmem:s0+$0xD140];
	v3 =	vmul.f32 v3, v2  }
0x458: {  	v4 =	vmul.f32 v4, v2;
	v9 =	vld [tilespmem:s0+$0xD150]  }
0x459: {  	v5 =	vmul.f32 v5, v2;
	[tilespmem:s0+$0x1170] =	vst.add.f32.msk $0xffff, v3  }
0x45a: {  	v3 =	vmul.f32 v6, v2;
	v6 =	vld [tilespmem:s0+$0xD160]  }
0x45b: {  	[tilespmem:s0+$0x1100] =	vst.add.f32.msk $0xffff, v4;
	v4 =	vmul.f32 v7, v2  }
.Ltmp29:
0x45c: {  	[tilespmem:s0+$0x1110] =	vst.add.f32.msk $0xffff, v5;
	v5 =	vmul.f32 v8, v2;
	(pc) =	sbr.rel @p0 .LBB2_59-.Ltmp29, $4  }
0x45d: {  	[tilespmem:s0+$0x1120] =	vst.add.f32.msk $0xffff, v3;
	v7 =	vmul.f32 v9, v2  }
0x45e: {  	[tilespmem:s0+$0x1130] =	vst.add.f32.msk $0xffff, v4  }
0x45f: {  	[tilespmem:s0+$0x1140] =	vst.add.f32.msk $0xffff, v5;
	v3 =	vmul.f32 v6, v2  }
0x460: {  	s9 =	sadd.s32 $0x1000, s9;
	[tilespmem:s0+$0x1150] =	vst.add.f32.msk $0xffff, v7  }
0x461: {  	[tilespmem:s0+$0x1160] =	vst.add.f32.msk $0xffff, v3  }
0x462: {  	s0 =	simm.s32 $0x0;
	v2 =	vld [tilespmem:$0x580]  }
0x463: {  	v3 =	vld [tilespmem:s0+$0xD1F0]  }
0x464: {  	v4 =	vld [tilespmem:s0+$0xD180]  }
0x465: {  	v5 =	vld [tilespmem:s0+$0xD190]  }
0x466: {  	v6 =	vld [tilespmem:s0+$0xD1A0]  }
0x467: {  	v7 =	vld [tilespmem:s0+$0xD1B0]  }
0x468: {  	v9 =	vld [tilespmem:s0+$0xD1D0];
	v3 =	vmul.f32 v3, v2  }
0x469: {  	v8 =	vld [tilespmem:s0+$0xD1C0]  }
0x46a: {  	v4 =	vmul.f32 v4, v2;
	[tilespmem:s0+$0x11F0] =	vst.add.f32.msk $0xffff, v3  }
0x46b: {  	v6 =	vmul.f32 v6, v2;
	v3 =	vmul.f32 v5, v2;
	v5 =	vld [tilespmem:s0+$0xD1E0]  }
0x46c: {  	[tilespmem:s0+$0x1180] =	vst.add.f32.msk $0xffff, v4  }
0x46d: {  	v63 =	vmul.f32 v9, v2;
	[tilespmem:s0+$0x11A0] =	vst.add.f32.msk $0xffff, v6  }
0x46e: {  	[tilespmem:s0+$0x1190] =	vst.add.f32.msk $0xffff, v3;
	v3 =	vmul.f32 v8, v2  }
0x46f: {  	v4 =	vmul.f32 v7, v2;
	[tilespmem:s0+$0x11D0] =	vst.add.f32.msk $0xffff, v63  }
0x470: {  	[tilespmem:s0+$0x11C0] =	vst.add.f32.msk $0xffff, v3;
	v3 =	vmul.f32 v5, v2  }
0x471: {  	s7 =	simm.s32 $0x0;
	s9 =	simm.s32 $0x1000;
	[tilespmem:s0+$0x11B0] =	vst.add.f32.msk $0xffff, v4  }
.LBB2_61:
0x472: {  	s7 =	sadd.s32 $0x8, s7;
	[tilespmem:s0+$0x11E0] =	vst.add.f32.msk $0xffff, v3;
	s0 =	sshra.s32 s9, $0x2  }
0x473: {  	v3 =	vld [tilespmem:s0+$0xD1F0];
	p0 =	slt.u32 s7, $0x78  }
0x474: {  	v4 =	vld [tilespmem:s0+$0xD180]  }
0x475: {  	v5 =	vld [tilespmem:s0+$0xD190]  }
0x476: {  	v6 =	vld [tilespmem:s0+$0xD1A0]  }
0x477: {  	v7 =	vld [tilespmem:s0+$0xD1B0]  }
0x478: {  	v8 =	vld [tilespmem:s0+$0xD1C0];
	v3 =	vmul.f32 v3, v2  }
0x479: {  	v4 =	vmul.f32 v4, v2;
	v9 =	vld [tilespmem:s0+$0xD1D0]  }
0x47a: {  	v5 =	vmul.f32 v5, v2;
	[tilespmem:s0+$0x11F0] =	vst.add.f32.msk $0xffff, v3  }
0x47b: {  	v3 =	vmul.f32 v6, v2;
	v6 =	vld [tilespmem:s0+$0xD1E0]  }
0x47c: {  	[tilespmem:s0+$0x1180] =	vst.add.f32.msk $0xffff, v4;
	v4 =	vmul.f32 v7, v2  }
.Ltmp30:
0x47d: {  	[tilespmem:s0+$0x1190] =	vst.add.f32.msk $0xffff, v5;
	v5 =	vmul.f32 v8, v2;
	(pc) =	sbr.rel @p0 .LBB2_61-.Ltmp30, $4  }
0x47e: {  	[tilespmem:s0+$0x11A0] =	vst.add.f32.msk $0xffff, v3;
	v7 =	vmul.f32 v9, v2  }
0x47f: {  	[tilespmem:s0+$0x11B0] =	vst.add.f32.msk $0xffff, v4  }
0x480: {  	[tilespmem:s0+$0x11C0] =	vst.add.f32.msk $0xffff, v5;
	v3 =	vmul.f32 v6, v2  }
0x481: {  	s9 =	sadd.s32 $0x1000, s9;
	[tilespmem:s0+$0x11D0] =	vst.add.f32.msk $0xffff, v7  }
0x482: {  	[tilespmem:s0+$0x11E0] =	vst.add.f32.msk $0xffff, v3  }
0x483: {  	s0 =	simm.s32 $0x0;
	v2 =	vld [tilespmem:$0x600]  }
0x484: {  	v3 =	vld [tilespmem:s0+$0xD270]  }
0x485: {  	v4 =	vld [tilespmem:s0+$0xD200]  }
0x486: {  	v5 =	vld [tilespmem:s0+$0xD210]  }
0x487: {  	v6 =	vld [tilespmem:s0+$0xD220]  }
0x488: {  	v7 =	vld [tilespmem:s0+$0xD230]  }
0x489: {  	v9 =	vld [tilespmem:s0+$0xD250];
	v3 =	vmul.f32 v3, v2  }
0x48a: {  	v8 =	vld [tilespmem:s0+$0xD240]  }
0x48b: {  	v4 =	vmul.f32 v4, v2;
	[tilespmem:s0+$0x1270] =	vst.add.f32.msk $0xffff, v3  }
0x48c: {  	v6 =	vmul.f32 v6, v2;
	v3 =	vmul.f32 v5, v2;
	v5 =	vld [tilespmem:s0+$0xD260]  }
0x48d: {  	[tilespmem:s0+$0x1200] =	vst.add.f32.msk $0xffff, v4  }
0x48e: {  	v63 =	vmul.f32 v9, v2;
	[tilespmem:s0+$0x1220] =	vst.add.f32.msk $0xffff, v6  }
0x48f: {  	[tilespmem:s0+$0x1210] =	vst.add.f32.msk $0xffff, v3;
	v3 =	vmul.f32 v8, v2  }
0x490: {  	v4 =	vmul.f32 v7, v2;
	[tilespmem:s0+$0x1250] =	vst.add.f32.msk $0xffff, v63  }
0x491: {  	[tilespmem:s0+$0x1240] =	vst.add.f32.msk $0xffff, v3;
	v3 =	vmul.f32 v5, v2  }
0x492: {  	s7 =	simm.s32 $0x0;
	s9 =	simm.s32 $0x1000;
	[tilespmem:s0+$0x1230] =	vst.add.f32.msk $0xffff, v4  }
.LBB2_63:
0x493: {  	s7 =	sadd.s32 $0x8, s7;
	[tilespmem:s0+$0x1260] =	vst.add.f32.msk $0xffff, v3;
	s0 =	sshra.s32 s9, $0x2  }
0x494: {  	v3 =	vld [tilespmem:s0+$0xD270];
	p0 =	slt.u32 s7, $0x78  }
0x495: {  	v4 =	vld [tilespmem:s0+$0xD200]  }
0x496: {  	v5 =	vld [tilespmem:s0+$0xD210]  }
0x497: {  	v6 =	vld [tilespmem:s0+$0xD220]  }
0x498: {  	v7 =	vld [tilespmem:s0+$0xD230]  }
0x499: {  	v8 =	vld [tilespmem:s0+$0xD240];
	v3 =	vmul.f32 v3, v2  }
0x49a: {  	v4 =	vmul.f32 v4, v2;
	v9 =	vld [tilespmem:s0+$0xD250]  }
0x49b: {  	v5 =	vmul.f32 v5, v2;
	[tilespmem:s0+$0x1270] =	vst.add.f32.msk $0xffff, v3  }
0x49c: {  	v3 =	vmul.f32 v6, v2;
	v6 =	vld [tilespmem:s0+$0xD260]  }
0x49d: {  	[tilespmem:s0+$0x1200] =	vst.add.f32.msk $0xffff, v4;
	v4 =	vmul.f32 v7, v2  }
.Ltmp31:
0x49e: {  	[tilespmem:s0+$0x1210] =	vst.add.f32.msk $0xffff, v5;
	v5 =	vmul.f32 v8, v2;
	(pc) =	sbr.rel @p0 .LBB2_63-.Ltmp31, $4  }
0x49f: {  	[tilespmem:s0+$0x1220] =	vst.add.f32.msk $0xffff, v3;
	v7 =	vmul.f32 v9, v2  }
0x4a0: {  	[tilespmem:s0+$0x1230] =	vst.add.f32.msk $0xffff, v4  }
0x4a1: {  	[tilespmem:s0+$0x1240] =	vst.add.f32.msk $0xffff, v5;
	v3 =	vmul.f32 v6, v2  }
0x4a2: {  	s9 =	sadd.s32 $0x1000, s9;
	[tilespmem:s0+$0x1250] =	vst.add.f32.msk $0xffff, v7  }
0x4a3: {  	[tilespmem:s0+$0x1260] =	vst.add.f32.msk $0xffff, v3  }
0x4a4: {  	s0 =	simm.s32 $0x0;
	v2 =	vld [tilespmem:$0x680]  }
0x4a5: {  	v3 =	vld [tilespmem:s0+$0xD2F0]  }
0x4a6: {  	v4 =	vld [tilespmem:s0+$0xD280]  }
0x4a7: {  	v5 =	vld [tilespmem:s0+$0xD290]  }
0x4a8: {  	v6 =	vld [tilespmem:s0+$0xD2A0]  }
0x4a9: {  	v7 =	vld [tilespmem:s0+$0xD2B0]  }
0x4aa: {  	v9 =	vld [tilespmem:s0+$0xD2D0];
	v3 =	vmul.f32 v3, v2  }
0x4ab: {  	v8 =	vld [tilespmem:s0+$0xD2C0]  }
0x4ac: {  	v4 =	vmul.f32 v4, v2;
	[tilespmem:s0+$0x12F0] =	vst.add.f32.msk $0xffff, v3  }
0x4ad: {  	v6 =	vmul.f32 v6, v2;
	v3 =	vmul.f32 v5, v2;
	v5 =	vld [tilespmem:s0+$0xD2E0]  }
0x4ae: {  	[tilespmem:s0+$0x1280] =	vst.add.f32.msk $0xffff, v4  }
0x4af: {  	v63 =	vmul.f32 v9, v2;
	[tilespmem:s0+$0x12A0] =	vst.add.f32.msk $0xffff, v6  }
0x4b0: {  	[tilespmem:s0+$0x1290] =	vst.add.f32.msk $0xffff, v3;
	v3 =	vmul.f32 v8, v2  }
0x4b1: {  	v4 =	vmul.f32 v7, v2;
	[tilespmem:s0+$0x12D0] =	vst.add.f32.msk $0xffff, v63  }
0x4b2: {  	[tilespmem:s0+$0x12C0] =	vst.add.f32.msk $0xffff, v3;
	v3 =	vmul.f32 v5, v2  }
0x4b3: {  	s7 =	simm.s32 $0x0;
	s9 =	simm.s32 $0x1000;
	[tilespmem:s0+$0x12B0] =	vst.add.f32.msk $0xffff, v4  }
.LBB2_65:
0x4b4: {  	s7 =	sadd.s32 $0x8, s7;
	[tilespmem:s0+$0x12E0] =	vst.add.f32.msk $0xffff, v3;
	s0 =	sshra.s32 s9, $0x2  }
0x4b5: {  	v3 =	vld [tilespmem:s0+$0xD2F0];
	p0 =	slt.u32 s7, $0x78  }
0x4b6: {  	v4 =	vld [tilespmem:s0+$0xD280]  }
0x4b7: {  	v5 =	vld [tilespmem:s0+$0xD290]  }
0x4b8: {  	v6 =	vld [tilespmem:s0+$0xD2A0]  }
0x4b9: {  	v7 =	vld [tilespmem:s0+$0xD2B0]  }
0x4ba: {  	v8 =	vld [tilespmem:s0+$0xD2C0];
	v3 =	vmul.f32 v3, v2  }
0x4bb: {  	v4 =	vmul.f32 v4, v2;
	v9 =	vld [tilespmem:s0+$0xD2D0]  }
0x4bc: {  	v5 =	vmul.f32 v5, v2;
	[tilespmem:s0+$0x12F0] =	vst.add.f32.msk $0xffff, v3  }
0x4bd: {  	v3 =	vmul.f32 v6, v2;
	v6 =	vld [tilespmem:s0+$0xD2E0]  }
0x4be: {  	[tilespmem:s0+$0x1280] =	vst.add.f32.msk $0xffff, v4;
	v4 =	vmul.f32 v7, v2  }
.Ltmp32:
0x4bf: {  	[tilespmem:s0+$0x1290] =	vst.add.f32.msk $0xffff, v5;
	v5 =	vmul.f32 v8, v2;
	(pc) =	sbr.rel @p0 .LBB2_65-.Ltmp32, $4  }
0x4c0: {  	[tilespmem:s0+$0x12A0] =	vst.add.f32.msk $0xffff, v3;
	v7 =	vmul.f32 v9, v2  }
0x4c1: {  	[tilespmem:s0+$0x12B0] =	vst.add.f32.msk $0xffff, v4  }
0x4c2: {  	[tilespmem:s0+$0x12C0] =	vst.add.f32.msk $0xffff, v5;
	v3 =	vmul.f32 v6, v2  }
0x4c3: {  	s9 =	sadd.s32 $0x1000, s9;
	[tilespmem:s0+$0x12D0] =	vst.add.f32.msk $0xffff, v7  }
0x4c4: {  	[tilespmem:s0+$0x12E0] =	vst.add.f32.msk $0xffff, v3  }
0x4c5: {  	s0 =	simm.s32 $0x0;
	v2 =	vld [tilespmem:$0x700]  }
0x4c6: {  	v3 =	vld [tilespmem:s0+$0xD370]  }
0x4c7: {  	v4 =	vld [tilespmem:s0+$0xD300]  }
0x4c8: {  	v5 =	vld [tilespmem:s0+$0xD310]  }
0x4c9: {  	v6 =	vld [tilespmem:s0+$0xD320]  }
0x4ca: {  	v7 =	vld [tilespmem:s0+$0xD330]  }
0x4cb: {  	v9 =	vld [tilespmem:s0+$0xD350];
	v3 =	vmul.f32 v3, v2  }
0x4cc: {  	v8 =	vld [tilespmem:s0+$0xD340]  }
0x4cd: {  	v4 =	vmul.f32 v4, v2;
	[tilespmem:s0+$0x1370] =	vst.add.f32.msk $0xffff, v3  }
0x4ce: {  	v6 =	vmul.f32 v6, v2;
	v3 =	vmul.f32 v5, v2;
	v5 =	vld [tilespmem:s0+$0xD360]  }
0x4cf: {  	[tilespmem:s0+$0x1300] =	vst.add.f32.msk $0xffff, v4  }
0x4d0: {  	v63 =	vmul.f32 v9, v2;
	[tilespmem:s0+$0x1320] =	vst.add.f32.msk $0xffff, v6  }
0x4d1: {  	[tilespmem:s0+$0x1310] =	vst.add.f32.msk $0xffff, v3;
	v3 =	vmul.f32 v8, v2  }
0x4d2: {  	v4 =	vmul.f32 v7, v2;
	[tilespmem:s0+$0x1350] =	vst.add.f32.msk $0xffff, v63  }
0x4d3: {  	[tilespmem:s0+$0x1340] =	vst.add.f32.msk $0xffff, v3;
	v3 =	vmul.f32 v5, v2  }
0x4d4: {  	s7 =	simm.s32 $0x0;
	s9 =	simm.s32 $0x1000;
	[tilespmem:s0+$0x1330] =	vst.add.f32.msk $0xffff, v4  }
.LBB2_67:
0x4d5: {  	s7 =	sadd.s32 $0x8, s7;
	[tilespmem:s0+$0x1360] =	vst.add.f32.msk $0xffff, v3;
	s0 =	sshra.s32 s9, $0x2  }
0x4d6: {  	v3 =	vld [tilespmem:s0+$0xD370];
	p0 =	slt.u32 s7, $0x78  }
0x4d7: {  	v4 =	vld [tilespmem:s0+$0xD300]  }
0x4d8: {  	v5 =	vld [tilespmem:s0+$0xD310]  }
0x4d9: {  	v6 =	vld [tilespmem:s0+$0xD320]  }
0x4da: {  	v7 =	vld [tilespmem:s0+$0xD330]  }
0x4db: {  	v8 =	vld [tilespmem:s0+$0xD340];
	v3 =	vmul.f32 v3, v2  }
0x4dc: {  	v4 =	vmul.f32 v4, v2;
	v9 =	vld [tilespmem:s0+$0xD350]  }
0x4dd: {  	v5 =	vmul.f32 v5, v2;
	[tilespmem:s0+$0x1370] =	vst.add.f32.msk $0xffff, v3  }
0x4de: {  	v3 =	vmul.f32 v6, v2;
	v6 =	vld [tilespmem:s0+$0xD360]  }
0x4df: {  	[tilespmem:s0+$0x1300] =	vst.add.f32.msk $0xffff, v4;
	v4 =	vmul.f32 v7, v2  }
.Ltmp33:
0x4e0: {  	[tilespmem:s0+$0x1310] =	vst.add.f32.msk $0xffff, v5;
	v5 =	vmul.f32 v8, v2;
	(pc) =	sbr.rel @p0 .LBB2_67-.Ltmp33, $4  }
0x4e1: {  	[tilespmem:s0+$0x1320] =	vst.add.f32.msk $0xffff, v3;
	v7 =	vmul.f32 v9, v2  }
0x4e2: {  	[tilespmem:s0+$0x1330] =	vst.add.f32.msk $0xffff, v4  }
0x4e3: {  	[tilespmem:s0+$0x1340] =	vst.add.f32.msk $0xffff, v5;
	v3 =	vmul.f32 v6, v2  }
0x4e4: {  	s9 =	sadd.s32 $0x1000, s9;
	[tilespmem:s0+$0x1350] =	vst.add.f32.msk $0xffff, v7  }
0x4e5: {  	[tilespmem:s0+$0x1360] =	vst.add.f32.msk $0xffff, v3  }
0x4e6: {  	s0 =	simm.s32 $0x0;
	v2 =	vld [tilespmem:$0x780]  }
0x4e7: {  	v3 =	vld [tilespmem:s0+$0xD3F0]  }
0x4e8: {  	v4 =	vld [tilespmem:s0+$0xD380]  }
0x4e9: {  	v5 =	vld [tilespmem:s0+$0xD390]  }
0x4ea: {  	v6 =	vld [tilespmem:s0+$0xD3A0]  }
0x4eb: {  	v7 =	vld [tilespmem:s0+$0xD3B0]  }
0x4ec: {  	v9 =	vld [tilespmem:s0+$0xD3D0];
	v3 =	vmul.f32 v3, v2  }
0x4ed: {  	v8 =	vld [tilespmem:s0+$0xD3C0]  }
0x4ee: {  	v4 =	vmul.f32 v4, v2;
	[tilespmem:s0+$0x13F0] =	vst.add.f32.msk $0xffff, v3  }
0x4ef: {  	v6 =	vmul.f32 v6, v2;
	v3 =	vmul.f32 v5, v2;
	v5 =	vld [tilespmem:s0+$0xD3E0]  }
0x4f0: {  	[tilespmem:s0+$0x1380] =	vst.add.f32.msk $0xffff, v4  }
0x4f1: {  	v63 =	vmul.f32 v9, v2;
	[tilespmem:s0+$0x13A0] =	vst.add.f32.msk $0xffff, v6  }
0x4f2: {  	[tilespmem:s0+$0x1390] =	vst.add.f32.msk $0xffff, v3;
	v3 =	vmul.f32 v8, v2  }
0x4f3: {  	v4 =	vmul.f32 v7, v2;
	[tilespmem:s0+$0x13D0] =	vst.add.f32.msk $0xffff, v63  }
0x4f4: {  	[tilespmem:s0+$0x13C0] =	vst.add.f32.msk $0xffff, v3;
	v3 =	vmul.f32 v5, v2  }
0x4f5: {  	s7 =	simm.s32 $0x0;
	s9 =	simm.s32 $0x1000;
	[tilespmem:s0+$0x13B0] =	vst.add.f32.msk $0xffff, v4  }
.LBB2_69:
0x4f6: {  	s7 =	sadd.s32 $0x8, s7;
	[tilespmem:s0+$0x13E0] =	vst.add.f32.msk $0xffff, v3;
	s0 =	sshra.s32 s9, $0x2  }
0x4f7: {  	v3 =	vld [tilespmem:s0+$0xD3F0];
	p0 =	slt.u32 s7, $0x78  }
0x4f8: {  	v4 =	vld [tilespmem:s0+$0xD380]  }
0x4f9: {  	v5 =	vld [tilespmem:s0+$0xD390]  }
0x4fa: {  	v6 =	vld [tilespmem:s0+$0xD3A0]  }
0x4fb: {  	v7 =	vld [tilespmem:s0+$0xD3B0]  }
0x4fc: {  	v8 =	vld [tilespmem:s0+$0xD3C0];
	v3 =	vmul.f32 v3, v2  }
0x4fd: {  	v4 =	vmul.f32 v4, v2;
	v9 =	vld [tilespmem:s0+$0xD3D0]  }
0x4fe: {  	v5 =	vmul.f32 v5, v2;
	[tilespmem:s0+$0x13F0] =	vst.add.f32.msk $0xffff, v3  }
0x4ff: {  	v3 =	vmul.f32 v6, v2;
	v6 =	vld [tilespmem:s0+$0xD3E0]  }
0x500: {  	[tilespmem:s0+$0x1380] =	vst.add.f32.msk $0xffff, v4;
	v4 =	vmul.f32 v7, v2  }
.Ltmp34:
0x501: {  	[tilespmem:s0+$0x1390] =	vst.add.f32.msk $0xffff, v5;
	v5 =	vmul.f32 v8, v2;
	(pc) =	sbr.rel @p0 .LBB2_69-.Ltmp34, $4  }
0x502: {  	[tilespmem:s0+$0x13A0] =	vst.add.f32.msk $0xffff, v3;
	v7 =	vmul.f32 v9, v2  }
0x503: {  	[tilespmem:s0+$0x13B0] =	vst.add.f32.msk $0xffff, v4  }
0x504: {  	[tilespmem:s0+$0x13C0] =	vst.add.f32.msk $0xffff, v5;
	v3 =	vmul.f32 v6, v2  }
0x505: {  	s9 =	sadd.s32 $0x1000, s9;
	[tilespmem:s0+$0x13D0] =	vst.add.f32.msk $0xffff, v7  }
0x506: {  	[tilespmem:s0+$0x13E0] =	vst.add.f32.msk $0xffff, v3  }
0x507: {  	s0 =	rddreg [dreg:$0xa]  }
0x508: {  	[hbm4b:s0+s5] =	stream.linear.scatter [tilespmem:s23], [sflag:$0x7], $0x4000, $0x38;
	[tilespmem:$0x19000] =	vst v63  }
0x509: {  	_ =	swait.ge [sflag:s3], $0x4000  }
0x50a: {  	[sflag:s3] =	ssyncset.done $0x0  }
0x50b: {  	s19 =	simm.s32 $0x9;
	[sflag:s3] =	ssyncadd.s32 $0xFFFFC000  }
0x50c: {  	_ =	swait.ge [sflag:s19], $0x4000  }
0x50d: {  	[sflag:s19] =	ssyncset.done $0x0  }
0x50e: {  	[sflag:s19] =	ssyncadd.s32 $0xFFFFC000  }
0x50f: {  	_ =	swait.ge [sflag:s28], $0x4000  }
0x510: {  	s1 =	rddreg [dreg:$0xc]  }
0x511: {  	s20 =	rddreg [dreg:$0xb];
	s1 =	sadd.s32 $0x1, s1  }
0x512: {  	p0 =	sne.s32 s1, s20  }
.Ltmp35:
0x513: {  	_ = 	snop;
	(pc) =	sbr.rel @p0 .LBB2_1-.Ltmp35, $3  }
0x514: {  	_ =	sdelay $0x1  }
0x515: {  	[sflag:s28] =	ssyncset.done $0x0  }
0x516: {  	[sflag:s28] =	ssyncadd.s32 $0xFFFFC000  }
0x517: {  	_ =	sfence.sel $0x180000  }
0x518: {  	[bflag:$0x0] =	sbarrier.arrive $0xFFFF  }
0x519: {  	_ =	strace $0x90000047  }
0x51a: {  	s0 =	stileid.u32;
	[bflag:$0x2] =	sbarrier.arrive $0xFFFF  }
0x51b: {  	p0 =	sne.s32 s0, $0x0;
	s0 =	rddreg [dreg:$0x4]  }
0x51c: {  	s0 =	sadd.s32 @!p0 $0x100000, s0  }
0x51d: {  	[sflag:s0] =	ssyncadd.tile.s32 @!p0 $0x1;
	_ =	shalt  }
.Lfunc_end2:
_tile_overlayer_lowered:
.L_overlay_start_2:
0x51e: {  	(tag) =	ssettag $0x2  }
0x51f: {  	s0 =	rddreg [dreg:$0x0];
	s2 =	stileid.u32  }
0x520: {  	s1 =	rddreg [dreg:$0x1];
	p0 =	sne.s32 s2, $0x0  }
0x521: {  	s3 =	rddreg [dreg:$0x2];
	[bflag:$0x3] =	sbarrier.arrive $0xFFFF;
	s2 =	simm.s32 @!p0 $0x1C0D  }
0x522: {  	[timem:s3], [sflag:s2] =	dma.local @!p0 [hbm:s0], s1  }
0x523: {  	s0 =	simm.s32 @!p0 $0xD  }
0x524: {  	_ =	swait.ge @!p0 [sflag:s0], s1  }
0x525: {  	s1 =	ssub.s32 @!p0 $0x0, s1;
	[sflag:s0] =	ssyncset.done @!p0 $0x0  }
0x526: {  	[sflag:s0] =	ssyncadd.s32 @!p0 s1  }
0x527: {  	[bflag:$0x3] =	sbarrier.arrive $0xFFFF  }
0x528: {  	_ =	shalt  }

</sc_bundles>
